<compile_context>
chip_gen: v7x
topology: tpu7x:2x2x1
jax: 0.10.2.dev20260603
libtpu: 0.0.44.dev20260713+nightly
codegen_flags: <defaults>
</compile_context>

<pallas_src>
import functools

import jax
import jax.numpy as jnp
from jax import lax
from jax.experimental import pallas as pl
from jax.experimental.pallas import tpu as pltpu
from jax.experimental.pallas import tpu_sc as plsc

N_NODES = 10000
NPAD = 10240
IN_CH = 256
HID = 512
NC = 2
NS = 16
NW = NC * NS
CHUNK = 128
EPAD = 163840
NQ = 4
QW = IN_CH // NQ
NSEG = NPAD // NS


def _sc_mesh():
    return plsc.VectorSubcoreMesh(
        core_axis_name="c", subcore_axis_name="s", num_cores=NC, num_subcores=NS
    )


def _sc_degree(dst2d):
    rows_w = EPAD // NW // CHUNK

    @functools.partial(
        pl.kernel,
        out_type=jax.ShapeDtypeStruct((NC * NPAD,), jnp.float32),
        mesh=_sc_mesh(),
        scratch_types=[
            pltpu.VMEM((rows_w, CHUNK), jnp.int32),
            pltpu.VMEM((CHUNK,), jnp.float32),
            pltpu.VMEM((NSEG,), jnp.float32),
            pltpu.VMEM_SHARED((NPAD,), jnp.float32),
            pltpu.SemaphoreType.DMA,
        ],
    )
    def k(dst_hbm, out_hbm, idx_v, ones_v, stage_v, acc, sem):
        c = lax.axis_index("c")
        s = lax.axis_index("s")
        w = c * NS + s
        ones16 = jnp.ones((16,), jnp.float32)
        zero16 = jnp.zeros((16,), jnp.float32)
        for j in range(CHUNK // 16):
            ones_v[pl.ds(j * 16, 16)] = ones16

        def zfill(i, carry):
            stage_v[pl.ds(i * 16, 16)] = zero16
            return carry

        lax.fori_loop(0, NSEG // 16, zfill, 0)
        pltpu.sync_copy(stage_v, acc.at[pl.ds(s * NSEG, NSEG)])
        pltpu.sync_copy(dst_hbm.at[pl.ds(w * rows_w, rows_w)], idx_v)
        plsc.subcore_barrier()

        def fire(j, carry):
            pltpu.async_copy(ones_v, acc.at[idx_v.at[j]], sem, add=True)
            return carry

        lax.fori_loop(0, rows_w, fire, 0)

        def drain(j, carry):
            pltpu.make_async_copy(ones_v, acc.at[idx_v.at[0]], sem).wait()
            return carry

        lax.fori_loop(0, rows_w, drain, 0)
        plsc.subcore_barrier()
        pltpu.sync_copy(acc.at[pl.ds(s * NSEG, NSEG)], stage_v)
        pltpu.sync_copy(stage_v, out_hbm.at[pl.ds(c * NPAD + s * NSEG, NSEG)])

    return k(dst2d)


def _sc_rowscatter(src2d, dst2d, xs_st):
    rows_t = EPAD // NS // CHUNK

    @functools.partial(
        pl.kernel,
        out_type=jax.ShapeDtypeStruct((NQ * NPAD, QW), jnp.float32),
        mesh=_sc_mesh(),
        scratch_types=[
            pltpu.VMEM((rows_t, CHUNK), jnp.int32),
            pltpu.VMEM((rows_t, CHUNK), jnp.int32),
            pltpu.VMEM((CHUNK, QW), jnp.float32),
            pltpu.VMEM((CHUNK, QW), jnp.float32),
            pltpu.VMEM((CHUNK, QW), jnp.float32),
            pltpu.VMEM_SHARED((NPAD, QW), jnp.float32),
            pltpu.SemaphoreType.DMA,
            pltpu.SemaphoreType.DMA,
            pltpu.SemaphoreType.DMA,
        ],
        compiler_params=pltpu.CompilerParams(use_tc_tiling_on_sc=False),
    )
    def k(src_hbm, dst_hbm, xs_hbm, out_hbm, srcb, dstb, rowb, rowb1, rowb2,
          acc, gs0, gs1, gs2):
        c = lax.axis_index("c")
        s = lax.axis_index("s")
        zero16 = jnp.zeros((16,), jnp.float32)
        coff = jnp.broadcast_to(c * (2 * NPAD), (16,)).astype(jnp.int32)
        noff = jnp.broadcast_to(NPAD, (16,)).astype(jnp.int32)

        pltpu.sync_copy(src_hbm.at[pl.ds(s * rows_t, rows_t)], srcb)
        pltpu.sync_copy(dst_hbm.at[pl.ds(s * rows_t, rows_t)], dstb)

        def shift(i, carry):
            for j in range(CHUNK // 16):
                sl = pl.ds(j * 16, 16)
                srcb[i, sl] = srcb[i, sl] + coff
            return carry

        lax.fori_loop(0, rows_t, shift, 0)

        def shiftn(i, carry):
            for j in range(CHUNK // 16):
                sl = pl.ds(j * 16, 16)
                srcb[i, sl] = srcb[i, sl] + noff
            return carry

        pltpu.async_copy(xs_hbm.at[srcb.at[0]], rowb, gs0)
        pltpu.async_copy(xs_hbm.at[srcb.at[1]], rowb1, gs1)

        for q in range(2):
            if q == 0:
                bufs = (rowb, rowb1, rowb2)
                gsems = (gs0, gs1, gs2)
            else:
                bufs = (rowb1, rowb, rowb2)
                gsems = (gs1, gs0, gs2)
            zbuf = rowb2

            def zfill(i, carry):
                for j in range(QW // 16):
                    zbuf[i, pl.ds(j * 16, 16)] = zero16
                return carry

            lax.fori_loop(0, CHUNK, zfill, 0)

            def zacc(i, carry):
                pltpu.sync_copy(zbuf, acc.at[pl.ds(s * NSEG + i * CHUNK, CHUNK)])
                return carry

            lax.fori_loop(0, NSEG // CHUNK, zacc, 0)
            plsc.subcore_barrier()

            def gwait(b):
                pltpu.make_async_copy(
                    xs_hbm.at[srcb.at[0]], bufs[b], gsems[b]).wait()

            def body(jj, carry):
                for b in range(3):
                    j = jj * 3 + b
                    gwait(b)
                    jn = lax.rem(j + 2, rows_t)
                    pltpu.async_copy(xs_hbm.at[srcb.at[jn]], bufs[(b + 2) % 3],
                                     gsems[(b + 2) % 3])
                    pltpu.sync_copy(bufs[b], acc.at[dstb.at[j]], add=True)
                return carry

            lax.fori_loop(0, (rows_t - 2) // 3, body, 0)
            for j in (rows_t - 2, rows_t - 1):
                b = j % 3
                gwait(b)
                pltpu.sync_copy(bufs[b], acc.at[dstb.at[j]], add=True)
            plsc.subcore_barrier()

            if q == 0:
                lax.fori_loop(0, rows_t, shiftn, 0)
                pltpu.async_copy(xs_hbm.at[srcb.at[0]], rowb1, gs1)
                pltpu.async_copy(xs_hbm.at[srcb.at[1]], rowb, gs0)

            def drain(i, carry):
                sl = pl.ds(s * NSEG + i * CHUNK, CHUNK)
                pltpu.sync_copy(acc.at[sl], zbuf)
                pltpu.sync_copy(
                    zbuf,
                    out_hbm.at[pl.ds((2 * c + q) * NPAD + s * NSEG + i * CHUNK, CHUNK)],
                )
                return carry

            lax.fori_loop(0, NSEG // CHUNK, drain, 0)

    return k(src2d, dst2d, xs_st)


def _sc_scalar_scatter(src2d, dst2d, ys):
    rows_w = EPAD // NW // CHUNK

    @functools.partial(
        pl.kernel,
        out_type=jax.ShapeDtypeStruct((NC * NPAD,), jnp.float32),
        mesh=_sc_mesh(),
        scratch_types=[
            pltpu.VMEM((rows_w, CHUNK), jnp.int32),
            pltpu.VMEM((rows_w, CHUNK), jnp.int32),
            pltpu.VMEM((rows_w, CHUNK), jnp.float32),
            pltpu.VMEM((NSEG,), jnp.float32),
            pltpu.VMEM_SHARED((NPAD,), jnp.float32),
            pltpu.SemaphoreType.DMA,
        ],
    )
    def k(src_hbm, dst_hbm, ys_hbm, out_hbm, srcb, dstb, vals, stage_v, acc, sem):
        c = lax.axis_index("c")
        s = lax.axis_index("s")
        w = c * NS + s
        zero16 = jnp.zeros((16,), jnp.float32)

        def zfill(i, carry):
            stage_v[pl.ds(i * 16, 16)] = zero16
            return carry

        lax.fori_loop(0, NSEG // 16, zfill, 0)
        pltpu.sync_copy(stage_v, acc.at[pl.ds(s * NSEG, NSEG)])
        pltpu.sync_copy(src_hbm.at[pl.ds(w * rows_w, rows_w)], srcb)
        pltpu.sync_copy(dst_hbm.at[pl.ds(w * rows_w, rows_w)], dstb)

        def gfire(j, carry):
            pltpu.async_copy(ys_hbm.at[srcb.at[j]], vals.at[j], sem)
            return carry

        lax.fori_loop(0, rows_w, gfire, 0)

        def gdrain(j, carry):
            pltpu.make_async_copy(ys_hbm.at[srcb.at[0]], vals.at[0], sem).wait()
            return carry

        lax.fori_loop(0, rows_w, gdrain, 0)
        plsc.subcore_barrier()

        def sfire(j, carry):
            pltpu.async_copy(vals.at[j], acc.at[dstb.at[j]], sem, add=True)
            return carry

        lax.fori_loop(0, rows_w, sfire, 0)

        def sdrain(j, carry):
            pltpu.make_async_copy(vals.at[0], acc.at[dstb.at[0]], sem).wait()
            return carry

        lax.fori_loop(0, rows_w, sdrain, 0)
        plsc.subcore_barrier()
        pltpu.sync_copy(acc.at[pl.ds(s * NSEG, NSEG)], stage_v)
        pltpu.sync_copy(stage_v, out_hbm.at[pl.ds(c * NPAD + s * NSEG, NSEG)])

    return k(src2d, dst2d, ys)


def _tc_prep(degp, x_pad):
    BM = 2048
    nb = NPAD // BM

    def body(dp0_ref, dp1_ref, x_ref, dinv_ref, xs_ref):
        deg = 1.0 + dp0_ref[...] + dp1_ref[...]
        dinv = lax.rsqrt(deg)
        dinv_ref[...] = dinv
        for q in range(NQ):
            xs_ref[q] = x_ref[:, pl.ds(q * QW, QW)] * dinv

    dinv, xs4 = pl.pallas_call(
        body,
        grid=(nb,),
        in_specs=[
            pl.BlockSpec((BM, 1), lambda i: (i, 0)),
            pl.BlockSpec((BM, 1), lambda i: (nb + i, 0)),
            pl.BlockSpec((BM, IN_CH), lambda i: (i, 0)),
        ],
        out_specs=[
            pl.BlockSpec((BM, 1), lambda i: (i, 0)),
            pl.BlockSpec((NQ, BM, QW), lambda i: (0, i, 0)),
        ],
        out_shape=[
            jax.ShapeDtypeStruct((NPAD, 1), jnp.float32),
            jax.ShapeDtypeStruct((NQ, NPAD, QW), jnp.float32),
        ],
    )(degp, degp, x_pad)
    return dinv, xs4.reshape(NQ * NPAD, QW)


def _tc_mlp(p0_st, xs_st, dinv, W1, b1, W2):
    BM = 1024
    nb = NPAD // BM

    def body(p0a, p0b, p0c, p0d, xsa, xsb, xsc, xsd, dinv_ref, w1_ref, b1_ref,
             w2_ref, ys_ref):
        dinv = dinv_ref[...]
        p0q = (p0a, p0b, p0c, p0d)
        xsq = (xsa, xsb, xsc, xsd)
        p = jnp.concatenate(
            [(p0q[q][...] + xsq[q][...]) * dinv for q in range(NQ)], axis=1)
        h = jnp.dot(p, w1_ref[...], preferred_element_type=jnp.float32)
        h = jnp.maximum(h + b1_ref[...], 0.0)
        y = jnp.dot(h, w2_ref[...], preferred_element_type=jnp.float32)
        ys_ref[...] = y * dinv

    def qspec(q):
        return pl.BlockSpec((BM, QW), lambda i, q=q: (q * nb + i, 0))

    return pl.pallas_call(
        body,
        grid=(nb,),
        in_specs=[qspec(q) for q in range(NQ)] * 2 + [
            pl.BlockSpec((BM, 1), lambda i: (i, 0)),
            pl.BlockSpec((IN_CH, HID), lambda i: (0, 0)),
            pl.BlockSpec((1, HID), lambda i: (0, 0)),
            pl.BlockSpec((HID, 1), lambda i: (0, 0)),
        ],
        out_specs=pl.BlockSpec((BM, 1), lambda i: (i, 0)),
        out_shape=jax.ShapeDtypeStruct((NPAD, 1), jnp.float32),
    )(p0_st, p0_st, p0_st, p0_st, xs_st, xs_st, xs_st, xs_st,
      dinv, W1, b1, W2)


def _tc_final(oparts, ys, dinv, b2):
    BM = 1024
    nb = NPAD // BM

    def body(op0_ref, op1_ref, ys_ref, dinv_ref, b2_ref, out_ref):
        acc = op0_ref[...] + op1_ref[...] + ys_ref[...]
        out_ref[...] = dinv_ref[...] * acc + b2_ref[...]

    return pl.pallas_call(
        body,
        grid=(nb,),
        in_specs=[
            pl.BlockSpec((BM, 1), lambda i: (i, 0)),
            pl.BlockSpec((BM, 1), lambda i: (nb + i, 0)),
            pl.BlockSpec((BM, 1), lambda i: (i, 0)),
            pl.BlockSpec((BM, 1), lambda i: (i, 0)),
            pl.BlockSpec((1, 1), lambda i: (0, 0)),
        ],
        out_specs=pl.BlockSpec((BM, 1), lambda i: (i, 0)),
        out_shape=jax.ShapeDtypeStruct((NPAD, 1), jnp.float32),
    )(oparts, oparts, ys, dinv, b2)


def kernel(x, edge_index, W1, b1, W2, b2):
    n = x.shape[0]
    e = edge_index.shape[1]
    src = edge_index[0].astype(jnp.int32)
    dst = edge_index[1].astype(jnp.int32)
    pad_id = NPAD - 1
    src = jnp.pad(src, (0, EPAD - e), constant_values=pad_id)
    dst = jnp.pad(dst, (0, EPAD - e), constant_values=pad_id)
    src2d = src.reshape(EPAD // CHUNK, CHUNK)
    dst2d = dst.reshape(EPAD // CHUNK, CHUNK)
    x_pad = jnp.pad(x, ((0, NPAD - n), (0, 0)))

    degp = _sc_degree(dst2d).reshape(NC * NPAD, 1)
    dinv, xs_st = _tc_prep(degp, x_pad)
    p0_st = _sc_rowscatter(src2d, dst2d, xs_st)
    ys = _tc_mlp(p0_st, xs_st, dinv, W1, b1.reshape(1, HID), W2)
    op = _sc_scalar_scatter(src2d, dst2d, ys.reshape(NPAD))
    out = _tc_final(op.reshape(NC * NPAD, 1), ys, dinv, b2.reshape(1, 1))
    return out[:n]

# --- scband reference (transcript-rebuilt; emitter-appended) ---
"""Pipeline reference for scband-gcn-73392401154341 (READ-ONLY COPY).

The authoritative reference and input builder live on the scoring server;
editing this copy changes nothing except your own understanding.
"""

import jax, jax.numpy as jnp
import numpy as np

N_NODES = 10000
N_EDGES = 160000
IN_CH = 256
HID_CH = 512
OUT_CH = 1


def setup_inputs(seed: int = 0) -> dict:
    key = jax.random.key(seed)
    k1, k2, k3, k4, k5, k6 = jax.random.split(key, 6)
    x = jax.random.normal(k1, (N_NODES, IN_CH), dtype=jnp.float32)
    edge_index = jax.random.randint(k2, (2, N_EDGES), 0, N_NODES, dtype=jnp.int64)
    # GCNConv parameters (glorot-style scale)
    W1 = jax.random.normal(k3, (IN_CH, HID_CH), dtype=jnp.float32) * (1.0 / np.sqrt(IN_CH))
    b1 = jnp.zeros((HID_CH,), dtype=jnp.float32)
    W2 = jax.random.normal(k4, (HID_CH, OUT_CH), dtype=jnp.float32) * (1.0 / np.sqrt(HID_CH))
    b2 = jnp.zeros((OUT_CH,), dtype=jnp.float32)
    return {"x": x, "edge_index": edge_index, "W1": W1, "b1": b1, "W2": W2, "b2": b2}


def _gcn_conv(x, src, dst, W, b, num_nodes):
    # GCNConv: out = D^{-1/2} (A + I) D^{-1/2} X W + b
    # self-loops are appended to src/dst by caller once
    x = x @ W
    ones = jnp.ones(dst.shape[0], dtype=x.dtype)
    deg = jax.ops.segment_sum(ones, dst, num_segments=num_nodes)
    deg_inv_sqrt = jnp.where(deg > 0, deg ** -0.5, 0.0)
    norm = deg_inv_sqrt[src] * deg_inv_sqrt[dst]
    msg = x[src] * norm[:, None]
    out = jax.ops.segment_sum(msg, dst, num_segments=num_nodes)
    return out + b


def reference(x, edge_index, W1, b1, W2, b2):
    num_nodes = x.shape[0]
    loop = jnp.arange(num_nodes, dtype=edge_index.dtype)
    src = jnp.concatenate([edge_index[0], loop])
    dst = jnp.concatenate([edge_index[1], loop])
    h = _gcn_conv(x, src, dst, W1, b1, num_nodes)
    h = jax.nn.relu(h)
    # F.dropout(p=0.5, training=self.training) -> identity in eval mode
    out = _gcn_conv(h, src, dst, W2, b2, num_nodes)
    return out

if __name__ == "__main__":
    import jax
    _d = setup_inputs()
    print(jax.jit(kernel)(*tuple(_d.values())))

</pallas_src>

<mosaic_0001>
#map = affine_map<(d0, d1) -> (0, 0)>
module attributes {stable_mosaic.version = 14 : i64} {
  func.func @k(%arg0: i32, %arg1: i32, %arg2: memref<1280x128xi32, #tpu.memory_space<hbm>>, %arg3: memref<1280x128xi32, #tpu.memory_space<hbm>>, %arg4: memref<40960x64xf32, #tpu.memory_space<hbm>>, %arg5: memref<40960x64xf32, #tpu.memory_space<hbm>>, %arg6: memref<80x128xi32, #tpu.memory_space<vmem>>, %arg7: memref<80x128xi32, #tpu.memory_space<vmem>>, %arg8: memref<128x64xf32, #tpu.memory_space<vmem>>, %arg9: memref<128x64xf32, #tpu.memory_space<vmem>>, %arg10: memref<128x64xf32, #tpu.memory_space<vmem>>, %arg11: memref<10240x64xf32, #tpu.memory_space<vmem_shared>>, %arg12: memref<!tpu.dma_semaphore, #tpu.memory_space<semaphore_mem>>, %arg13: memref<!tpu.dma_semaphore, #tpu.memory_space<semaphore_mem>>, %arg14: memref<!tpu.dma_semaphore, #tpu.memory_space<semaphore_mem>>) attributes {dimension_semantics = [#tpu.dimension_semantics<core_parallel>, #tpu.dimension_semantics<subcore_parallel>], iteration_bounds = array<i64: 2, 16>, scalar_prefetch = 0 : i64, scratch_operands = 9 : i64, tpu.core_type = #tpu.core_type<sc_vector_subcore>, window_params = [{transform_indices = #map}, {transform_indices = #map}, {transform_indices = #map}, {transform_indices = #map}]} {
    %broadcast_in_dim3A = arith.constant 0.000000e+00 : f32
    %broadcast_in_dim3A_0 = vector.broadcast %broadcast_in_dim3A : f32 to vector<16xf32>
    %mul3A = arith.constant 20480 : i32
    %mul3A_1 = arith.muli %arg0, %mul3A : i32
    %broadcast_in_dim3A_2 = vector.broadcast %mul3A_1 : i32 to vector<16xi32>
    %broadcast_in_dim3A_3 = arith.constant 10240 : i32
    %broadcast_in_dim3A_4 = vector.broadcast %broadcast_in_dim3A_3 : i32 to vector<16xi32>
    %mul3A_5 = arith.constant 80 : i32
    %mul3A_6 = arith.muli %arg1, %mul3A_5 : i32
    "tpu.region"() ({
      %run_scoped3A_128 = tpu.sem_alloc : memref<!tpu.dma_semaphore, #tpu.memory_space<semaphore_mem>>
      %dma_start3A_129 = arith.constant 0 : i32
      %dma_start3A_130 = tpu.memref_slice %arg2[%mul3A_6, %dma_start3A_129] : memref<1280x128xi32, #tpu.memory_space<hbm>> -> memref<80x128xi32, #tpu.memory_space<hbm>>
      %dma_start3A_131 = arith.constant 0 : i32
      %dma_start3A_132 = tpu.memref_slice %arg2[%mul3A_6, %dma_start3A_131] : memref<1280x128xi32, #tpu.memory_space<hbm>> -> memref<80x128xi32, #tpu.memory_space<hbm>>
      tpu.enqueue_dma source(%dma_start3A_132 : memref<80x128xi32, #tpu.memory_space<hbm>>) target(%arg6 : memref<80x128xi32, #tpu.memory_space<vmem>>) target_semaphore(%run_scoped3A_128 : memref<!tpu.dma_semaphore, #tpu.memory_space<semaphore_mem>>)
      %dma_wait3A_133 = arith.constant 0 : i32
      %dma_wait3A_134 = tpu.memref_slice %arg2[%mul3A_6, %dma_wait3A_133] : memref<1280x128xi32, #tpu.memory_space<hbm>> -> memref<80x128xi32, #tpu.memory_space<hbm>>
      %dma_wait3A_135 = arith.constant 0 : i32
      %dma_wait3A_136 = tpu.memref_slice %arg2[%mul3A_6, %dma_wait3A_135] : memref<1280x128xi32, #tpu.memory_space<hbm>> -> memref<80x128xi32, #tpu.memory_space<hbm>>
      tpu.wait_dma2 semaphore(%run_scoped3A_128 : memref<!tpu.dma_semaphore, #tpu.memory_space<semaphore_mem>>) src(%dma_wait3A_136 : memref<80x128xi32, #tpu.memory_space<hbm>>) dst(%arg6 : memref<80x128xi32, #tpu.memory_space<vmem>>)
      tpu.yield
    }) : () -> ()
    %mul3A_7 = arith.constant 80 : i32
    %mul3A_8 = arith.muli %arg1, %mul3A_7 : i32
    "tpu.region"() ({
      %run_scoped3A_128 = tpu.sem_alloc : memref<!tpu.dma_semaphore, #tpu.memory_space<semaphore_mem>>
      %dma_start3A_129 = arith.constant 0 : i32
      %dma_start3A_130 = tpu.memref_slice %arg3[%mul3A_8, %dma_start3A_129] : memref<1280x128xi32, #tpu.memory_space<hbm>> -> memref<80x128xi32, #tpu.memory_space<hbm>>
      %dma_start3A_131 = arith.constant 0 : i32
      %dma_start3A_132 = tpu.memref_slice %arg3[%mul3A_8, %dma_start3A_131] : memref<1280x128xi32, #tpu.memory_space<hbm>> -> memref<80x128xi32, #tpu.memory_space<hbm>>
      tpu.enqueue_dma source(%dma_start3A_132 : memref<80x128xi32, #tpu.memory_space<hbm>>) target(%arg7 : memref<80x128xi32, #tpu.memory_space<vmem>>) target_semaphore(%run_scoped3A_128 : memref<!tpu.dma_semaphore, #tpu.memory_space<semaphore_mem>>)
      %dma_wait3A_133 = arith.constant 0 : i32
      %dma_wait3A_134 = tpu.memref_slice %arg3[%mul3A_8, %dma_wait3A_133] : memref<1280x128xi32, #tpu.memory_space<hbm>> -> memref<80x128xi32, #tpu.memory_space<hbm>>
      %dma_wait3A_135 = arith.constant 0 : i32
      %dma_wait3A_136 = tpu.memref_slice %arg3[%mul3A_8, %dma_wait3A_135] : memref<1280x128xi32, #tpu.memory_space<hbm>> -> memref<80x128xi32, #tpu.memory_space<hbm>>
      tpu.wait_dma2 semaphore(%run_scoped3A_128 : memref<!tpu.dma_semaphore, #tpu.memory_space<semaphore_mem>>) src(%dma_wait3A_136 : memref<80x128xi32, #tpu.memory_space<hbm>>) dst(%arg7 : memref<80x128xi32, #tpu.memory_space<vmem>>)
      tpu.yield
    }) : () -> ()
    %scan3A = arith.constant 0 : i32
    %scan3A_9 = arith.constant 0 : i32
    %scan3A_10 = arith.constant 80 : i32
    %scan3A_11 = arith.addi %scan3A_9, %scan3A_10 : i32
    %scan3A_12 = arith.constant 1 : i32
    scf.for %scan3A_128 = %scan3A_9 to %scan3A_11 step %scan3A_12  : i32 {
      %get3A = arith.index_cast %scan3A_128 : i32 to index
      %get3A_129 = arith.constant 0 : index
      %get3A_130 = tpu.vector_load %arg6[%get3A, %get3A_129] {strides = array<i32>} : memref<80x128xi32, #tpu.memory_space<vmem>>, vector<1x16xi32>,
      %get3A_131 = vector.shape_cast %get3A_130 : vector<1x16xi32> to vector<16xi32>
      %add3A = arith.addi %get3A_131, %broadcast_in_dim3A_2 : vector<16xi32>
      %swap3A = arith.index_cast %scan3A_128 : i32 to index
      %swap3A_132 = arith.constant 0 : index
      %swap3A_133 = tpu.vector_load %arg6[%swap3A, %swap3A_132] {strides = array<i32>} : memref<80x128xi32, #tpu.memory_space<vmem>>, vector<1x16xi32>,
      %swap3A_134 = vector.shape_cast %swap3A_133 : vector<1x16xi32> to vector<16xi32>
      %swap3A_135 = vector.shape_cast %add3A : vector<16xi32> to vector<1x16xi32>
      tpu.vector_store %arg6[%swap3A, %swap3A_132], %swap3A_135 {strides = array<i32>} : memref<80x128xi32, #tpu.memory_space<vmem>>, vector<1x16xi32>,
      %get3A_136 = arith.index_cast %scan3A_128 : i32 to index
      %get3A_137 = arith.constant 16 : index
      %get3A_138 = tpu.vector_load %arg6[%get3A_136, %get3A_137] {strides = array<i32>} : memref<80x128xi32, #tpu.memory_space<vmem>>, vector<1x16xi32>,
      %get3A_139 = vector.shape_cast %get3A_138 : vector<1x16xi32> to vector<16xi32>
      %add3A_140 = arith.addi %get3A_139, %broadcast_in_dim3A_2 : vector<16xi32>
      %swap3A_141 = arith.index_cast %scan3A_128 : i32 to index
      %swap3A_142 = arith.constant 16 : index
      %swap3A_143 = tpu.vector_load %arg6[%swap3A_141, %swap3A_142] {strides = array<i32>} : memref<80x128xi32, #tpu.memory_space<vmem>>, vector<1x16xi32>,
      %swap3A_144 = vector.shape_cast %swap3A_143 : vector<1x16xi32> to vector<16xi32>
      %swap3A_145 = vector.shape_cast %add3A_140 : vector<16xi32> to vector<1x16xi32>
      tpu.vector_store %arg6[%swap3A_141, %swap3A_142], %swap3A_145 {strides = array<i32>} : memref<80x128xi32, #tpu.memory_space<vmem>>, vector<1x16xi32>,
      %get3A_146 = arith.index_cast %scan3A_128 : i32 to index
      %get3A_147 = arith.constant 32 : index
      %get3A_148 = tpu.vector_load %arg6[%get3A_146, %get3A_147] {strides = array<i32>} : memref<80x128xi32, #tpu.memory_space<vmem>>, vector<1x16xi32>,
      %get3A_149 = vector.shape_cast %get3A_148 : vector<1x16xi32> to vector<16xi32>
      %add3A_150 = arith.addi %get3A_149, %broadcast_in_dim3A_2 : vector<16xi32>
      %swap3A_151 = arith.index_cast %scan3A_128 : i32 to index
      %swap3A_152 = arith.constant 32 : index
      %swap3A_153 = tpu.vector_load %arg6[%swap3A_151, %swap3A_152] {strides = array<i32>} : memref<80x128xi32, #tpu.memory_space<vmem>>, vector<1x16xi32>,
      %swap3A_154 = vector.shape_cast %swap3A_153 : vector<1x16xi32> to vector<16xi32>
      %swap3A_155 = vector.shape_cast %add3A_150 : vector<16xi32> to vector<1x16xi32>
      tpu.vector_store %arg6[%swap3A_151, %swap3A_152], %swap3A_155 {strides = array<i32>} : memref<80x128xi32, #tpu.memory_space<vmem>>, vector<1x16xi32>,
      %get3A_156 = arith.index_cast %scan3A_128 : i32 to index
      %get3A_157 = arith.constant 48 : index
      %get3A_158 = tpu.vector_load %arg6[%get3A_156, %get3A_157] {strides = array<i32>} : memref<80x128xi32, #tpu.memory_space<vmem>>, vector<1x16xi32>,
      %get3A_159 = vector.shape_cast %get3A_158 : vector<1x16xi32> to vector<16xi32>
      %add3A_160 = arith.addi %get3A_159, %broadcast_in_dim3A_2 : vector<16xi32>
      %swap3A_161 = arith.index_cast %scan3A_128 : i32 to index
      %swap3A_162 = arith.constant 48 : index
      %swap3A_163 = tpu.vector_load %arg6[%swap3A_161, %swap3A_162] {strides = array<i32>} : memref<80x128xi32, #tpu.memory_space<vmem>>, vector<1x16xi32>,
      %swap3A_164 = vector.shape_cast %swap3A_163 : vector<1x16xi32> to vector<16xi32>
      %swap3A_165 = vector.shape_cast %add3A_160 : vector<16xi32> to vector<1x16xi32>
      tpu.vector_store %arg6[%swap3A_161, %swap3A_162], %swap3A_165 {strides = array<i32>} : memref<80x128xi32, #tpu.memory_space<vmem>>, vector<1x16xi32>,
      %get3A_166 = arith.index_cast %scan3A_128 : i32 to index
      %get3A_167 = arith.constant 64 : index
      %get3A_168 = tpu.vector_load %arg6[%get3A_166, %get3A_167] {strides = array<i32>} : memref<80x128xi32, #tpu.memory_space<vmem>>, vector<1x16xi32>,
      %get3A_169 = vector.shape_cast %get3A_168 : vector<1x16xi32> to vector<16xi32>
      %add3A_170 = arith.addi %get3A_169, %broadcast_in_dim3A_2 : vector<16xi32>
      %swap3A_171 = arith.index_cast %scan3A_128 : i32 to index
      %swap3A_172 = arith.constant 64 : index
      %swap3A_173 = tpu.vector_load %arg6[%swap3A_171, %swap3A_172] {strides = array<i32>} : memref<80x128xi32, #tpu.memory_space<vmem>>, vector<1x16xi32>,
      %swap3A_174 = vector.shape_cast %swap3A_173 : vector<1x16xi32> to vector<16xi32>
      %swap3A_175 = vector.shape_cast %add3A_170 : vector<16xi32> to vector<1x16xi32>
      tpu.vector_store %arg6[%swap3A_171, %swap3A_172], %swap3A_175 {strides = array<i32>} : memref<80x128xi32, #tpu.memory_space<vmem>>, vector<1x16xi32>,
      %get3A_176 = arith.index_cast %scan3A_128 : i32 to index
      %get3A_177 = arith.constant 80 : index
      %get3A_178 = tpu.vector_load %arg6[%get3A_176, %get3A_177] {strides = array<i32>} : memref<80x128xi32, #tpu.memory_space<vmem>>, vector<1x16xi32>,
      %get3A_179 = vector.shape_cast %get3A_178 : vector<1x16xi32> to vector<16xi32>
      %add3A_180 = arith.addi %get3A_179, %broadcast_in_dim3A_2 : vector<16xi32>
      %swap3A_181 = arith.index_cast %scan3A_128 : i32 to index
      %swap3A_182 = arith.constant 80 : index
      %swap3A_183 = tpu.vector_load %arg6[%swap3A_181, %swap3A_182] {strides = array<i32>} : memref<80x128xi32, #tpu.memory_space<vmem>>, vector<1x16xi32>,
      %swap3A_184 = vector.shape_cast %swap3A_183 : vector<1x16xi32> to vector<16xi32>
      %swap3A_185 = vector.shape_cast %add3A_180 : vector<16xi32> to vector<1x16xi32>
      tpu.vector_store %arg6[%swap3A_181, %swap3A_182], %swap3A_185 {strides = array<i32>} : memref<80x128xi32, #tpu.memory_space<vmem>>, vector<1x16xi32>,
      %get3A_186 = arith.index_cast %scan3A_128 : i32 to index
      %get3A_187 = arith.constant 96 : index
      %get3A_188 = tpu.vector_load %arg6[%get3A_186, %get3A_187] {strides = array<i32>} : memref<80x128xi32, #tpu.memory_space<vmem>>, vector<1x16xi32>,
      %get3A_189 = vector.shape_cast %get3A_188 : vector<1x16xi32> to vector<16xi32>
      %add3A_190 = arith.addi %get3A_189, %broadcast_in_dim3A_2 : vector<16xi32>
      %swap3A_191 = arith.index_cast %scan3A_128 : i32 to index
      %swap3A_192 = arith.constant 96 : index
      %swap3A_193 = tpu.vector_load %arg6[%swap3A_191, %swap3A_192] {strides = array<i32>} : memref<80x128xi32, #tpu.memory_space<vmem>>, vector<1x16xi32>,
      %swap3A_194 = vector.shape_cast %swap3A_193 : vector<1x16xi32> to vector<16xi32>
      %swap3A_195 = vector.shape_cast %add3A_190 : vector<16xi32> to vector<1x16xi32>
      tpu.vector_store %arg6[%swap3A_191, %swap3A_192], %swap3A_195 {strides = array<i32>} : memref<80x128xi32, #tpu.memory_space<vmem>>, vector<1x16xi32>,
      %get3A_196 = arith.index_cast %scan3A_128 : i32 to index
      %get3A_197 = arith.constant 112 : index
      %get3A_198 = tpu.vector_load %arg6[%get3A_196, %get3A_197] {strides = array<i32>} : memref<80x128xi32, #tpu.memory_space<vmem>>, vector<1x16xi32>,
      %get3A_199 = vector.shape_cast %get3A_198 : vector<1x16xi32> to vector<16xi32>
      %add3A_200 = arith.addi %get3A_199, %broadcast_in_dim3A_2 : vector<16xi32>
      %swap3A_201 = arith.index_cast %scan3A_128 : i32 to index
      %swap3A_202 = arith.constant 112 : index
      %swap3A_203 = tpu.vector_load %arg6[%swap3A_201, %swap3A_202] {strides = array<i32>} : memref<80x128xi32, #tpu.memory_space<vmem>>, vector<1x16xi32>,
      %swap3A_204 = vector.shape_cast %swap3A_203 : vector<1x16xi32> to vector<16xi32>
      %swap3A_205 = vector.shape_cast %add3A_200 : vector<16xi32> to vector<1x16xi32>
      tpu.vector_store %arg6[%swap3A_201, %swap3A_202], %swap3A_205 {strides = array<i32>} : memref<80x128xi32, #tpu.memory_space<vmem>>, vector<1x16xi32>,
    }
    %scan3A_13 = arith.constant 80 : i32
    %dma_start3A = arith.constant 0 : i32
    %dma_start3A_14 = arith.constant 0 : i32
    %dma_start3A_15 = tpu.memref_slice %arg6[%dma_start3A, %dma_start3A_14] : memref<80x128xi32, #tpu.memory_space<vmem>> -> memref<1x128xi32, #tpu.memory_space<vmem>>
    %dma_start3A_16 = tpu.memref_squeeze %dma_start3A_15 : memref<1x128xi32, #tpu.memory_space<vmem>> -> memref<128xi32, #tpu.memory_space<vmem>>
    %dma_start3A_17 = arith.constant 0 : i32
    %dma_start3A_18 = arith.constant 0 : i32
    %dma_start3A_19 = tpu.memref_slice %arg4[%dma_start3A_17, %dma_start3A_18] : memref<40960x64xf32, #tpu.memory_space<hbm>> -> memref<40960x64xf32, #tpu.memory_space<hbm>>
    tpu.enqueue_indirect_dma source(%dma_start3A_19 : memref<40960x64xf32, #tpu.memory_space<hbm>>) target(%arg8 : memref<128x64xf32, #tpu.memory_space<vmem>>) offsets(%dma_start3A_16 : memref<128xi32, #tpu.memory_space<vmem>>) semaphore(%arg12 : memref<!tpu.dma_semaphore, #tpu.memory_space<semaphore_mem>>)
    %dma_start3A_20 = arith.constant 1 : i32
    %dma_start3A_21 = arith.constant 0 : i32
    %dma_start3A_22 = tpu.memref_slice %arg6[%dma_start3A_20, %dma_start3A_21] : memref<80x128xi32, #tpu.memory_space<vmem>> -> memref<1x128xi32, #tpu.memory_space<vmem>>
    %dma_start3A_23 = tpu.memref_squeeze %dma_start3A_22 : memref<1x128xi32, #tpu.memory_space<vmem>> -> memref<128xi32, #tpu.memory_space<vmem>>
    %dma_start3A_24 = arith.constant 0 : i32
    %dma_start3A_25 = arith.constant 0 : i32
    %dma_start3A_26 = tpu.memref_slice %arg4[%dma_start3A_24, %dma_start3A_25] : memref<40960x64xf32, #tpu.memory_space<hbm>> -> memref<40960x64xf32, #tpu.memory_space<hbm>>
    tpu.enqueue_indirect_dma source(%dma_start3A_26 : memref<40960x64xf32, #tpu.memory_space<hbm>>) target(%arg9 : memref<128x64xf32, #tpu.memory_space<vmem>>) offsets(%dma_start3A_23 : memref<128xi32, #tpu.memory_space<vmem>>) semaphore(%arg13 : memref<!tpu.dma_semaphore, #tpu.memory_space<semaphore_mem>>)
    %scan3A_27 = arith.constant 0 : i32
    %scan3A_28 = arith.constant 0 : i32
    %scan3A_29 = arith.constant 128 : i32
    %scan3A_30 = arith.addi %scan3A_28, %scan3A_29 : i32
    %scan3A_31 = arith.constant 1 : i32
    scf.for %scan3A_128 = %scan3A_28 to %scan3A_30 step %scan3A_31  : i32 {
      %swap3A = arith.index_cast %scan3A_128 : i32 to index
      %swap3A_129 = arith.constant 0 : index
      %swap3A_130 = tpu.vector_load %arg10[%swap3A, %swap3A_129] {strides = array<i32>} : memref<128x64xf32, #tpu.memory_space<vmem>>, vector<1x16xf32>,
      %swap3A_131 = vector.shape_cast %swap3A_130 : vector<1x16xf32> to vector<16xf32>
      %swap3A_132 = vector.shape_cast %broadcast_in_dim3A_0 : vector<16xf32> to vector<1x16xf32>
      tpu.vector_store %arg10[%swap3A, %swap3A_129], %swap3A_132 {strides = array<i32>} : memref<128x64xf32, #tpu.memory_space<vmem>>, vector<1x16xf32>,
      %swap3A_133 = arith.index_cast %scan3A_128 : i32 to index
      %swap3A_134 = arith.constant 16 : index
      %swap3A_135 = tpu.vector_load %arg10[%swap3A_133, %swap3A_134] {strides = array<i32>} : memref<128x64xf32, #tpu.memory_space<vmem>>, vector<1x16xf32>,
      %swap3A_136 = vector.shape_cast %swap3A_135 : vector<1x16xf32> to vector<16xf32>
      %swap3A_137 = vector.shape_cast %broadcast_in_dim3A_0 : vector<16xf32> to vector<1x16xf32>
      tpu.vector_store %arg10[%swap3A_133, %swap3A_134], %swap3A_137 {strides = array<i32>} : memref<128x64xf32, #tpu.memory_space<vmem>>, vector<1x16xf32>,
      %swap3A_138 = arith.index_cast %scan3A_128 : i32 to index
      %swap3A_139 = arith.constant 32 : index
      %swap3A_140 = tpu.vector_load %arg10[%swap3A_138, %swap3A_139] {strides = array<i32>} : memref<128x64xf32, #tpu.memory_space<vmem>>, vector<1x16xf32>,
      %swap3A_141 = vector.shape_cast %swap3A_140 : vector<1x16xf32> to vector<16xf32>
      %swap3A_142 = vector.shape_cast %broadcast_in_dim3A_0 : vector<16xf32> to vector<1x16xf32>
      tpu.vector_store %arg10[%swap3A_138, %swap3A_139], %swap3A_142 {strides = array<i32>} : memref<128x64xf32, #tpu.memory_space<vmem>>, vector<1x16xf32>,
      %swap3A_143 = arith.index_cast %scan3A_128 : i32 to index
      %swap3A_144 = arith.constant 48 : index
      %swap3A_145 = tpu.vector_load %arg10[%swap3A_143, %swap3A_144] {strides = array<i32>} : memref<128x64xf32, #tpu.memory_space<vmem>>, vector<1x16xf32>,
      %swap3A_146 = vector.shape_cast %swap3A_145 : vector<1x16xf32> to vector<16xf32>
      %swap3A_147 = vector.shape_cast %broadcast_in_dim3A_0 : vector<16xf32> to vector<1x16xf32>
      tpu.vector_store %arg10[%swap3A_143, %swap3A_144], %swap3A_147 {strides = array<i32>} : memref<128x64xf32, #tpu.memory_space<vmem>>, vector<1x16xf32>,
    }
    %scan3A_32 = arith.constant 128 : i32
    %scan3A_33 = arith.constant 0 : i32
    %scan3A_34 = arith.constant 0 : i32
    %scan3A_35 = arith.constant 5 : i32
    %scan3A_36 = arith.addi %scan3A_34, %scan3A_35 : i32
    %scan3A_37 = arith.constant 1 : i32
    scf.for %scan3A_128 = %scan3A_34 to %scan3A_36 step %scan3A_37  : i32 {
      %mul3A_129 = arith.constant 640 : i32
      %mul3A_130 = arith.muli %arg1, %mul3A_129 : i32
      %mul3A_131 = arith.constant 128 : i32
      %mul3A_132 = arith.muli %scan3A_128, %mul3A_131 : i32
      %add3A = arith.addi %mul3A_130, %mul3A_132 : i32
      "tpu.region"() ({
        %run_scoped3A_133 = tpu.sem_alloc : memref<!tpu.dma_semaphore, #tpu.memory_space<semaphore_mem>>
        %dma_start3A_134 = arith.constant 0 : i32
        %dma_start3A_135 = tpu.memref_slice %arg11[%add3A, %dma_start3A_134] : memref<10240x64xf32, #tpu.memory_space<vmem_shared>> -> memref<128x64xf32, #tpu.memory_space<vmem_shared>>
        %dma_start3A_136 = arith.constant 0 : i32
        %dma_start3A_137 = tpu.memref_slice %arg11[%add3A, %dma_start3A_136] : memref<10240x64xf32, #tpu.memory_space<vmem_shared>> -> memref<128x64xf32, #tpu.memory_space<vmem_shared>>
        tpu.enqueue_dma source(%arg10 : memref<128x64xf32, #tpu.memory_space<vmem>>) target(%dma_start3A_137 : memref<128x64xf32, #tpu.memory_space<vmem_shared>>) target_semaphore(%run_scoped3A_133 : memref<!tpu.dma_semaphore, #tpu.memory_space<semaphore_mem>>)
        %dma_wait3A_138 = arith.constant 0 : i32
        %dma_wait3A_139 = tpu.memref_slice %arg11[%add3A, %dma_wait3A_138] : memref<10240x64xf32, #tpu.memory_space<vmem_shared>> -> memref<128x64xf32, #tpu.memory_space<vmem_shared>>
        %dma_wait3A_140 = arith.constant 0 : i32
        %dma_wait3A_141 = tpu.memref_slice %arg11[%add3A, %dma_wait3A_140] : memref<10240x64xf32, #tpu.memory_space<vmem_shared>> -> memref<128x64xf32, #tpu.memory_space<vmem_shared>>
        tpu.wait_dma2 semaphore(%run_scoped3A_133 : memref<!tpu.dma_semaphore, #tpu.memory_space<semaphore_mem>>) src(%arg10 : memref<128x64xf32, #tpu.memory_space<vmem>>) dst(%dma_wait3A_141 : memref<128x64xf32, #tpu.memory_space<vmem_shared>>)
        tpu.yield
      }) : () -> ()
    }
    %scan3A_38 = arith.constant 5 : i32
    %barrier3A = arith.constant 0 : index
    tpu.barrier barrier_id(%barrier3A)
    %scan3A_39 = arith.constant 0 : i32
    %scan3A_40 = arith.constant 0 : i32
    %scan3A_41 = arith.constant 26 : i32
    %scan3A_42 = arith.addi %scan3A_40, %scan3A_41 : i32
    %scan3A_43 = arith.constant 1 : i32
    scf.for %scan3A_128 = %scan3A_40 to %scan3A_42 step %scan3A_43  : i32 {
      %mul3A_129 = arith.constant 3 : i32
      %mul3A_130 = arith.muli %scan3A_128, %mul3A_129 : i32
      %add3A = arith.constant 0 : i32
      %add3A_131 = arith.addi %mul3A_130, %add3A : i32
      %dma_wait3A_132 = arith.constant 0 : i32
      %dma_wait3A_133 = arith.constant 0 : i32
      %dma_wait3A_134 = tpu.memref_slice %arg6[%dma_wait3A_132, %dma_wait3A_133] : memref<80x128xi32, #tpu.memory_space<vmem>> -> memref<1x128xi32, #tpu.memory_space<vmem>>
      %dma_wait3A_135 = tpu.memref_squeeze %dma_wait3A_134 : memref<1x128xi32, #tpu.memory_space<vmem>> -> memref<128xi32, #tpu.memory_space<vmem>>
      %dma_wait3A_136 = arith.constant 0 : i32
      %dma_wait3A_137 = arith.constant 0 : i32
      %dma_wait3A_138 = tpu.memref_slice %arg4[%dma_wait3A_136, %dma_wait3A_137] : memref<40960x64xf32, #tpu.memory_space<hbm>> -> memref<40960x64xf32, #tpu.memory_space<hbm>>
      tpu.wait_indirect_dma semaphore(%arg12 : memref<!tpu.dma_semaphore, #tpu.memory_space<semaphore_mem>>) src(%dma_wait3A_138 : memref<40960x64xf32, #tpu.memory_space<hbm>>) dst(%arg8 : memref<128x64xf32, #tpu.memory_space<vmem>>)
      %add3A_139 = arith.constant 2 : i32
      %add3A_140 = arith.addi %add3A_131, %add3A_139 : i32
      %rem3A = arith.constant 80 : i32
      %rem3A_141 = arith.remsi %add3A_140, %rem3A : i32
      %dma_start3A_142 = arith.constant 0 : i32
      %dma_start3A_143 = tpu.memref_slice %arg6[%rem3A_141, %dma_start3A_142] : memref<80x128xi32, #tpu.memory_space<vmem>> -> memref<1x128xi32, #tpu.memory_space<vmem>>
      %dma_start3A_144 = tpu.memref_squeeze %dma_start3A_143 : memref<1x128xi32, #tpu.memory_space<vmem>> -> memref<128xi32, #tpu.memory_space<vmem>>
      %dma_start3A_145 = arith.constant 0 : i32
      %dma_start3A_146 = arith.constant 0 : i32
      %dma_start3A_147 = tpu.memref_slice %arg4[%dma_start3A_145, %dma_start3A_146] : memref<40960x64xf32, #tpu.memory_space<hbm>> -> memref<40960x64xf32, #tpu.memory_space<hbm>>
      tpu.enqueue_indirect_dma source(%dma_start3A_147 : memref<40960x64xf32, #tpu.memory_space<hbm>>) target(%arg10 : memref<128x64xf32, #tpu.memory_space<vmem>>) offsets(%dma_start3A_144 : memref<128xi32, #tpu.memory_space<vmem>>) semaphore(%arg14 : memref<!tpu.dma_semaphore, #tpu.memory_space<semaphore_mem>>)
      "tpu.region"() ({
        %run_scoped3A_190 = tpu.sem_alloc : memref<!tpu.dma_semaphore, #tpu.memory_space<semaphore_mem>>
        %dma_start3A_191 = arith.constant 0 : i32
        %dma_start3A_192 = tpu.memref_slice %arg7[%add3A_131, %dma_start3A_191] : memref<80x128xi32, #tpu.memory_space<vmem>> -> memref<1x128xi32, #tpu.memory_space<vmem>>
        %dma_start3A_193 = tpu.memref_squeeze %dma_start3A_192 : memref<1x128xi32, #tpu.memory_space<vmem>> -> memref<128xi32, #tpu.memory_space<vmem>>
        %dma_start3A_194 = arith.constant 0 : i32
        %dma_start3A_195 = arith.constant 0 : i32
        %dma_start3A_196 = tpu.memref_slice %arg11[%dma_start3A_194, %dma_start3A_195] : memref<10240x64xf32, #tpu.memory_space<vmem_shared>> -> memref<10240x64xf32, #tpu.memory_space<vmem_shared>>
        tpu.enqueue_indirect_dma source(%arg8 : memref<128x64xf32, #tpu.memory_space<vmem>>) target(%dma_start3A_196 : memref<10240x64xf32, #tpu.memory_space<vmem_shared>>) offsets(%dma_start3A_193 : memref<128xi32, #tpu.memory_space<vmem>>) semaphore(%run_scoped3A_190 : memref<!tpu.dma_semaphore, #tpu.memory_space<semaphore_mem>>) {add = true}
        %dma_wait3A_197 = arith.constant 0 : i32
        %dma_wait3A_198 = tpu.memref_slice %arg7[%add3A_131, %dma_wait3A_197] : memref<80x128xi32, #tpu.memory_space<vmem>> -> memref<1x128xi32, #tpu.memory_space<vmem>>
        %dma_wait3A_199 = tpu.memref_squeeze %dma_wait3A_198 : memref<1x128xi32, #tpu.memory_space<vmem>> -> memref<128xi32, #tpu.memory_space<vmem>>
        %dma_wait3A_200 = arith.constant 0 : i32
        %dma_wait3A_201 = arith.constant 0 : i32
        %dma_wait3A_202 = tpu.memref_slice %arg11[%dma_wait3A_200, %dma_wait3A_201] : memref<10240x64xf32, #tpu.memory_space<vmem_shared>> -> memref<10240x64xf32, #tpu.memory_space<vmem_shared>>
        tpu.wait_indirect_dma semaphore(%run_scoped3A_190 : memref<!tpu.dma_semaphore, #tpu.memory_space<semaphore_mem>>) src(%arg8 : memref<128x64xf32, #tpu.memory_space<vmem>>) dst(%dma_wait3A_202 : memref<10240x64xf32, #tpu.memory_space<vmem_shared>>)
        tpu.yield
      }) : () -> ()
      %mul3A_148 = arith.constant 3 : i32
      %mul3A_149 = arith.muli %scan3A_128, %mul3A_148 : i32
      %add3A_150 = arith.constant 1 : i32
      %add3A_151 = arith.addi %mul3A_149, %add3A_150 : i32
      %dma_wait3A_152 = arith.constant 0 : i32
      %dma_wait3A_153 = arith.constant 0 : i32
      %dma_wait3A_154 = tpu.memref_slice %arg6[%dma_wait3A_152, %dma_wait3A_153] : memref<80x128xi32, #tpu.memory_space<vmem>> -> memref<1x128xi32, #tpu.memory_space<vmem>>
      %dma_wait3A_155 = tpu.memref_squeeze %dma_wait3A_154 : memref<1x128xi32, #tpu.memory_space<vmem>> -> memref<128xi32, #tpu.memory_space<vmem>>
      %dma_wait3A_156 = arith.constant 0 : i32
      %dma_wait3A_157 = arith.constant 0 : i32
      %dma_wait3A_158 = tpu.memref_slice %arg4[%dma_wait3A_156, %dma_wait3A_157] : memref<40960x64xf32, #tpu.memory_space<hbm>> -> memref<40960x64xf32, #tpu.memory_space<hbm>>
      tpu.wait_indirect_dma semaphore(%arg13 : memref<!tpu.dma_semaphore, #tpu.memory_space<semaphore_mem>>) src(%dma_wait3A_158 : memref<40960x64xf32, #tpu.memory_space<hbm>>) dst(%arg9 : memref<128x64xf32, #tpu.memory_space<vmem>>)
      %add3A_159 = arith.constant 2 : i32
      %add3A_160 = arith.addi %add3A_151, %add3A_159 : i32
      %rem3A_161 = arith.constant 80 : i32
      %rem3A_162 = arith.remsi %add3A_160, %rem3A_161 : i32
      %dma_start3A_163 = arith.constant 0 : i32
      %dma_start3A_164 = tpu.memref_slice %arg6[%rem3A_162, %dma_start3A_163] : memref<80x128xi32, #tpu.memory_space<vmem>> -> memref<1x128xi32, #tpu.memory_space<vmem>>
      %dma_start3A_165 = tpu.memref_squeeze %dma_start3A_164 : memref<1x128xi32, #tpu.memory_space<vmem>> -> memref<128xi32, #tpu.memory_space<vmem>>
      %dma_start3A_166 = arith.constant 0 : i32
      %dma_start3A_167 = arith.constant 0 : i32
      %dma_start3A_168 = tpu.memref_slice %arg4[%dma_start3A_166, %dma_start3A_167] : memref<40960x64xf32, #tpu.memory_space<hbm>> -> memref<40960x64xf32, #tpu.memory_space<hbm>>
      tpu.enqueue_indirect_dma source(%dma_start3A_168 : memref<40960x64xf32, #tpu.memory_space<hbm>>) target(%arg8 : memref<128x64xf32, #tpu.memory_space<vmem>>) offsets(%dma_start3A_165 : memref<128xi32, #tpu.memory_space<vmem>>) semaphore(%arg12 : memref<!tpu.dma_semaphore, #tpu.memory_space<semaphore_mem>>)
      "tpu.region"() ({
        %run_scoped3A_190 = tpu.sem_alloc : memref<!tpu.dma_semaphore, #tpu.memory_space<semaphore_mem>>
        %dma_start3A_191 = arith.constant 0 : i32
        %dma_start3A_192 = tpu.memref_slice %arg7[%add3A_151, %dma_start3A_191] : memref<80x128xi32, #tpu.memory_space<vmem>> -> memref<1x128xi32, #tpu.memory_space<vmem>>
        %dma_start3A_193 = tpu.memref_squeeze %dma_start3A_192 : memref<1x128xi32, #tpu.memory_space<vmem>> -> memref<128xi32, #tpu.memory_space<vmem>>
        %dma_start3A_194 = arith.constant 0 : i32
        %dma_start3A_195 = arith.constant 0 : i32
        %dma_start3A_196 = tpu.memref_slice %arg11[%dma_start3A_194, %dma_start3A_195] : memref<10240x64xf32, #tpu.memory_space<vmem_shared>> -> memref<10240x64xf32, #tpu.memory_space<vmem_shared>>
        tpu.enqueue_indirect_dma source(%arg9 : memref<128x64xf32, #tpu.memory_space<vmem>>) target(%dma_start3A_196 : memref<10240x64xf32, #tpu.memory_space<vmem_shared>>) offsets(%dma_start3A_193 : memref<128xi32, #tpu.memory_space<vmem>>) semaphore(%run_scoped3A_190 : memref<!tpu.dma_semaphore, #tpu.memory_space<semaphore_mem>>) {add = true}
        %dma_wait3A_197 = arith.constant 0 : i32
        %dma_wait3A_198 = tpu.memref_slice %arg7[%add3A_151, %dma_wait3A_197] : memref<80x128xi32, #tpu.memory_space<vmem>> -> memref<1x128xi32, #tpu.memory_space<vmem>>
        %dma_wait3A_199 = tpu.memref_squeeze %dma_wait3A_198 : memref<1x128xi32, #tpu.memory_space<vmem>> -> memref<128xi32, #tpu.memory_space<vmem>>
        %dma_wait3A_200 = arith.constant 0 : i32
        %dma_wait3A_201 = arith.constant 0 : i32
        %dma_wait3A_202 = tpu.memref_slice %arg11[%dma_wait3A_200, %dma_wait3A_201] : memref<10240x64xf32, #tpu.memory_space<vmem_shared>> -> memref<10240x64xf32, #tpu.memory_space<vmem_shared>>
        tpu.wait_indirect_dma semaphore(%run_scoped3A_190 : memref<!tpu.dma_semaphore, #tpu.memory_space<semaphore_mem>>) src(%arg9 : memref<128x64xf32, #tpu.memory_space<vmem>>) dst(%dma_wait3A_202 : memref<10240x64xf32, #tpu.memory_space<vmem_shared>>)
        tpu.yield
      }) : () -> ()
      %mul3A_169 = arith.constant 3 : i32
      %mul3A_170 = arith.muli %scan3A_128, %mul3A_169 : i32
      %add3A_171 = arith.constant 2 : i32
      %add3A_172 = arith.addi %mul3A_170, %add3A_171 : i32
      %dma_wait3A_173 = arith.constant 0 : i32
      %dma_wait3A_174 = arith.constant 0 : i32
      %dma_wait3A_175 = tpu.memref_slice %arg6[%dma_wait3A_173, %dma_wait3A_174] : memref<80x128xi32, #tpu.memory_space<vmem>> -> memref<1x128xi32, #tpu.memory_space<vmem>>
      %dma_wait3A_176 = tpu.memref_squeeze %dma_wait3A_175 : memref<1x128xi32, #tpu.memory_space<vmem>> -> memref<128xi32, #tpu.memory_space<vmem>>
      %dma_wait3A_177 = arith.constant 0 : i32
      %dma_wait3A_178 = arith.constant 0 : i32
      %dma_wait3A_179 = tpu.memref_slice %arg4[%dma_wait3A_177, %dma_wait3A_178] : memref<40960x64xf32, #tpu.memory_space<hbm>> -> memref<40960x64xf32, #tpu.memory_space<hbm>>
      tpu.wait_indirect_dma semaphore(%arg14 : memref<!tpu.dma_semaphore, #tpu.memory_space<semaphore_mem>>) src(%dma_wait3A_179 : memref<40960x64xf32, #tpu.memory_space<hbm>>) dst(%arg10 : memref<128x64xf32, #tpu.memory_space<vmem>>)
      %add3A_180 = arith.constant 2 : i32
      %add3A_181 = arith.addi %add3A_172, %add3A_180 : i32
      %rem3A_182 = arith.constant 80 : i32
      %rem3A_183 = arith.remsi %add3A_181, %rem3A_182 : i32
      %dma_start3A_184 = arith.constant 0 : i32
      %dma_start3A_185 = tpu.memref_slice %arg6[%rem3A_183, %dma_start3A_184] : memref<80x128xi32, #tpu.memory_space<vmem>> -> memref<1x128xi32, #tpu.memory_space<vmem>>
      %dma_start3A_186 = tpu.memref_squeeze %dma_start3A_185 : memref<1x128xi32, #tpu.memory_space<vmem>> -> memref<128xi32, #tpu.memory_space<vmem>>
      %dma_start3A_187 = arith.constant 0 : i32
      %dma_start3A_188 = arith.constant 0 : i32
      %dma_start3A_189 = tpu.memref_slice %arg4[%dma_start3A_187, %dma_start3A_188] : memref<40960x64xf32, #tpu.memory_space<hbm>> -> memref<40960x64xf32, #tpu.memory_space<hbm>>
      tpu.enqueue_indirect_dma source(%dma_start3A_189 : memref<40960x64xf32, #tpu.memory_space<hbm>>) target(%arg9 : memref<128x64xf32, #tpu.memory_space<vmem>>) offsets(%dma_start3A_186 : memref<128xi32, #tpu.memory_space<vmem>>) semaphore(%arg13 : memref<!tpu.dma_semaphore, #tpu.memory_space<semaphore_mem>>)
      "tpu.region"() ({
        %run_scoped3A_190 = tpu.sem_alloc : memref<!tpu.dma_semaphore, #tpu.memory_space<semaphore_mem>>
        %dma_start3A_191 = arith.constant 0 : i32
        %dma_start3A_192 = tpu.memref_slice %arg7[%add3A_172, %dma_start3A_191] : memref<80x128xi32, #tpu.memory_space<vmem>> -> memref<1x128xi32, #tpu.memory_space<vmem>>
        %dma_start3A_193 = tpu.memref_squeeze %dma_start3A_192 : memref<1x128xi32, #tpu.memory_space<vmem>> -> memref<128xi32, #tpu.memory_space<vmem>>
        %dma_start3A_194 = arith.constant 0 : i32
        %dma_start3A_195 = arith.constant 0 : i32
        %dma_start3A_196 = tpu.memref_slice %arg11[%dma_start3A_194, %dma_start3A_195] : memref<10240x64xf32, #tpu.memory_space<vmem_shared>> -> memref<10240x64xf32, #tpu.memory_space<vmem_shared>>
        tpu.enqueue_indirect_dma source(%arg10 : memref<128x64xf32, #tpu.memory_space<vmem>>) target(%dma_start3A_196 : memref<10240x64xf32, #tpu.memory_space<vmem_shared>>) offsets(%dma_start3A_193 : memref<128xi32, #tpu.memory_space<vmem>>) semaphore(%run_scoped3A_190 : memref<!tpu.dma_semaphore, #tpu.memory_space<semaphore_mem>>) {add = true}
        %dma_wait3A_197 = arith.constant 0 : i32
        %dma_wait3A_198 = tpu.memref_slice %arg7[%add3A_172, %dma_wait3A_197] : memref<80x128xi32, #tpu.memory_space<vmem>> -> memref<1x128xi32, #tpu.memory_space<vmem>>
        %dma_wait3A_199 = tpu.memref_squeeze %dma_wait3A_198 : memref<1x128xi32, #tpu.memory_space<vmem>> -> memref<128xi32, #tpu.memory_space<vmem>>
        %dma_wait3A_200 = arith.constant 0 : i32
        %dma_wait3A_201 = arith.constant 0 : i32
        %dma_wait3A_202 = tpu.memref_slice %arg11[%dma_wait3A_200, %dma_wait3A_201] : memref<10240x64xf32, #tpu.memory_space<vmem_shared>> -> memref<10240x64xf32, #tpu.memory_space<vmem_shared>>
        tpu.wait_indirect_dma semaphore(%run_scoped3A_190 : memref<!tpu.dma_semaphore, #tpu.memory_space<semaphore_mem>>) src(%arg10 : memref<128x64xf32, #tpu.memory_space<vmem>>) dst(%dma_wait3A_202 : memref<10240x64xf32, #tpu.memory_space<vmem_shared>>)
        tpu.yield
      }) : () -> ()
    }
    %scan3A_44 = arith.constant 26 : i32
    %dma_wait3A = arith.constant 0 : i32
    %dma_wait3A_45 = arith.constant 0 : i32
    %dma_wait3A_46 = tpu.memref_slice %arg6[%dma_wait3A, %dma_wait3A_45] : memref<80x128xi32, #tpu.memory_space<vmem>> -> memref<1x128xi32, #tpu.memory_space<vmem>>
    %dma_wait3A_47 = tpu.memref_squeeze %dma_wait3A_46 : memref<1x128xi32, #tpu.memory_space<vmem>> -> memref<128xi32, #tpu.memory_space<vmem>>
    %dma_wait3A_48 = arith.constant 0 : i32
    %dma_wait3A_49 = arith.constant 0 : i32
    %dma_wait3A_50 = tpu.memref_slice %arg4[%dma_wait3A_48, %dma_wait3A_49] : memref<40960x64xf32, #tpu.memory_space<hbm>> -> memref<40960x64xf32, #tpu.memory_space<hbm>>
    tpu.wait_indirect_dma semaphore(%arg12 : memref<!tpu.dma_semaphore, #tpu.memory_space<semaphore_mem>>) src(%dma_wait3A_50 : memref<40960x64xf32, #tpu.memory_space<hbm>>) dst(%arg8 : memref<128x64xf32, #tpu.memory_space<vmem>>)
    %run_scoped3A = arith.constant 78 : i32
    "tpu.region"() ({
      %run_scoped3A_128 = tpu.sem_alloc : memref<!tpu.dma_semaphore, #tpu.memory_space<semaphore_mem>>
      %dma_start3A_129 = arith.constant 0 : i32
      %dma_start3A_130 = tpu.memref_slice %arg7[%run_scoped3A, %dma_start3A_129] : memref<80x128xi32, #tpu.memory_space<vmem>> -> memref<1x128xi32, #tpu.memory_space<vmem>>
      %dma_start3A_131 = tpu.memref_squeeze %dma_start3A_130 : memref<1x128xi32, #tpu.memory_space<vmem>> -> memref<128xi32, #tpu.memory_space<vmem>>
      %dma_start3A_132 = arith.constant 0 : i32
      %dma_start3A_133 = arith.constant 0 : i32
      %dma_start3A_134 = tpu.memref_slice %arg11[%dma_start3A_132, %dma_start3A_133] : memref<10240x64xf32, #tpu.memory_space<vmem_shared>> -> memref<10240x64xf32, #tpu.memory_space<vmem_shared>>
      tpu.enqueue_indirect_dma source(%arg8 : memref<128x64xf32, #tpu.memory_space<vmem>>) target(%dma_start3A_134 : memref<10240x64xf32, #tpu.memory_space<vmem_shared>>) offsets(%dma_start3A_131 : memref<128xi32, #tpu.memory_space<vmem>>) semaphore(%run_scoped3A_128 : memref<!tpu.dma_semaphore, #tpu.memory_space<semaphore_mem>>) {add = true}
      %dma_wait3A_135 = arith.constant 0 : i32
      %dma_wait3A_136 = tpu.memref_slice %arg7[%run_scoped3A, %dma_wait3A_135] : memref<80x128xi32, #tpu.memory_space<vmem>> -> memref<1x128xi32, #tpu.memory_space<vmem>>
      %dma_wait3A_137 = tpu.memref_squeeze %dma_wait3A_136 : memref<1x128xi32, #tpu.memory_space<vmem>> -> memref<128xi32, #tpu.memory_space<vmem>>
      %dma_wait3A_138 = arith.constant 0 : i32
      %dma_wait3A_139 = arith.constant 0 : i32
      %dma_wait3A_140 = tpu.memref_slice %arg11[%dma_wait3A_138, %dma_wait3A_139] : memref<10240x64xf32, #tpu.memory_space<vmem_shared>> -> memref<10240x64xf32, #tpu.memory_space<vmem_shared>>
      tpu.wait_indirect_dma semaphore(%run_scoped3A_128 : memref<!tpu.dma_semaphore, #tpu.memory_space<semaphore_mem>>) src(%arg8 : memref<128x64xf32, #tpu.memory_space<vmem>>) dst(%dma_wait3A_140 : memref<10240x64xf32, #tpu.memory_space<vmem_shared>>)
      tpu.yield
    }) : () -> ()
    %dma_wait3A_51 = arith.constant 0 : i32
    %dma_wait3A_52 = arith.constant 0 : i32
    %dma_wait3A_53 = tpu.memref_slice %arg6[%dma_wait3A_51, %dma_wait3A_52] : memref<80x128xi32, #tpu.memory_space<vmem>> -> memref<1x128xi32, #tpu.memory_space<vmem>>
    %dma_wait3A_54 = tpu.memref_squeeze %dma_wait3A_53 : memref<1x128xi32, #tpu.memory_space<vmem>> -> memref<128xi32, #tpu.memory_space<vmem>>
    %dma_wait3A_55 = arith.constant 0 : i32
    %dma_wait3A_56 = arith.constant 0 : i32
    %dma_wait3A_57 = tpu.memref_slice %arg4[%dma_wait3A_55, %dma_wait3A_56] : memref<40960x64xf32, #tpu.memory_space<hbm>> -> memref<40960x64xf32, #tpu.memory_space<hbm>>
    tpu.wait_indirect_dma semaphore(%arg13 : memref<!tpu.dma_semaphore, #tpu.memory_space<semaphore_mem>>) src(%dma_wait3A_57 : memref<40960x64xf32, #tpu.memory_space<hbm>>) dst(%arg9 : memref<128x64xf32, #tpu.memory_space<vmem>>)
    %run_scoped3A_58 = arith.constant 79 : i32
    "tpu.region"() ({
      %run_scoped3A_128 = tpu.sem_alloc : memref<!tpu.dma_semaphore, #tpu.memory_space<semaphore_mem>>
      %dma_start3A_129 = arith.constant 0 : i32
      %dma_start3A_130 = tpu.memref_slice %arg7[%run_scoped3A_58, %dma_start3A_129] : memref<80x128xi32, #tpu.memory_space<vmem>> -> memref<1x128xi32, #tpu.memory_space<vmem>>
      %dma_start3A_131 = tpu.memref_squeeze %dma_start3A_130 : memref<1x128xi32, #tpu.memory_space<vmem>> -> memref<128xi32, #tpu.memory_space<vmem>>
      %dma_start3A_132 = arith.constant 0 : i32
      %dma_start3A_133 = arith.constant 0 : i32
      %dma_start3A_134 = tpu.memref_slice %arg11[%dma_start3A_132, %dma_start3A_133] : memref<10240x64xf32, #tpu.memory_space<vmem_shared>> -> memref<10240x64xf32, #tpu.memory_space<vmem_shared>>
      tpu.enqueue_indirect_dma source(%arg9 : memref<128x64xf32, #tpu.memory_space<vmem>>) target(%dma_start3A_134 : memref<10240x64xf32, #tpu.memory_space<vmem_shared>>) offsets(%dma_start3A_131 : memref<128xi32, #tpu.memory_space<vmem>>) semaphore(%run_scoped3A_128 : memref<!tpu.dma_semaphore, #tpu.memory_space<semaphore_mem>>) {add = true}
      %dma_wait3A_135 = arith.constant 0 : i32
      %dma_wait3A_136 = tpu.memref_slice %arg7[%run_scoped3A_58, %dma_wait3A_135] : memref<80x128xi32, #tpu.memory_space<vmem>> -> memref<1x128xi32, #tpu.memory_space<vmem>>
      %dma_wait3A_137 = tpu.memref_squeeze %dma_wait3A_136 : memref<1x128xi32, #tpu.memory_space<vmem>> -> memref<128xi32, #tpu.memory_space<vmem>>
      %dma_wait3A_138 = arith.constant 0 : i32
      %dma_wait3A_139 = arith.constant 0 : i32
      %dma_wait3A_140 = tpu.memref_slice %arg11[%dma_wait3A_138, %dma_wait3A_139] : memref<10240x64xf32, #tpu.memory_space<vmem_shared>> -> memref<10240x64xf32, #tpu.memory_space<vmem_shared>>
      tpu.wait_indirect_dma semaphore(%run_scoped3A_128 : memref<!tpu.dma_semaphore, #tpu.memory_space<semaphore_mem>>) src(%arg9 : memref<128x64xf32, #tpu.memory_space<vmem>>) dst(%dma_wait3A_140 : memref<10240x64xf32, #tpu.memory_space<vmem_shared>>)
      tpu.yield
    }) : () -> ()
    %barrier3A_59 = arith.constant 0 : index
    tpu.barrier barrier_id(%barrier3A_59)
    %scan3A_60 = arith.constant 0 : i32
    %scan3A_61 = arith.constant 0 : i32
    %scan3A_62 = arith.constant 80 : i32
    %scan3A_63 = arith.addi %scan3A_61, %scan3A_62 : i32
    %scan3A_64 = arith.constant 1 : i32
    scf.for %scan3A_128 = %scan3A_61 to %scan3A_63 step %scan3A_64  : i32 {
      %get3A = arith.index_cast %scan3A_128 : i32 to index
      %get3A_129 = arith.constant 0 : index
      %get3A_130 = tpu.vector_load %arg6[%get3A, %get3A_129] {strides = array<i32>} : memref<80x128xi32, #tpu.memory_space<vmem>>, vector<1x16xi32>,
      %get3A_131 = vector.shape_cast %get3A_130 : vector<1x16xi32> to vector<16xi32>
      %add3A = arith.addi %get3A_131, %broadcast_in_dim3A_4 : vector<16xi32>
      %swap3A = arith.index_cast %scan3A_128 : i32 to index
      %swap3A_132 = arith.constant 0 : index
      %swap3A_133 = tpu.vector_load %arg6[%swap3A, %swap3A_132] {strides = array<i32>} : memref<80x128xi32, #tpu.memory_space<vmem>>, vector<1x16xi32>,
      %swap3A_134 = vector.shape_cast %swap3A_133 : vector<1x16xi32> to vector<16xi32>
      %swap3A_135 = vector.shape_cast %add3A : vector<16xi32> to vector<1x16xi32>
      tpu.vector_store %arg6[%swap3A, %swap3A_132], %swap3A_135 {strides = array<i32>} : memref<80x128xi32, #tpu.memory_space<vmem>>, vector<1x16xi32>,
      %get3A_136 = arith.index_cast %scan3A_128 : i32 to index
      %get3A_137 = arith.constant 16 : index
      %get3A_138 = tpu.vector_load %arg6[%get3A_136, %get3A_137] {strides = array<i32>} : memref<80x128xi32, #tpu.memory_space<vmem>>, vector<1x16xi32>,
      %get3A_139 = vector.shape_cast %get3A_138 : vector<1x16xi32> to vector<16xi32>
      %add3A_140 = arith.addi %get3A_139, %broadcast_in_dim3A_4 : vector<16xi32>
      %swap3A_141 = arith.index_cast %scan3A_128 : i32 to index
      %swap3A_142 = arith.constant 16 : index
      %swap3A_143 = tpu.vector_load %arg6[%swap3A_141, %swap3A_142] {strides = array<i32>} : memref<80x128xi32, #tpu.memory_space<vmem>>, vector<1x16xi32>,
      %swap3A_144 = vector.shape_cast %swap3A_143 : vector<1x16xi32> to vector<16xi32>
      %swap3A_145 = vector.shape_cast %add3A_140 : vector<16xi32> to vector<1x16xi32>
      tpu.vector_store %arg6[%swap3A_141, %swap3A_142], %swap3A_145 {strides = array<i32>} : memref<80x128xi32, #tpu.memory_space<vmem>>, vector<1x16xi32>,
      %get3A_146 = arith.index_cast %scan3A_128 : i32 to index
      %get3A_147 = arith.constant 32 : index
      %get3A_148 = tpu.vector_load %arg6[%get3A_146, %get3A_147] {strides = array<i32>} : memref<80x128xi32, #tpu.memory_space<vmem>>, vector<1x16xi32>,
      %get3A_149 = vector.shape_cast %get3A_148 : vector<1x16xi32> to vector<16xi32>
      %add3A_150 = arith.addi %get3A_149, %broadcast_in_dim3A_4 : vector<16xi32>
      %swap3A_151 = arith.index_cast %scan3A_128 : i32 to index
      %swap3A_152 = arith.constant 32 : index
      %swap3A_153 = tpu.vector_load %arg6[%swap3A_151, %swap3A_152] {strides = array<i32>} : memref<80x128xi32, #tpu.memory_space<vmem>>, vector<1x16xi32>,
      %swap3A_154 = vector.shape_cast %swap3A_153 : vector<1x16xi32> to vector<16xi32>
      %swap3A_155 = vector.shape_cast %add3A_150 : vector<16xi32> to vector<1x16xi32>
      tpu.vector_store %arg6[%swap3A_151, %swap3A_152], %swap3A_155 {strides = array<i32>} : memref<80x128xi32, #tpu.memory_space<vmem>>, vector<1x16xi32>,
      %get3A_156 = arith.index_cast %scan3A_128 : i32 to index
      %get3A_157 = arith.constant 48 : index
      %get3A_158 = tpu.vector_load %arg6[%get3A_156, %get3A_157] {strides = array<i32>} : memref<80x128xi32, #tpu.memory_space<vmem>>, vector<1x16xi32>,
      %get3A_159 = vector.shape_cast %get3A_158 : vector<1x16xi32> to vector<16xi32>
      %add3A_160 = arith.addi %get3A_159, %broadcast_in_dim3A_4 : vector<16xi32>
      %swap3A_161 = arith.index_cast %scan3A_128 : i32 to index
      %swap3A_162 = arith.constant 48 : index
      %swap3A_163 = tpu.vector_load %arg6[%swap3A_161, %swap3A_162] {strides = array<i32>} : memref<80x128xi32, #tpu.memory_space<vmem>>, vector<1x16xi32>,
      %swap3A_164 = vector.shape_cast %swap3A_163 : vector<1x16xi32> to vector<16xi32>
      %swap3A_165 = vector.shape_cast %add3A_160 : vector<16xi32> to vector<1x16xi32>
      tpu.vector_store %arg6[%swap3A_161, %swap3A_162], %swap3A_165 {strides = array<i32>} : memref<80x128xi32, #tpu.memory_space<vmem>>, vector<1x16xi32>,
      %get3A_166 = arith.index_cast %scan3A_128 : i32 to index
      %get3A_167 = arith.constant 64 : index
      %get3A_168 = tpu.vector_load %arg6[%get3A_166, %get3A_167] {strides = array<i32>} : memref<80x128xi32, #tpu.memory_space<vmem>>, vector<1x16xi32>,
      %get3A_169 = vector.shape_cast %get3A_168 : vector<1x16xi32> to vector<16xi32>
      %add3A_170 = arith.addi %get3A_169, %broadcast_in_dim3A_4 : vector<16xi32>
      %swap3A_171 = arith.index_cast %scan3A_128 : i32 to index
      %swap3A_172 = arith.constant 64 : index
      %swap3A_173 = tpu.vector_load %arg6[%swap3A_171, %swap3A_172] {strides = array<i32>} : memref<80x128xi32, #tpu.memory_space<vmem>>, vector<1x16xi32>,
      %swap3A_174 = vector.shape_cast %swap3A_173 : vector<1x16xi32> to vector<16xi32>
      %swap3A_175 = vector.shape_cast %add3A_170 : vector<16xi32> to vector<1x16xi32>
      tpu.vector_store %arg6[%swap3A_171, %swap3A_172], %swap3A_175 {strides = array<i32>} : memref<80x128xi32, #tpu.memory_space<vmem>>, vector<1x16xi32>,
      %get3A_176 = arith.index_cast %scan3A_128 : i32 to index
      %get3A_177 = arith.constant 80 : index
      %get3A_178 = tpu.vector_load %arg6[%get3A_176, %get3A_177] {strides = array<i32>} : memref<80x128xi32, #tpu.memory_space<vmem>>, vector<1x16xi32>,
      %get3A_179 = vector.shape_cast %get3A_178 : vector<1x16xi32> to vector<16xi32>
      %add3A_180 = arith.addi %get3A_179, %broadcast_in_dim3A_4 : vector<16xi32>
      %swap3A_181 = arith.index_cast %scan3A_128 : i32 to index
      %swap3A_182 = arith.constant 80 : index
      %swap3A_183 = tpu.vector_load %arg6[%swap3A_181, %swap3A_182] {strides = array<i32>} : memref<80x128xi32, #tpu.memory_space<vmem>>, vector<1x16xi32>,
      %swap3A_184 = vector.shape_cast %swap3A_183 : vector<1x16xi32> to vector<16xi32>
      %swap3A_185 = vector.shape_cast %add3A_180 : vector<16xi32> to vector<1x16xi32>
      tpu.vector_store %arg6[%swap3A_181, %swap3A_182], %swap3A_185 {strides = array<i32>} : memref<80x128xi32, #tpu.memory_space<vmem>>, vector<1x16xi32>,
      %get3A_186 = arith.index_cast %scan3A_128 : i32 to index
      %get3A_187 = arith.constant 96 : index
      %get3A_188 = tpu.vector_load %arg6[%get3A_186, %get3A_187] {strides = array<i32>} : memref<80x128xi32, #tpu.memory_space<vmem>>, vector<1x16xi32>,
      %get3A_189 = vector.shape_cast %get3A_188 : vector<1x16xi32> to vector<16xi32>
      %add3A_190 = arith.addi %get3A_189, %broadcast_in_dim3A_4 : vector<16xi32>
      %swap3A_191 = arith.index_cast %scan3A_128 : i32 to index
      %swap3A_192 = arith.constant 96 : index
      %swap3A_193 = tpu.vector_load %arg6[%swap3A_191, %swap3A_192] {strides = array<i32>} : memref<80x128xi32, #tpu.memory_space<vmem>>, vector<1x16xi32>,
      %swap3A_194 = vector.shape_cast %swap3A_193 : vector<1x16xi32> to vector<16xi32>
      %swap3A_195 = vector.shape_cast %add3A_190 : vector<16xi32> to vector<1x16xi32>
      tpu.vector_store %arg6[%swap3A_191, %swap3A_192], %swap3A_195 {strides = array<i32>} : memref<80x128xi32, #tpu.memory_space<vmem>>, vector<1x16xi32>,
      %get3A_196 = arith.index_cast %scan3A_128 : i32 to index
      %get3A_197 = arith.constant 112 : index
      %get3A_198 = tpu.vector_load %arg6[%get3A_196, %get3A_197] {strides = array<i32>} : memref<80x128xi32, #tpu.memory_space<vmem>>, vector<1x16xi32>,
      %get3A_199 = vector.shape_cast %get3A_198 : vector<1x16xi32> to vector<16xi32>
      %add3A_200 = arith.addi %get3A_199, %broadcast_in_dim3A_4 : vector<16xi32>
      %swap3A_201 = arith.index_cast %scan3A_128 : i32 to index
      %swap3A_202 = arith.constant 112 : index
      %swap3A_203 = tpu.vector_load %arg6[%swap3A_201, %swap3A_202] {strides = array<i32>} : memref<80x128xi32, #tpu.memory_space<vmem>>, vector<1x16xi32>,
      %swap3A_204 = vector.shape_cast %swap3A_203 : vector<1x16xi32> to vector<16xi32>
      %swap3A_205 = vector.shape_cast %add3A_200 : vector<16xi32> to vector<1x16xi32>
      tpu.vector_store %arg6[%swap3A_201, %swap3A_202], %swap3A_205 {strides = array<i32>} : memref<80x128xi32, #tpu.memory_space<vmem>>, vector<1x16xi32>,
    }
    %scan3A_65 = arith.constant 80 : i32
    %dma_start3A_66 = arith.constant 0 : i32
    %dma_start3A_67 = arith.constant 0 : i32
    %dma_start3A_68 = tpu.memref_slice %arg6[%dma_start3A_66, %dma_start3A_67] : memref<80x128xi32, #tpu.memory_space<vmem>> -> memref<1x128xi32, #tpu.memory_space<vmem>>
    %dma_start3A_69 = tpu.memref_squeeze %dma_start3A_68 : memref<1x128xi32, #tpu.memory_space<vmem>> -> memref<128xi32, #tpu.memory_space<vmem>>
    %dma_start3A_70 = arith.constant 0 : i32
    %dma_start3A_71 = arith.constant 0 : i32
    %dma_start3A_72 = tpu.memref_slice %arg4[%dma_start3A_70, %dma_start3A_71] : memref<40960x64xf32, #tpu.memory_space<hbm>> -> memref<40960x64xf32, #tpu.memory_space<hbm>>
    tpu.enqueue_indirect_dma source(%dma_start3A_72 : memref<40960x64xf32, #tpu.memory_space<hbm>>) target(%arg9 : memref<128x64xf32, #tpu.memory_space<vmem>>) offsets(%dma_start3A_69 : memref<128xi32, #tpu.memory_space<vmem>>) semaphore(%arg13 : memref<!tpu.dma_semaphore, #tpu.memory_space<semaphore_mem>>)
    %dma_start3A_73 = arith.constant 1 : i32
    %dma_start3A_74 = arith.constant 0 : i32
    %dma_start3A_75 = tpu.memref_slice %arg6[%dma_start3A_73, %dma_start3A_74] : memref<80x128xi32, #tpu.memory_space<vmem>> -> memref<1x128xi32, #tpu.memory_space<vmem>>
    %dma_start3A_76 = tpu.memref_squeeze %dma_start3A_75 : memref<1x128xi32, #tpu.memory_space<vmem>> -> memref<128xi32, #tpu.memory_space<vmem>>
    %dma_start3A_77 = arith.constant 0 : i32
    %dma_start3A_78 = arith.constant 0 : i32
    %dma_start3A_79 = tpu.memref_slice %arg4[%dma_start3A_77, %dma_start3A_78] : memref<40960x64xf32, #tpu.memory_space<hbm>> -> memref<40960x64xf32, #tpu.memory_space<hbm>>
    tpu.enqueue_indirect_dma source(%dma_start3A_79 : memref<40960x64xf32, #tpu.memory_space<hbm>>) target(%arg8 : memref<128x64xf32, #tpu.memory_space<vmem>>) offsets(%dma_start3A_76 : memref<128xi32, #tpu.memory_space<vmem>>) semaphore(%arg12 : memref<!tpu.dma_semaphore, #tpu.memory_space<semaphore_mem>>)
    %scan3A_80 = arith.constant 0 : i32
    %scan3A_81 = arith.constant 0 : i32
    %scan3A_82 = arith.constant 5 : i32
    %scan3A_83 = arith.addi %scan3A_81, %scan3A_82 : i32
    %scan3A_84 = arith.constant 1 : i32
    scf.for %scan3A_128 = %scan3A_81 to %scan3A_83 step %scan3A_84  : i32 {
      %mul3A_129 = arith.constant 640 : i32
      %mul3A_130 = arith.muli %arg1, %mul3A_129 : i32
      %mul3A_131 = arith.constant 128 : i32
      %mul3A_132 = arith.muli %scan3A_128, %mul3A_131 : i32
      %add3A = arith.addi %mul3A_130, %mul3A_132 : i32
      "tpu.region"() ({
        %run_scoped3A_145 = tpu.sem_alloc : memref<!tpu.dma_semaphore, #tpu.memory_space<semaphore_mem>>
        %dma_start3A_146 = arith.constant 0 : i32
        %dma_start3A_147 = tpu.memref_slice %arg11[%add3A, %dma_start3A_146] : memref<10240x64xf32, #tpu.memory_space<vmem_shared>> -> memref<128x64xf32, #tpu.memory_space<vmem_shared>>
        %dma_start3A_148 = arith.constant 0 : i32
        %dma_start3A_149 = tpu.memref_slice %arg11[%add3A, %dma_start3A_148] : memref<10240x64xf32, #tpu.memory_space<vmem_shared>> -> memref<128x64xf32, #tpu.memory_space<vmem_shared>>
        tpu.enqueue_dma source(%dma_start3A_149 : memref<128x64xf32, #tpu.memory_space<vmem_shared>>) target(%arg10 : memref<128x64xf32, #tpu.memory_space<vmem>>) target_semaphore(%run_scoped3A_145 : memref<!tpu.dma_semaphore, #tpu.memory_space<semaphore_mem>>)
        %dma_wait3A_150 = arith.constant 0 : i32
        %dma_wait3A_151 = tpu.memref_slice %arg11[%add3A, %dma_wait3A_150] : memref<10240x64xf32, #tpu.memory_space<vmem_shared>> -> memref<128x64xf32, #tpu.memory_space<vmem_shared>>
        %dma_wait3A_152 = arith.constant 0 : i32
        %dma_wait3A_153 = tpu.memref_slice %arg11[%add3A, %dma_wait3A_152] : memref<10240x64xf32, #tpu.memory_space<vmem_shared>> -> memref<128x64xf32, #tpu.memory_space<vmem_shared>>
        tpu.wait_dma2 semaphore(%run_scoped3A_145 : memref<!tpu.dma_semaphore, #tpu.memory_space<semaphore_mem>>) src(%dma_wait3A_153 : memref<128x64xf32, #tpu.memory_space<vmem_shared>>) dst(%arg10 : memref<128x64xf32, #tpu.memory_space<vmem>>)
        tpu.yield
      }) : () -> ()
      %mul3A_133 = arith.constant 2 : i32
      %mul3A_134 = arith.muli %mul3A_133, %arg0 : i32
      %add3A_135 = arith.constant 0 : i32
      %add3A_136 = arith.addi %mul3A_134, %add3A_135 : i32
      %mul3A_137 = arith.constant 10240 : i32
      %mul3A_138 = arith.muli %add3A_136, %mul3A_137 : i32
      %mul3A_139 = arith.constant 640 : i32
      %mul3A_140 = arith.muli %arg1, %mul3A_139 : i32
      %add3A_141 = arith.addi %mul3A_138, %mul3A_140 : i32
      %mul3A_142 = arith.constant 128 : i32
      %mul3A_143 = arith.muli %scan3A_128, %mul3A_142 : i32
      %add3A_144 = arith.addi %add3A_141, %mul3A_143 : i32
      "tpu.region"() ({
        %run_scoped3A_145 = tpu.sem_alloc : memref<!tpu.dma_semaphore, #tpu.memory_space<semaphore_mem>>
        %dma_start3A_146 = arith.constant 0 : i32
        %dma_start3A_147 = tpu.memref_slice %arg5[%add3A_144, %dma_start3A_146] : memref<40960x64xf32, #tpu.memory_space<hbm>> -> memref<128x64xf32, #tpu.memory_space<hbm>>
        %dma_start3A_148 = arith.constant 0 : i32
        %dma_start3A_149 = tpu.memref_slice %arg5[%add3A_144, %dma_start3A_148] : memref<40960x64xf32, #tpu.memory_space<hbm>> -> memref<128x64xf32, #tpu.memory_space<hbm>>
        tpu.enqueue_dma source(%arg10 : memref<128x64xf32, #tpu.memory_space<vmem>>) target(%dma_start3A_149 : memref<128x64xf32, #tpu.memory_space<hbm>>) target_semaphore(%run_scoped3A_145 : memref<!tpu.dma_semaphore, #tpu.memory_space<semaphore_mem>>)
        %dma_wait3A_150 = arith.constant 0 : i32
        %dma_wait3A_151 = tpu.memref_slice %arg5[%add3A_144, %dma_wait3A_150] : memref<40960x64xf32, #tpu.memory_space<hbm>> -> memref<128x64xf32, #tpu.memory_space<hbm>>
        %dma_wait3A_152 = arith.constant 0 : i32
        %dma_wait3A_153 = tpu.memref_slice %arg5[%add3A_144, %dma_wait3A_152] : memref<40960x64xf32, #tpu.memory_space<hbm>> -> memref<128x64xf32, #tpu.memory_space<hbm>>
        tpu.wait_dma2 semaphore(%run_scoped3A_145 : memref<!tpu.dma_semaphore, #tpu.memory_space<semaphore_mem>>) src(%arg10 : memref<128x64xf32, #tpu.memory_space<vmem>>) dst(%dma_wait3A_153 : memref<128x64xf32, #tpu.memory_space<hbm>>)
        tpu.yield
      }) : () -> ()
    }
    %scan3A_85 = arith.constant 5 : i32
    %scan3A_86 = arith.constant 0 : i32
    %scan3A_87 = arith.constant 0 : i32
    %scan3A_88 = arith.constant 128 : i32
    %scan3A_89 = arith.addi %scan3A_87, %scan3A_88 : i32
    %scan3A_90 = arith.constant 1 : i32
    scf.for %scan3A_128 = %scan3A_87 to %scan3A_89 step %scan3A_90  : i32 {
      %swap3A = arith.index_cast %scan3A_128 : i32 to index
      %swap3A_129 = arith.constant 0 : index
      %swap3A_130 = tpu.vector_load %arg10[%swap3A, %swap3A_129] {strides = array<i32>} : memref<128x64xf32, #tpu.memory_space<vmem>>, vector<1x16xf32>,
      %swap3A_131 = vector.shape_cast %swap3A_130 : vector<1x16xf32> to vector<16xf32>
      %swap3A_132 = vector.shape_cast %broadcast_in_dim3A_0 : vector<16xf32> to vector<1x16xf32>
      tpu.vector_store %arg10[%swap3A, %swap3A_129], %swap3A_132 {strides = array<i32>} : memref<128x64xf32, #tpu.memory_space<vmem>>, vector<1x16xf32>,
      %swap3A_133 = arith.index_cast %scan3A_128 : i32 to index
      %swap3A_134 = arith.constant 16 : index
      %swap3A_135 = tpu.vector_load %arg10[%swap3A_133, %swap3A_134] {strides = array<i32>} : memref<128x64xf32, #tpu.memory_space<vmem>>, vector<1x16xf32>,
      %swap3A_136 = vector.shape_cast %swap3A_135 : vector<1x16xf32> to vector<16xf32>
      %swap3A_137 = vector.shape_cast %broadcast_in_dim3A_0 : vector<16xf32> to vector<1x16xf32>
      tpu.vector_store %arg10[%swap3A_133, %swap3A_134], %swap3A_137 {strides = array<i32>} : memref<128x64xf32, #tpu.memory_space<vmem>>, vector<1x16xf32>,
      %swap3A_138 = arith.index_cast %scan3A_128 : i32 to index
      %swap3A_139 = arith.constant 32 : index
      %swap3A_140 = tpu.vector_load %arg10[%swap3A_138, %swap3A_139] {strides = array<i32>} : memref<128x64xf32, #tpu.memory_space<vmem>>, vector<1x16xf32>,
      %swap3A_141 = vector.shape_cast %swap3A_140 : vector<1x16xf32> to vector<16xf32>
      %swap3A_142 = vector.shape_cast %broadcast_in_dim3A_0 : vector<16xf32> to vector<1x16xf32>
      tpu.vector_store %arg10[%swap3A_138, %swap3A_139], %swap3A_142 {strides = array<i32>} : memref<128x64xf32, #tpu.memory_space<vmem>>, vector<1x16xf32>,
      %swap3A_143 = arith.index_cast %scan3A_128 : i32 to index
      %swap3A_144 = arith.constant 48 : index
      %swap3A_145 = tpu.vector_load %arg10[%swap3A_143, %swap3A_144] {strides = array<i32>} : memref<128x64xf32, #tpu.memory_space<vmem>>, vector<1x16xf32>,
      %swap3A_146 = vector.shape_cast %swap3A_145 : vector<1x16xf32> to vector<16xf32>
      %swap3A_147 = vector.shape_cast %broadcast_in_dim3A_0 : vector<16xf32> to vector<1x16xf32>
      tpu.vector_store %arg10[%swap3A_143, %swap3A_144], %swap3A_147 {strides = array<i32>} : memref<128x64xf32, #tpu.memory_space<vmem>>, vector<1x16xf32>,
    }
    %scan3A_91 = arith.constant 128 : i32
    %scan3A_92 = arith.constant 0 : i32
    %scan3A_93 = arith.constant 0 : i32
    %scan3A_94 = arith.constant 5 : i32
    %scan3A_95 = arith.addi %scan3A_93, %scan3A_94 : i32
    %scan3A_96 = arith.constant 1 : i32
    scf.for %scan3A_128 = %scan3A_93 to %scan3A_95 step %scan3A_96  : i32 {
      %mul3A_129 = arith.constant 640 : i32
      %mul3A_130 = arith.muli %arg1, %mul3A_129 : i32
      %mul3A_131 = arith.constant 128 : i32
      %mul3A_132 = arith.muli %scan3A_128, %mul3A_131 : i32
      %add3A = arith.addi %mul3A_130, %mul3A_132 : i32
      "tpu.region"() ({
        %run_scoped3A_133 = tpu.sem_alloc : memref<!tpu.dma_semaphore, #tpu.memory_space<semaphore_mem>>
        %dma_start3A_134 = arith.constant 0 : i32
        %dma_start3A_135 = tpu.memref_slice %arg11[%add3A, %dma_start3A_134] : memref<10240x64xf32, #tpu.memory_space<vmem_shared>> -> memref<128x64xf32, #tpu.memory_space<vmem_shared>>
        %dma_start3A_136 = arith.constant 0 : i32
        %dma_start3A_137 = tpu.memref_slice %arg11[%add3A, %dma_start3A_136] : memref<10240x64xf32, #tpu.memory_space<vmem_shared>> -> memref<128x64xf32, #tpu.memory_space<vmem_shared>>
        tpu.enqueue_dma source(%arg10 : memref<128x64xf32, #tpu.memory_space<vmem>>) target(%dma_start3A_137 : memref<128x64xf32, #tpu.memory_space<vmem_shared>>) target_semaphore(%run_scoped3A_133 : memref<!tpu.dma_semaphore, #tpu.memory_space<semaphore_mem>>)
        %dma_wait3A_138 = arith.constant 0 : i32
        %dma_wait3A_139 = tpu.memref_slice %arg11[%add3A, %dma_wait3A_138] : memref<10240x64xf32, #tpu.memory_space<vmem_shared>> -> memref<128x64xf32, #tpu.memory_space<vmem_shared>>
        %dma_wait3A_140 = arith.constant 0 : i32
        %dma_wait3A_141 = tpu.memref_slice %arg11[%add3A, %dma_wait3A_140] : memref<10240x64xf32, #tpu.memory_space<vmem_shared>> -> memref<128x64xf32, #tpu.memory_space<vmem_shared>>
        tpu.wait_dma2 semaphore(%run_scoped3A_133 : memref<!tpu.dma_semaphore, #tpu.memory_space<semaphore_mem>>) src(%arg10 : memref<128x64xf32, #tpu.memory_space<vmem>>) dst(%dma_wait3A_141 : memref<128x64xf32, #tpu.memory_space<vmem_shared>>)
        tpu.yield
      }) : () -> ()
    }
    %scan3A_97 = arith.constant 5 : i32
    %barrier3A_98 = arith.constant 0 : index
    tpu.barrier barrier_id(%barrier3A_98)
    %scan3A_99 = arith.constant 0 : i32
    %scan3A_100 = arith.constant 0 : i32
    %scan3A_101 = arith.constant 26 : i32
    %scan3A_102 = arith.addi %scan3A_100, %scan3A_101 : i32
    %scan3A_103 = arith.constant 1 : i32
    scf.for %scan3A_128 = %scan3A_100 to %scan3A_102 step %scan3A_103  : i32 {
      %mul3A_129 = arith.constant 3 : i32
      %mul3A_130 = arith.muli %scan3A_128, %mul3A_129 : i32
      %add3A = arith.constant 0 : i32
      %add3A_131 = arith.addi %mul3A_130, %add3A : i32
      %dma_wait3A_132 = arith.constant 0 : i32
      %dma_wait3A_133 = arith.constant 0 : i32
      %dma_wait3A_134 = tpu.memref_slice %arg6[%dma_wait3A_132, %dma_wait3A_133] : memref<80x128xi32, #tpu.memory_space<vmem>> -> memref<1x128xi32, #tpu.memory_space<vmem>>
      %dma_wait3A_135 = tpu.memref_squeeze %dma_wait3A_134 : memref<1x128xi32, #tpu.memory_space<vmem>> -> memref<128xi32, #tpu.memory_space<vmem>>
      %dma_wait3A_136 = arith.constant 0 : i32
      %dma_wait3A_137 = arith.constant 0 : i32
      %dma_wait3A_138 = tpu.memref_slice %arg4[%dma_wait3A_136, %dma_wait3A_137] : memref<40960x64xf32, #tpu.memory_space<hbm>> -> memref<40960x64xf32, #tpu.memory_space<hbm>>
      tpu.wait_indirect_dma semaphore(%arg13 : memref<!tpu.dma_semaphore, #tpu.memory_space<semaphore_mem>>) src(%dma_wait3A_138 : memref<40960x64xf32, #tpu.memory_space<hbm>>) dst(%arg9 : memref<128x64xf32, #tpu.memory_space<vmem>>)
      %add3A_139 = arith.constant 2 : i32
      %add3A_140 = arith.addi %add3A_131, %add3A_139 : i32
      %rem3A = arith.constant 80 : i32
      %rem3A_141 = arith.remsi %add3A_140, %rem3A : i32
      %dma_start3A_142 = arith.constant 0 : i32
      %dma_start3A_143 = tpu.memref_slice %arg6[%rem3A_141, %dma_start3A_142] : memref<80x128xi32, #tpu.memory_space<vmem>> -> memref<1x128xi32, #tpu.memory_space<vmem>>
      %dma_start3A_144 = tpu.memref_squeeze %dma_start3A_143 : memref<1x128xi32, #tpu.memory_space<vmem>> -> memref<128xi32, #tpu.memory_space<vmem>>
      %dma_start3A_145 = arith.constant 0 : i32
      %dma_start3A_146 = arith.constant 0 : i32
      %dma_start3A_147 = tpu.memref_slice %arg4[%dma_start3A_145, %dma_start3A_146] : memref<40960x64xf32, #tpu.memory_space<hbm>> -> memref<40960x64xf32, #tpu.memory_space<hbm>>
      tpu.enqueue_indirect_dma source(%dma_start3A_147 : memref<40960x64xf32, #tpu.memory_space<hbm>>) target(%arg10 : memref<128x64xf32, #tpu.memory_space<vmem>>) offsets(%dma_start3A_144 : memref<128xi32, #tpu.memory_space<vmem>>) semaphore(%arg14 : memref<!tpu.dma_semaphore, #tpu.memory_space<semaphore_mem>>)
      "tpu.region"() ({
        %run_scoped3A_190 = tpu.sem_alloc : memref<!tpu.dma_semaphore, #tpu.memory_space<semaphore_mem>>
        %dma_start3A_191 = arith.constant 0 : i32
        %dma_start3A_192 = tpu.memref_slice %arg7[%add3A_131, %dma_start3A_191] : memref<80x128xi32, #tpu.memory_space<vmem>> -> memref<1x128xi32, #tpu.memory_space<vmem>>
        %dma_start3A_193 = tpu.memref_squeeze %dma_start3A_192 : memref<1x128xi32, #tpu.memory_space<vmem>> -> memref<128xi32, #tpu.memory_space<vmem>>
        %dma_start3A_194 = arith.constant 0 : i32
        %dma_start3A_195 = arith.constant 0 : i32
        %dma_start3A_196 = tpu.memref_slice %arg11[%dma_start3A_194, %dma_start3A_195] : memref<10240x64xf32, #tpu.memory_space<vmem_shared>> -> memref<10240x64xf32, #tpu.memory_space<vmem_shared>>
        tpu.enqueue_indirect_dma source(%arg9 : memref<128x64xf32, #tpu.memory_space<vmem>>) target(%dma_start3A_196 : memref<10240x64xf32, #tpu.memory_space<vmem_shared>>) offsets(%dma_start3A_193 : memref<128xi32, #tpu.memory_space<vmem>>) semaphore(%run_scoped3A_190 : memref<!tpu.dma_semaphore, #tpu.memory_space<semaphore_mem>>) {add = true}
        %dma_wait3A_197 = arith.constant 0 : i32
        %dma_wait3A_198 = tpu.memref_slice %arg7[%add3A_131, %dma_wait3A_197] : memref<80x128xi32, #tpu.memory_space<vmem>> -> memref<1x128xi32, #tpu.memory_space<vmem>>
        %dma_wait3A_199 = tpu.memref_squeeze %dma_wait3A_198 : memref<1x128xi32, #tpu.memory_space<vmem>> -> memref<128xi32, #tpu.memory_space<vmem>>
        %dma_wait3A_200 = arith.constant 0 : i32
        %dma_wait3A_201 = arith.constant 0 : i32
        %dma_wait3A_202 = tpu.memref_slice %arg11[%dma_wait3A_200, %dma_wait3A_201] : memref<10240x64xf32, #tpu.memory_space<vmem_shared>> -> memref<10240x64xf32, #tpu.memory_space<vmem_shared>>
        tpu.wait_indirect_dma semaphore(%run_scoped3A_190 : memref<!tpu.dma_semaphore, #tpu.memory_space<semaphore_mem>>) src(%arg9 : memref<128x64xf32, #tpu.memory_space<vmem>>) dst(%dma_wait3A_202 : memref<10240x64xf32, #tpu.memory_space<vmem_shared>>)
        tpu.yield
      }) : () -> ()
      %mul3A_148 = arith.constant 3 : i32
      %mul3A_149 = arith.muli %scan3A_128, %mul3A_148 : i32
      %add3A_150 = arith.constant 1 : i32
      %add3A_151 = arith.addi %mul3A_149, %add3A_150 : i32
      %dma_wait3A_152 = arith.constant 0 : i32
      %dma_wait3A_153 = arith.constant 0 : i32
      %dma_wait3A_154 = tpu.memref_slice %arg6[%dma_wait3A_152, %dma_wait3A_153] : memref<80x128xi32, #tpu.memory_space<vmem>> -> memref<1x128xi32, #tpu.memory_space<vmem>>
      %dma_wait3A_155 = tpu.memref_squeeze %dma_wait3A_154 : memref<1x128xi32, #tpu.memory_space<vmem>> -> memref<128xi32, #tpu.memory_space<vmem>>
      %dma_wait3A_156 = arith.constant 0 : i32
      %dma_wait3A_157 = arith.constant 0 : i32
      %dma_wait3A_158 = tpu.memref_slice %arg4[%dma_wait3A_156, %dma_wait3A_157] : memref<40960x64xf32, #tpu.memory_space<hbm>> -> memref<40960x64xf32, #tpu.memory_space<hbm>>
      tpu.wait_indirect_dma semaphore(%arg12 : memref<!tpu.dma_semaphore, #tpu.memory_space<semaphore_mem>>) src(%dma_wait3A_158 : memref<40960x64xf32, #tpu.memory_space<hbm>>) dst(%arg8 : memref<128x64xf32, #tpu.memory_space<vmem>>)
      %add3A_159 = arith.constant 2 : i32
      %add3A_160 = arith.addi %add3A_151, %add3A_159 : i32
      %rem3A_161 = arith.constant 80 : i32
      %rem3A_162 = arith.remsi %add3A_160, %rem3A_161 : i32
      %dma_start3A_163 = arith.constant 0 : i32
      %dma_start3A_164 = tpu.memref_slice %arg6[%rem3A_162, %dma_start3A_163] : memref<80x128xi32, #tpu.memory_space<vmem>> -> memref<1x128xi32, #tpu.memory_space<vmem>>
      %dma_start3A_165 = tpu.memref_squeeze %dma_start3A_164 : memref<1x128xi32, #tpu.memory_space<vmem>> -> memref<128xi32, #tpu.memory_space<vmem>>
      %dma_start3A_166 = arith.constant 0 : i32
      %dma_start3A_167 = arith.constant 0 : i32
      %dma_start3A_168 = tpu.memref_slice %arg4[%dma_start3A_166, %dma_start3A_167] : memref<40960x64xf32, #tpu.memory_space<hbm>> -> memref<40960x64xf32, #tpu.memory_space<hbm>>
      tpu.enqueue_indirect_dma source(%dma_start3A_168 : memref<40960x64xf32, #tpu.memory_space<hbm>>) target(%arg9 : memref<128x64xf32, #tpu.memory_space<vmem>>) offsets(%dma_start3A_165 : memref<128xi32, #tpu.memory_space<vmem>>) semaphore(%arg13 : memref<!tpu.dma_semaphore, #tpu.memory_space<semaphore_mem>>)
      "tpu.region"() ({
        %run_scoped3A_190 = tpu.sem_alloc : memref<!tpu.dma_semaphore, #tpu.memory_space<semaphore_mem>>
        %dma_start3A_191 = arith.constant 0 : i32
        %dma_start3A_192 = tpu.memref_slice %arg7[%add3A_151, %dma_start3A_191] : memref<80x128xi32, #tpu.memory_space<vmem>> -> memref<1x128xi32, #tpu.memory_space<vmem>>
        %dma_start3A_193 = tpu.memref_squeeze %dma_start3A_192 : memref<1x128xi32, #tpu.memory_space<vmem>> -> memref<128xi32, #tpu.memory_space<vmem>>
        %dma_start3A_194 = arith.constant 0 : i32
        %dma_start3A_195 = arith.constant 0 : i32
        %dma_start3A_196 = tpu.memref_slice %arg11[%dma_start3A_194, %dma_start3A_195] : memref<10240x64xf32, #tpu.memory_space<vmem_shared>> -> memref<10240x64xf32, #tpu.memory_space<vmem_shared>>
        tpu.enqueue_indirect_dma source(%arg8 : memref<128x64xf32, #tpu.memory_space<vmem>>) target(%dma_start3A_196 : memref<10240x64xf32, #tpu.memory_space<vmem_shared>>) offsets(%dma_start3A_193 : memref<128xi32, #tpu.memory_space<vmem>>) semaphore(%run_scoped3A_190 : memref<!tpu.dma_semaphore, #tpu.memory_space<semaphore_mem>>) {add = true}
        %dma_wait3A_197 = arith.constant 0 : i32
        %dma_wait3A_198 = tpu.memref_slice %arg7[%add3A_151, %dma_wait3A_197] : memref<80x128xi32, #tpu.memory_space<vmem>> -> memref<1x128xi32, #tpu.memory_space<vmem>>
        %dma_wait3A_199 = tpu.memref_squeeze %dma_wait3A_198 : memref<1x128xi32, #tpu.memory_space<vmem>> -> memref<128xi32, #tpu.memory_space<vmem>>
        %dma_wait3A_200 = arith.constant 0 : i32
        %dma_wait3A_201 = arith.constant 0 : i32
        %dma_wait3A_202 = tpu.memref_slice %arg11[%dma_wait3A_200, %dma_wait3A_201] : memref<10240x64xf32, #tpu.memory_space<vmem_shared>> -> memref<10240x64xf32, #tpu.memory_space<vmem_shared>>
        tpu.wait_indirect_dma semaphore(%run_scoped3A_190 : memref<!tpu.dma_semaphore, #tpu.memory_space<semaphore_mem>>) src(%arg8 : memref<128x64xf32, #tpu.memory_space<vmem>>) dst(%dma_wait3A_202 : memref<10240x64xf32, #tpu.memory_space<vmem_shared>>)
        tpu.yield
      }) : () -> ()
      %mul3A_169 = arith.constant 3 : i32
      %mul3A_170 = arith.muli %scan3A_128, %mul3A_169 : i32
      %add3A_171 = arith.constant 2 : i32
      %add3A_172 = arith.addi %mul3A_170, %add3A_171 : i32
      %dma_wait3A_173 = arith.constant 0 : i32
      %dma_wait3A_174 = arith.constant 0 : i32
      %dma_wait3A_175 = tpu.memref_slice %arg6[%dma_wait3A_173, %dma_wait3A_174] : memref<80x128xi32, #tpu.memory_space<vmem>> -> memref<1x128xi32, #tpu.memory_space<vmem>>
      %dma_wait3A_176 = tpu.memref_squeeze %dma_wait3A_175 : memref<1x128xi32, #tpu.memory_space<vmem>> -> memref<128xi32, #tpu.memory_space<vmem>>
      %dma_wait3A_177 = arith.constant 0 : i32
      %dma_wait3A_178 = arith.constant 0 : i32
      %dma_wait3A_179 = tpu.memref_slice %arg4[%dma_wait3A_177, %dma_wait3A_178] : memref<40960x64xf32, #tpu.memory_space<hbm>> -> memref<40960x64xf32, #tpu.memory_space<hbm>>
      tpu.wait_indirect_dma semaphore(%arg14 : memref<!tpu.dma_semaphore, #tpu.memory_space<semaphore_mem>>) src(%dma_wait3A_179 : memref<40960x64xf32, #tpu.memory_space<hbm>>) dst(%arg10 : memref<128x64xf32, #tpu.memory_space<vmem>>)
      %add3A_180 = arith.constant 2 : i32
      %add3A_181 = arith.addi %add3A_172, %add3A_180 : i32
      %rem3A_182 = arith.constant 80 : i32
      %rem3A_183 = arith.remsi %add3A_181, %rem3A_182 : i32
      %dma_start3A_184 = arith.constant 0 : i32
      %dma_start3A_185 = tpu.memref_slice %arg6[%rem3A_183, %dma_start3A_184] : memref<80x128xi32, #tpu.memory_space<vmem>> -> memref<1x128xi32, #tpu.memory_space<vmem>>
      %dma_start3A_186 = tpu.memref_squeeze %dma_start3A_185 : memref<1x128xi32, #tpu.memory_space<vmem>> -> memref<128xi32, #tpu.memory_space<vmem>>
      %dma_start3A_187 = arith.constant 0 : i32
      %dma_start3A_188 = arith.constant 0 : i32
      %dma_start3A_189 = tpu.memref_slice %arg4[%dma_start3A_187, %dma_start3A_188] : memref<40960x64xf32, #tpu.memory_space<hbm>> -> memref<40960x64xf32, #tpu.memory_space<hbm>>
      tpu.enqueue_indirect_dma source(%dma_start3A_189 : memref<40960x64xf32, #tpu.memory_space<hbm>>) target(%arg8 : memref<128x64xf32, #tpu.memory_space<vmem>>) offsets(%dma_start3A_186 : memref<128xi32, #tpu.memory_space<vmem>>) semaphore(%arg12 : memref<!tpu.dma_semaphore, #tpu.memory_space<semaphore_mem>>)
      "tpu.region"() ({
        %run_scoped3A_190 = tpu.sem_alloc : memref<!tpu.dma_semaphore, #tpu.memory_space<semaphore_mem>>
        %dma_start3A_191 = arith.constant 0 : i32
        %dma_start3A_192 = tpu.memref_slice %arg7[%add3A_172, %dma_start3A_191] : memref<80x128xi32, #tpu.memory_space<vmem>> -> memref<1x128xi32, #tpu.memory_space<vmem>>
        %dma_start3A_193 = tpu.memref_squeeze %dma_start3A_192 : memref<1x128xi32, #tpu.memory_space<vmem>> -> memref<128xi32, #tpu.memory_space<vmem>>
        %dma_start3A_194 = arith.constant 0 : i32
        %dma_start3A_195 = arith.constant 0 : i32
        %dma_start3A_196 = tpu.memref_slice %arg11[%dma_start3A_194, %dma_start3A_195] : memref<10240x64xf32, #tpu.memory_space<vmem_shared>> -> memref<10240x64xf32, #tpu.memory_space<vmem_shared>>
        tpu.enqueue_indirect_dma source(%arg10 : memref<128x64xf32, #tpu.memory_space<vmem>>) target(%dma_start3A_196 : memref<10240x64xf32, #tpu.memory_space<vmem_shared>>) offsets(%dma_start3A_193 : memref<128xi32, #tpu.memory_space<vmem>>) semaphore(%run_scoped3A_190 : memref<!tpu.dma_semaphore, #tpu.memory_space<semaphore_mem>>) {add = true}
        %dma_wait3A_197 = arith.constant 0 : i32
        %dma_wait3A_198 = tpu.memref_slice %arg7[%add3A_172, %dma_wait3A_197] : memref<80x128xi32, #tpu.memory_space<vmem>> -> memref<1x128xi32, #tpu.memory_space<vmem>>
        %dma_wait3A_199 = tpu.memref_squeeze %dma_wait3A_198 : memref<1x128xi32, #tpu.memory_space<vmem>> -> memref<128xi32, #tpu.memory_space<vmem>>
        %dma_wait3A_200 = arith.constant 0 : i32
        %dma_wait3A_201 = arith.constant 0 : i32
        %dma_wait3A_202 = tpu.memref_slice %arg11[%dma_wait3A_200, %dma_wait3A_201] : memref<10240x64xf32, #tpu.memory_space<vmem_shared>> -> memref<10240x64xf32, #tpu.memory_space<vmem_shared>>
        tpu.wait_indirect_dma semaphore(%run_scoped3A_190 : memref<!tpu.dma_semaphore, #tpu.memory_space<semaphore_mem>>) src(%arg10 : memref<128x64xf32, #tpu.memory_space<vmem>>) dst(%dma_wait3A_202 : memref<10240x64xf32, #tpu.memory_space<vmem_shared>>)
        tpu.yield
      }) : () -> ()
    }
    %scan3A_104 = arith.constant 26 : i32
    %dma_wait3A_105 = arith.constant 0 : i32
    %dma_wait3A_106 = arith.constant 0 : i32
    %dma_wait3A_107 = tpu.memref_slice %arg6[%dma_wait3A_105, %dma_wait3A_106] : memref<80x128xi32, #tpu.memory_space<vmem>> -> memref<1x128xi32, #tpu.memory_space<vmem>>
    %dma_wait3A_108 = tpu.memref_squeeze %dma_wait3A_107 : memref<1x128xi32, #tpu.memory_space<vmem>> -> memref<128xi32, #tpu.memory_space<vmem>>
    %dma_wait3A_109 = arith.constant 0 : i32
    %dma_wait3A_110 = arith.constant 0 : i32
    %dma_wait3A_111 = tpu.memref_slice %arg4[%dma_wait3A_109, %dma_wait3A_110] : memref<40960x64xf32, #tpu.memory_space<hbm>> -> memref<40960x64xf32, #tpu.memory_space<hbm>>
    tpu.wait_indirect_dma semaphore(%arg13 : memref<!tpu.dma_semaphore, #tpu.memory_space<semaphore_mem>>) src(%dma_wait3A_111 : memref<40960x64xf32, #tpu.memory_space<hbm>>) dst(%arg9 : memref<128x64xf32, #tpu.memory_space<vmem>>)
    %run_scoped3A_112 = arith.constant 78 : i32
    "tpu.region"() ({
      %run_scoped3A_128 = tpu.sem_alloc : memref<!tpu.dma_semaphore, #tpu.memory_space<semaphore_mem>>
      %dma_start3A_129 = arith.constant 0 : i32
      %dma_start3A_130 = tpu.memref_slice %arg7[%run_scoped3A_112, %dma_start3A_129] : memref<80x128xi32, #tpu.memory_space<vmem>> -> memref<1x128xi32, #tpu.memory_space<vmem>>
      %dma_start3A_131 = tpu.memref_squeeze %dma_start3A_130 : memref<1x128xi32, #tpu.memory_space<vmem>> -> memref<128xi32, #tpu.memory_space<vmem>>
      %dma_start3A_132 = arith.constant 0 : i32
      %dma_start3A_133 = arith.constant 0 : i32
      %dma_start3A_134 = tpu.memref_slice %arg11[%dma_start3A_132, %dma_start3A_133] : memref<10240x64xf32, #tpu.memory_space<vmem_shared>> -> memref<10240x64xf32, #tpu.memory_space<vmem_shared>>
      tpu.enqueue_indirect_dma source(%arg9 : memref<128x64xf32, #tpu.memory_space<vmem>>) target(%dma_start3A_134 : memref<10240x64xf32, #tpu.memory_space<vmem_shared>>) offsets(%dma_start3A_131 : memref<128xi32, #tpu.memory_space<vmem>>) semaphore(%run_scoped3A_128 : memref<!tpu.dma_semaphore, #tpu.memory_space<semaphore_mem>>) {add = true}
      %dma_wait3A_135 = arith.constant 0 : i32
      %dma_wait3A_136 = tpu.memref_slice %arg7[%run_scoped3A_112, %dma_wait3A_135] : memref<80x128xi32, #tpu.memory_space<vmem>> -> memref<1x128xi32, #tpu.memory_space<vmem>>
      %dma_wait3A_137 = tpu.memref_squeeze %dma_wait3A_136 : memref<1x128xi32, #tpu.memory_space<vmem>> -> memref<128xi32, #tpu.memory_space<vmem>>
      %dma_wait3A_138 = arith.constant 0 : i32
      %dma_wait3A_139 = arith.constant 0 : i32
      %dma_wait3A_140 = tpu.memref_slice %arg11[%dma_wait3A_138, %dma_wait3A_139] : memref<10240x64xf32, #tpu.memory_space<vmem_shared>> -> memref<10240x64xf32, #tpu.memory_space<vmem_shared>>
      tpu.wait_indirect_dma semaphore(%run_scoped3A_128 : memref<!tpu.dma_semaphore, #tpu.memory_space<semaphore_mem>>) src(%arg9 : memref<128x64xf32, #tpu.memory_space<vmem>>) dst(%dma_wait3A_140 : memref<10240x64xf32, #tpu.memory_space<vmem_shared>>)
      tpu.yield
    }) : () -> ()
    %dma_wait3A_113 = arith.constant 0 : i32
    %dma_wait3A_114 = arith.constant 0 : i32
    %dma_wait3A_115 = tpu.memref_slice %arg6[%dma_wait3A_113, %dma_wait3A_114] : memref<80x128xi32, #tpu.memory_space<vmem>> -> memref<1x128xi32, #tpu.memory_space<vmem>>
    %dma_wait3A_116 = tpu.memref_squeeze %dma_wait3A_115 : memref<1x128xi32, #tpu.memory_space<vmem>> -> memref<128xi32, #tpu.memory_space<vmem>>
    %dma_wait3A_117 = arith.constant 0 : i32
    %dma_wait3A_118 = arith.constant 0 : i32
    %dma_wait3A_119 = tpu.memref_slice %arg4[%dma_wait3A_117, %dma_wait3A_118] : memref<40960x64xf32, #tpu.memory_space<hbm>> -> memref<40960x64xf32, #tpu.memory_space<hbm>>
    tpu.wait_indirect_dma semaphore(%arg12 : memref<!tpu.dma_semaphore, #tpu.memory_space<semaphore_mem>>) src(%dma_wait3A_119 : memref<40960x64xf32, #tpu.memory_space<hbm>>) dst(%arg8 : memref<128x64xf32, #tpu.memory_space<vmem>>)
    %run_scoped3A_120 = arith.constant 79 : i32
    "tpu.region"() ({
      %run_scoped3A_128 = tpu.sem_alloc : memref<!tpu.dma_semaphore, #tpu.memory_space<semaphore_mem>>
      %dma_start3A_129 = arith.constant 0 : i32
      %dma_start3A_130 = tpu.memref_slice %arg7[%run_scoped3A_120, %dma_start3A_129] : memref<80x128xi32, #tpu.memory_space<vmem>> -> memref<1x128xi32, #tpu.memory_space<vmem>>
      %dma_start3A_131 = tpu.memref_squeeze %dma_start3A_130 : memref<1x128xi32, #tpu.memory_space<vmem>> -> memref<128xi32, #tpu.memory_space<vmem>>
      %dma_start3A_132 = arith.constant 0 : i32
      %dma_start3A_133 = arith.constant 0 : i32
      %dma_start3A_134 = tpu.memref_slice %arg11[%dma_start3A_132, %dma_start3A_133] : memref<10240x64xf32, #tpu.memory_space<vmem_shared>> -> memref<10240x64xf32, #tpu.memory_space<vmem_shared>>
      tpu.enqueue_indirect_dma source(%arg8 : memref<128x64xf32, #tpu.memory_space<vmem>>) target(%dma_start3A_134 : memref<10240x64xf32, #tpu.memory_space<vmem_shared>>) offsets(%dma_start3A_131 : memref<128xi32, #tpu.memory_space<vmem>>) semaphore(%run_scoped3A_128 : memref<!tpu.dma_semaphore, #tpu.memory_space<semaphore_mem>>) {add = true}
      %dma_wait3A_135 = arith.constant 0 : i32
      %dma_wait3A_136 = tpu.memref_slice %arg7[%run_scoped3A_120, %dma_wait3A_135] : memref<80x128xi32, #tpu.memory_space<vmem>> -> memref<1x128xi32, #tpu.memory_space<vmem>>
      %dma_wait3A_137 = tpu.memref_squeeze %dma_wait3A_136 : memref<1x128xi32, #tpu.memory_space<vmem>> -> memref<128xi32, #tpu.memory_space<vmem>>
      %dma_wait3A_138 = arith.constant 0 : i32
      %dma_wait3A_139 = arith.constant 0 : i32
      %dma_wait3A_140 = tpu.memref_slice %arg11[%dma_wait3A_138, %dma_wait3A_139] : memref<10240x64xf32, #tpu.memory_space<vmem_shared>> -> memref<10240x64xf32, #tpu.memory_space<vmem_shared>>
      tpu.wait_indirect_dma semaphore(%run_scoped3A_128 : memref<!tpu.dma_semaphore, #tpu.memory_space<semaphore_mem>>) src(%arg8 : memref<128x64xf32, #tpu.memory_space<vmem>>) dst(%dma_wait3A_140 : memref<10240x64xf32, #tpu.memory_space<vmem_shared>>)
      tpu.yield
    }) : () -> ()
    %barrier3A_121 = arith.constant 0 : index
    tpu.barrier barrier_id(%barrier3A_121)
    %scan3A_122 = arith.constant 0 : i32
    %scan3A_123 = arith.constant 0 : i32
    %scan3A_124 = arith.constant 5 : i32
    %scan3A_125 = arith.addi %scan3A_123, %scan3A_124 : i32
    %scan3A_126 = arith.constant 1 : i32
    scf.for %scan3A_128 = %scan3A_123 to %scan3A_125 step %scan3A_126  : i32 {
      %mul3A_129 = arith.constant 640 : i32
      %mul3A_130 = arith.muli %arg1, %mul3A_129 : i32
      %mul3A_131 = arith.constant 128 : i32
      %mul3A_132 = arith.muli %scan3A_128, %mul3A_131 : i32
      %add3A = arith.addi %mul3A_130, %mul3A_132 : i32
      "tpu.region"() ({
        %run_scoped3A_145 = tpu.sem_alloc : memref<!tpu.dma_semaphore, #tpu.memory_space<semaphore_mem>>
        %dma_start3A_146 = arith.constant 0 : i32
        %dma_start3A_147 = tpu.memref_slice %arg11[%add3A, %dma_start3A_146] : memref<10240x64xf32, #tpu.memory_space<vmem_shared>> -> memref<128x64xf32, #tpu.memory_space<vmem_shared>>
        %dma_start3A_148 = arith.constant 0 : i32
        %dma_start3A_149 = tpu.memref_slice %arg11[%add3A, %dma_start3A_148] : memref<10240x64xf32, #tpu.memory_space<vmem_shared>> -> memref<128x64xf32, #tpu.memory_space<vmem_shared>>
        tpu.enqueue_dma source(%dma_start3A_149 : memref<128x64xf32, #tpu.memory_space<vmem_shared>>) target(%arg10 : memref<128x64xf32, #tpu.memory_space<vmem>>) target_semaphore(%run_scoped3A_145 : memref<!tpu.dma_semaphore, #tpu.memory_space<semaphore_mem>>)
        %dma_wait3A_150 = arith.constant 0 : i32
        %dma_wait3A_151 = tpu.memref_slice %arg11[%add3A, %dma_wait3A_150] : memref<10240x64xf32, #tpu.memory_space<vmem_shared>> -> memref<128x64xf32, #tpu.memory_space<vmem_shared>>
        %dma_wait3A_152 = arith.constant 0 : i32
        %dma_wait3A_153 = tpu.memref_slice %arg11[%add3A, %dma_wait3A_152] : memref<10240x64xf32, #tpu.memory_space<vmem_shared>> -> memref<128x64xf32, #tpu.memory_space<vmem_shared>>
        tpu.wait_dma2 semaphore(%run_scoped3A_145 : memref<!tpu.dma_semaphore, #tpu.memory_space<semaphore_mem>>) src(%dma_wait3A_153 : memref<128x64xf32, #tpu.memory_space<vmem_shared>>) dst(%arg10 : memref<128x64xf32, #tpu.memory_space<vmem>>)
        tpu.yield
      }) : () -> ()
      %mul3A_133 = arith.constant 2 : i32
      %mul3A_134 = arith.muli %mul3A_133, %arg0 : i32
      %add3A_135 = arith.constant 1 : i32
      %add3A_136 = arith.addi %mul3A_134, %add3A_135 : i32
      %mul3A_137 = arith.constant 10240 : i32
      %mul3A_138 = arith.muli %add3A_136, %mul3A_137 : i32
      %mul3A_139 = arith.constant 640 : i32
      %mul3A_140 = arith.muli %arg1, %mul3A_139 : i32
      %add3A_141 = arith.addi %mul3A_138, %mul3A_140 : i32
      %mul3A_142 = arith.constant 128 : i32
      %mul3A_143 = arith.muli %scan3A_128, %mul3A_142 : i32
      %add3A_144 = arith.addi %add3A_141, %mul3A_143 : i32
      "tpu.region"() ({
        %run_scoped3A_145 = tpu.sem_alloc : memref<!tpu.dma_semaphore, #tpu.memory_space<semaphore_mem>>
        %dma_start3A_146 = arith.constant 0 : i32
        %dma_start3A_147 = tpu.memref_slice %arg5[%add3A_144, %dma_start3A_146] : memref<40960x64xf32, #tpu.memory_space<hbm>> -> memref<128x64xf32, #tpu.memory_space<hbm>>
        %dma_start3A_148 = arith.constant 0 : i32
        %dma_start3A_149 = tpu.memref_slice %arg5[%add3A_144, %dma_start3A_148] : memref<40960x64xf32, #tpu.memory_space<hbm>> -> memref<128x64xf32, #tpu.memory_space<hbm>>
        tpu.enqueue_dma source(%arg10 : memref<128x64xf32, #tpu.memory_space<vmem>>) target(%dma_start3A_149 : memref<128x64xf32, #tpu.memory_space<hbm>>) target_semaphore(%run_scoped3A_145 : memref<!tpu.dma_semaphore, #tpu.memory_space<semaphore_mem>>)
        %dma_wait3A_150 = arith.constant 0 : i32
        %dma_wait3A_151 = tpu.memref_slice %arg5[%add3A_144, %dma_wait3A_150] : memref<40960x64xf32, #tpu.memory_space<hbm>> -> memref<128x64xf32, #tpu.memory_space<hbm>>
        %dma_wait3A_152 = arith.constant 0 : i32
        %dma_wait3A_153 = tpu.memref_slice %arg5[%add3A_144, %dma_wait3A_152] : memref<40960x64xf32, #tpu.memory_space<hbm>> -> memref<128x64xf32, #tpu.memory_space<hbm>>
        tpu.wait_dma2 semaphore(%run_scoped3A_145 : memref<!tpu.dma_semaphore, #tpu.memory_space<semaphore_mem>>) src(%arg10 : memref<128x64xf32, #tpu.memory_space<vmem>>) dst(%dma_wait3A_153 : memref<128x64xf32, #tpu.memory_space<hbm>>)
        tpu.yield
      }) : () -> ()
    }
    %scan3A_127 = arith.constant 5 : i32
    return
  }
}

#map = affine_map<(d0, d1) -> (0, 0)>
#map1 = affine_map<(d0, d1) -> (0)>
module attributes {stable_mosaic.version = 14 : i64} {
  func.func @k(%arg0: i32, %arg1: i32, %arg2: memref<1280x128xi32, #tpu.memory_space<hbm>>, %arg3: memref<20480xf32, #tpu.memory_space<hbm>>, %arg4: memref<40x128xi32, #tpu.memory_space<vmem>>, %arg5: memref<128xf32, #tpu.memory_space<vmem>>, %arg6: memref<640xf32, #tpu.memory_space<vmem>>, %arg7: memref<10240xf32, #tpu.memory_space<vmem_shared>>, %arg8: memref<!tpu.dma_semaphore, #tpu.memory_space<semaphore_mem>>) attributes {dimension_semantics = [#tpu.dimension_semantics<core_parallel>, #tpu.dimension_semantics<subcore_parallel>], iteration_bounds = array<i64: 2, 16>, scalar_prefetch = 0 : i64, scratch_operands = 5 : i64, tpu.core_type = #tpu.core_type<sc_vector_subcore>, window_params = [{transform_indices = #map}, {transform_indices = #map1}]} {
    %mul3A = arith.constant 16 : i32
    %mul3A_0 = arith.muli %arg0, %mul3A : i32
    %add3A = arith.addi %mul3A_0, %arg1 : i32
    %broadcast_in_dim3A = arith.constant 1.000000e+00 : f32
    %broadcast_in_dim3A_1 = vector.broadcast %broadcast_in_dim3A : f32 to vector<16xf32>
    %broadcast_in_dim3A_2 = arith.constant 0.000000e+00 : f32
    %broadcast_in_dim3A_3 = vector.broadcast %broadcast_in_dim3A_2 : f32 to vector<16xf32>
    %swap3A = arith.constant 0 : index
    %swap3A_4 = tpu.vector_load %arg5[%swap3A] {strides = array<i32>} : memref<128xf32, #tpu.memory_space<vmem>>, vector<16xf32>,
    %swap3A_5 = vector.shape_cast %swap3A_4 : vector<16xf32> to vector<16xf32>
    %swap3A_6 = vector.shape_cast %broadcast_in_dim3A_1 : vector<16xf32> to vector<16xf32>
    tpu.vector_store %arg5[%swap3A], %swap3A_6 {strides = array<i32>} : memref<128xf32, #tpu.memory_space<vmem>>, vector<16xf32>,
    %swap3A_7 = arith.constant 16 : index
    %swap3A_8 = tpu.vector_load %arg5[%swap3A_7] {strides = array<i32>} : memref<128xf32, #tpu.memory_space<vmem>>, vector<16xf32>,
    %swap3A_9 = vector.shape_cast %swap3A_8 : vector<16xf32> to vector<16xf32>
    %swap3A_10 = vector.shape_cast %broadcast_in_dim3A_1 : vector<16xf32> to vector<16xf32>
    tpu.vector_store %arg5[%swap3A_7], %swap3A_10 {strides = array<i32>} : memref<128xf32, #tpu.memory_space<vmem>>, vector<16xf32>,
    %swap3A_11 = arith.constant 32 : index
    %swap3A_12 = tpu.vector_load %arg5[%swap3A_11] {strides = array<i32>} : memref<128xf32, #tpu.memory_space<vmem>>, vector<16xf32>,
    %swap3A_13 = vector.shape_cast %swap3A_12 : vector<16xf32> to vector<16xf32>
    %swap3A_14 = vector.shape_cast %broadcast_in_dim3A_1 : vector<16xf32> to vector<16xf32>
    tpu.vector_store %arg5[%swap3A_11], %swap3A_14 {strides = array<i32>} : memref<128xf32, #tpu.memory_space<vmem>>, vector<16xf32>,
    %swap3A_15 = arith.constant 48 : index
    %swap3A_16 = tpu.vector_load %arg5[%swap3A_15] {strides = array<i32>} : memref<128xf32, #tpu.memory_space<vmem>>, vector<16xf32>,
    %swap3A_17 = vector.shape_cast %swap3A_16 : vector<16xf32> to vector<16xf32>
    %swap3A_18 = vector.shape_cast %broadcast_in_dim3A_1 : vector<16xf32> to vector<16xf32>
    tpu.vector_store %arg5[%swap3A_15], %swap3A_18 {strides = array<i32>} : memref<128xf32, #tpu.memory_space<vmem>>, vector<16xf32>,
    %swap3A_19 = arith.constant 64 : index
    %swap3A_20 = tpu.vector_load %arg5[%swap3A_19] {strides = array<i32>} : memref<128xf32, #tpu.memory_space<vmem>>, vector<16xf32>,
    %swap3A_21 = vector.shape_cast %swap3A_20 : vector<16xf32> to vector<16xf32>
    %swap3A_22 = vector.shape_cast %broadcast_in_dim3A_1 : vector<16xf32> to vector<16xf32>
    tpu.vector_store %arg5[%swap3A_19], %swap3A_22 {strides = array<i32>} : memref<128xf32, #tpu.memory_space<vmem>>, vector<16xf32>,
    %swap3A_23 = arith.constant 80 : index
    %swap3A_24 = tpu.vector_load %arg5[%swap3A_23] {strides = array<i32>} : memref<128xf32, #tpu.memory_space<vmem>>, vector<16xf32>,
    %swap3A_25 = vector.shape_cast %swap3A_24 : vector<16xf32> to vector<16xf32>
    %swap3A_26 = vector.shape_cast %broadcast_in_dim3A_1 : vector<16xf32> to vector<16xf32>
    tpu.vector_store %arg5[%swap3A_23], %swap3A_26 {strides = array<i32>} : memref<128xf32, #tpu.memory_space<vmem>>, vector<16xf32>,
    %swap3A_27 = arith.constant 96 : index
    %swap3A_28 = tpu.vector_load %arg5[%swap3A_27] {strides = array<i32>} : memref<128xf32, #tpu.memory_space<vmem>>, vector<16xf32>,
    %swap3A_29 = vector.shape_cast %swap3A_28 : vector<16xf32> to vector<16xf32>
    %swap3A_30 = vector.shape_cast %broadcast_in_dim3A_1 : vector<16xf32> to vector<16xf32>
    tpu.vector_store %arg5[%swap3A_27], %swap3A_30 {strides = array<i32>} : memref<128xf32, #tpu.memory_space<vmem>>, vector<16xf32>,
    %swap3A_31 = arith.constant 112 : index
    %swap3A_32 = tpu.vector_load %arg5[%swap3A_31] {strides = array<i32>} : memref<128xf32, #tpu.memory_space<vmem>>, vector<16xf32>,
    %swap3A_33 = vector.shape_cast %swap3A_32 : vector<16xf32> to vector<16xf32>
    %swap3A_34 = vector.shape_cast %broadcast_in_dim3A_1 : vector<16xf32> to vector<16xf32>
    tpu.vector_store %arg5[%swap3A_31], %swap3A_34 {strides = array<i32>} : memref<128xf32, #tpu.memory_space<vmem>>, vector<16xf32>,
    %scan3A = arith.constant 0 : i32
    %scan3A_35 = arith.constant 0 : i32
    %scan3A_36 = arith.constant 40 : i32
    %scan3A_37 = arith.addi %scan3A_35, %scan3A_36 : i32
    %scan3A_38 = arith.constant 1 : i32
    scf.for %scan3A_64 = %scan3A_35 to %scan3A_37 step %scan3A_38  : i32 {
      %mul3A_65 = arith.constant 16 : i32
      %mul3A_66 = arith.muli %scan3A_64, %mul3A_65 : i32
      %swap3A_67 = arith.index_cast %mul3A_66 : i32 to index
      %swap3A_68 = tpu.vector_load %arg6[%swap3A_67] {strides = array<i32>} : memref<640xf32, #tpu.memory_space<vmem>>, vector<16xf32>,
      %swap3A_69 = vector.shape_cast %swap3A_68 : vector<16xf32> to vector<16xf32>
      %swap3A_70 = vector.shape_cast %broadcast_in_dim3A_3 : vector<16xf32> to vector<16xf32>
      tpu.vector_store %arg6[%swap3A_67], %swap3A_70 {strides = array<i32>} : memref<640xf32, #tpu.memory_space<vmem>>, vector<16xf32>,
    }
    %scan3A_39 = arith.constant 40 : i32
    %mul3A_40 = arith.constant 640 : i32
    %mul3A_41 = arith.muli %arg1, %mul3A_40 : i32
    "tpu.region"() ({
      %run_scoped3A = tpu.sem_alloc : memref<!tpu.dma_semaphore, #tpu.memory_space<semaphore_mem>>
      %dma_start3A = tpu.memref_slice %arg7[%mul3A_41] : memref<10240xf32, #tpu.memory_space<vmem_shared>> -> memref<640xf32, #tpu.memory_space<vmem_shared>>
      %dma_start3A_64 = tpu.memref_slice %arg7[%mul3A_41] : memref<10240xf32, #tpu.memory_space<vmem_shared>> -> memref<640xf32, #tpu.memory_space<vmem_shared>>
      tpu.enqueue_dma source(%arg6 : memref<640xf32, #tpu.memory_space<vmem>>) target(%dma_start3A_64 : memref<640xf32, #tpu.memory_space<vmem_shared>>) target_semaphore(%run_scoped3A : memref<!tpu.dma_semaphore, #tpu.memory_space<semaphore_mem>>)
      %dma_wait3A = tpu.memref_slice %arg7[%mul3A_41] : memref<10240xf32, #tpu.memory_space<vmem_shared>> -> memref<640xf32, #tpu.memory_space<vmem_shared>>
      %dma_wait3A_65 = tpu.memref_slice %arg7[%mul3A_41] : memref<10240xf32, #tpu.memory_space<vmem_shared>> -> memref<640xf32, #tpu.memory_space<vmem_shared>>
      tpu.wait_dma2 semaphore(%run_scoped3A : memref<!tpu.dma_semaphore, #tpu.memory_space<semaphore_mem>>) src(%arg6 : memref<640xf32, #tpu.memory_space<vmem>>) dst(%dma_wait3A_65 : memref<640xf32, #tpu.memory_space<vmem_shared>>)
      tpu.yield
    }) : () -> ()
    %mul3A_42 = arith.constant 40 : i32
    %mul3A_43 = arith.muli %add3A, %mul3A_42 : i32
    "tpu.region"() ({
      %run_scoped3A = tpu.sem_alloc : memref<!tpu.dma_semaphore, #tpu.memory_space<semaphore_mem>>
      %dma_start3A = arith.constant 0 : i32
      %dma_start3A_64 = tpu.memref_slice %arg2[%mul3A_43, %dma_start3A] : memref<1280x128xi32, #tpu.memory_space<hbm>> -> memref<40x128xi32, #tpu.memory_space<hbm>>
      %dma_start3A_65 = arith.constant 0 : i32
      %dma_start3A_66 = tpu.memref_slice %arg2[%mul3A_43, %dma_start3A_65] : memref<1280x128xi32, #tpu.memory_space<hbm>> -> memref<40x128xi32, #tpu.memory_space<hbm>>
      tpu.enqueue_dma source(%dma_start3A_66 : memref<40x128xi32, #tpu.memory_space<hbm>>) target(%arg4 : memref<40x128xi32, #tpu.memory_space<vmem>>) target_semaphore(%run_scoped3A : memref<!tpu.dma_semaphore, #tpu.memory_space<semaphore_mem>>)
      %dma_wait3A = arith.constant 0 : i32
      %dma_wait3A_67 = tpu.memref_slice %arg2[%mul3A_43, %dma_wait3A] : memref<1280x128xi32, #tpu.memory_space<hbm>> -> memref<40x128xi32, #tpu.memory_space<hbm>>
      %dma_wait3A_68 = arith.constant 0 : i32
      %dma_wait3A_69 = tpu.memref_slice %arg2[%mul3A_43, %dma_wait3A_68] : memref<1280x128xi32, #tpu.memory_space<hbm>> -> memref<40x128xi32, #tpu.memory_space<hbm>>
      tpu.wait_dma2 semaphore(%run_scoped3A : memref<!tpu.dma_semaphore, #tpu.memory_space<semaphore_mem>>) src(%dma_wait3A_69 : memref<40x128xi32, #tpu.memory_space<hbm>>) dst(%arg4 : memref<40x128xi32, #tpu.memory_space<vmem>>)
      tpu.yield
    }) : () -> ()
    %barrier3A = arith.constant 0 : index
    tpu.barrier barrier_id(%barrier3A)
    %scan3A_44 = arith.constant 0 : i32
    %scan3A_45 = arith.constant 0 : i32
    %scan3A_46 = arith.constant 40 : i32
    %scan3A_47 = arith.addi %scan3A_45, %scan3A_46 : i32
    %scan3A_48 = arith.constant 1 : i32
    scf.for %scan3A_64 = %scan3A_45 to %scan3A_47 step %scan3A_48  : i32 {
      %dma_start3A = arith.constant 0 : i32
      %dma_start3A_65 = tpu.memref_slice %arg4[%scan3A_64, %dma_start3A] : memref<40x128xi32, #tpu.memory_space<vmem>> -> memref<1x128xi32, #tpu.memory_space<vmem>>
      %dma_start3A_66 = tpu.memref_squeeze %dma_start3A_65 : memref<1x128xi32, #tpu.memory_space<vmem>> -> memref<128xi32, #tpu.memory_space<vmem>>
      %dma_start3A_67 = arith.constant 0 : i32
      %dma_start3A_68 = tpu.memref_slice %arg7[%dma_start3A_67] : memref<10240xf32, #tpu.memory_space<vmem_shared>> -> memref<10240xf32, #tpu.memory_space<vmem_shared>>
      tpu.enqueue_indirect_dma source(%arg5 : memref<128xf32, #tpu.memory_space<vmem>>) target(%dma_start3A_68 : memref<10240xf32, #tpu.memory_space<vmem_shared>>) offsets(%dma_start3A_66 : memref<128xi32, #tpu.memory_space<vmem>>) semaphore(%arg8 : memref<!tpu.dma_semaphore, #tpu.memory_space<semaphore_mem>>) {add = true}
    }
    %scan3A_49 = arith.constant 40 : i32
    %scan3A_50 = arith.constant 0 : i32
    %scan3A_51 = arith.constant 0 : i32
    %scan3A_52 = arith.constant 40 : i32
    %scan3A_53 = arith.addi %scan3A_51, %scan3A_52 : i32
    %scan3A_54 = arith.constant 1 : i32
    scf.for %scan3A_64 = %scan3A_51 to %scan3A_53 step %scan3A_54  : i32 {
      %dma_wait3A = arith.constant 0 : i32
      %dma_wait3A_65 = arith.constant 0 : i32
      %dma_wait3A_66 = tpu.memref_slice %arg4[%dma_wait3A, %dma_wait3A_65] : memref<40x128xi32, #tpu.memory_space<vmem>> -> memref<1x128xi32, #tpu.memory_space<vmem>>
      %dma_wait3A_67 = tpu.memref_squeeze %dma_wait3A_66 : memref<1x128xi32, #tpu.memory_space<vmem>> -> memref<128xi32, #tpu.memory_space<vmem>>
      %dma_wait3A_68 = arith.constant 0 : i32
      %dma_wait3A_69 = tpu.memref_slice %arg7[%dma_wait3A_68] : memref<10240xf32, #tpu.memory_space<vmem_shared>> -> memref<10240xf32, #tpu.memory_space<vmem_shared>>
      tpu.wait_indirect_dma semaphore(%arg8 : memref<!tpu.dma_semaphore, #tpu.memory_space<semaphore_mem>>) src(%arg5 : memref<128xf32, #tpu.memory_space<vmem>>) dst(%dma_wait3A_69 : memref<10240xf32, #tpu.memory_space<vmem_shared>>)
    }
    %scan3A_55 = arith.constant 40 : i32
    %barrier3A_56 = arith.constant 0 : index
    tpu.barrier barrier_id(%barrier3A_56)
    %mul3A_57 = arith.constant 640 : i32
    %mul3A_58 = arith.muli %arg1, %mul3A_57 : i32
    "tpu.region"() ({
      %run_scoped3A = tpu.sem_alloc : memref<!tpu.dma_semaphore, #tpu.memory_space<semaphore_mem>>
      %dma_start3A = tpu.memref_slice %arg7[%mul3A_58] : memref<10240xf32, #tpu.memory_space<vmem_shared>> -> memref<640xf32, #tpu.memory_space<vmem_shared>>
      %dma_start3A_64 = tpu.memref_slice %arg7[%mul3A_58] : memref<10240xf32, #tpu.memory_space<vmem_shared>> -> memref<640xf32, #tpu.memory_space<vmem_shared>>
      tpu.enqueue_dma source(%dma_start3A_64 : memref<640xf32, #tpu.memory_space<vmem_shared>>) target(%arg6 : memref<640xf32, #tpu.memory_space<vmem>>) target_semaphore(%run_scoped3A : memref<!tpu.dma_semaphore, #tpu.memory_space<semaphore_mem>>)
      %dma_wait3A = tpu.memref_slice %arg7[%mul3A_58] : memref<10240xf32, #tpu.memory_space<vmem_shared>> -> memref<640xf32, #tpu.memory_space<vmem_shared>>
      %dma_wait3A_65 = tpu.memref_slice %arg7[%mul3A_58] : memref<10240xf32, #tpu.memory_space<vmem_shared>> -> memref<640xf32, #tpu.memory_space<vmem_shared>>
      tpu.wait_dma2 semaphore(%run_scoped3A : memref<!tpu.dma_semaphore, #tpu.memory_space<semaphore_mem>>) src(%dma_wait3A_65 : memref<640xf32, #tpu.memory_space<vmem_shared>>) dst(%arg6 : memref<640xf32, #tpu.memory_space<vmem>>)
      tpu.yield
    }) : () -> ()
    %mul3A_59 = arith.constant 10240 : i32
    %mul3A_60 = arith.muli %arg0, %mul3A_59 : i32
    %mul3A_61 = arith.constant 640 : i32
    %mul3A_62 = arith.muli %arg1, %mul3A_61 : i32
    %add3A_63 = arith.addi %mul3A_60, %mul3A_62 : i32
    "tpu.region"() ({
      %run_scoped3A = tpu.sem_alloc : memref<!tpu.dma_semaphore, #tpu.memory_space<semaphore_mem>>
      %dma_start3A = tpu.memref_slice %arg3[%add3A_63] : memref<20480xf32, #tpu.memory_space<hbm>> -> memref<640xf32, #tpu.memory_space<hbm>>
      %dma_start3A_64 = tpu.memref_slice %arg3[%add3A_63] : memref<20480xf32, #tpu.memory_space<hbm>> -> memref<640xf32, #tpu.memory_space<hbm>>
      tpu.enqueue_dma source(%arg6 : memref<640xf32, #tpu.memory_space<vmem>>) target(%dma_start3A_64 : memref<640xf32, #tpu.memory_space<hbm>>) target_semaphore(%run_scoped3A : memref<!tpu.dma_semaphore, #tpu.memory_space<semaphore_mem>>)
      %dma_wait3A = tpu.memref_slice %arg3[%add3A_63] : memref<20480xf32, #tpu.memory_space<hbm>> -> memref<640xf32, #tpu.memory_space<hbm>>
      %dma_wait3A_65 = tpu.memref_slice %arg3[%add3A_63] : memref<20480xf32, #tpu.memory_space<hbm>> -> memref<640xf32, #tpu.memory_space<hbm>>
      tpu.wait_dma2 semaphore(%run_scoped3A : memref<!tpu.dma_semaphore, #tpu.memory_space<semaphore_mem>>) src(%arg6 : memref<640xf32, #tpu.memory_space<vmem>>) dst(%dma_wait3A_65 : memref<640xf32, #tpu.memory_space<hbm>>)
      tpu.yield
    }) : () -> ()
    return
  }
}

#map = affine_map<(d0, d1) -> (0, 0)>
#map1 = affine_map<(d0, d1) -> (0)>
module attributes {stable_mosaic.version = 14 : i64} {
  func.func @k(%arg0: i32, %arg1: i32, %arg2: memref<1280x128xi32, #tpu.memory_space<hbm>>, %arg3: memref<1280x128xi32, #tpu.memory_space<hbm>>, %arg4: memref<10240xf32, #tpu.memory_space<hbm>>, %arg5: memref<20480xf32, #tpu.memory_space<hbm>>, %arg6: memref<40x128xi32, #tpu.memory_space<vmem>>, %arg7: memref<40x128xi32, #tpu.memory_space<vmem>>, %arg8: memref<40x128xf32, #tpu.memory_space<vmem>>, %arg9: memref<640xf32, #tpu.memory_space<vmem>>, %arg10: memref<10240xf32, #tpu.memory_space<vmem_shared>>, %arg11: memref<!tpu.dma_semaphore, #tpu.memory_space<semaphore_mem>>) attributes {dimension_semantics = [#tpu.dimension_semantics<core_parallel>, #tpu.dimension_semantics<subcore_parallel>], iteration_bounds = array<i64: 2, 16>, scalar_prefetch = 0 : i64, scratch_operands = 6 : i64, tpu.core_type = #tpu.core_type<sc_vector_subcore>, window_params = [{transform_indices = #map}, {transform_indices = #map}, {transform_indices = #map1}, {transform_indices = #map1}]} {
    %mul3A = arith.constant 16 : i32
    %mul3A_0 = arith.muli %arg0, %mul3A : i32
    %add3A = arith.addi %mul3A_0, %arg1 : i32
    %broadcast_in_dim3A = arith.constant 0.000000e+00 : f32
    %broadcast_in_dim3A_1 = vector.broadcast %broadcast_in_dim3A : f32 to vector<16xf32>
    %scan3A = arith.constant 0 : i32
    %scan3A_2 = arith.constant 0 : i32
    %scan3A_3 = arith.constant 40 : i32
    %scan3A_4 = arith.addi %scan3A_2, %scan3A_3 : i32
    %scan3A_5 = arith.constant 1 : i32
    scf.for %scan3A_45 = %scan3A_2 to %scan3A_4 step %scan3A_5  : i32 {
      %mul3A_46 = arith.constant 16 : i32
      %mul3A_47 = arith.muli %scan3A_45, %mul3A_46 : i32
      %swap3A = arith.index_cast %mul3A_47 : i32 to index
      %swap3A_48 = tpu.vector_load %arg9[%swap3A] {strides = array<i32>} : memref<640xf32, #tpu.memory_space<vmem>>, vector<16xf32>,
      %swap3A_49 = vector.shape_cast %swap3A_48 : vector<16xf32> to vector<16xf32>
      %swap3A_50 = vector.shape_cast %broadcast_in_dim3A_1 : vector<16xf32> to vector<16xf32>
      tpu.vector_store %arg9[%swap3A], %swap3A_50 {strides = array<i32>} : memref<640xf32, #tpu.memory_space<vmem>>, vector<16xf32>,
    }
    %scan3A_6 = arith.constant 40 : i32
    %mul3A_7 = arith.constant 640 : i32
    %mul3A_8 = arith.muli %arg1, %mul3A_7 : i32
    "tpu.region"() ({
      %run_scoped3A = tpu.sem_alloc : memref<!tpu.dma_semaphore, #tpu.memory_space<semaphore_mem>>
      %dma_start3A = tpu.memref_slice %arg10[%mul3A_8] : memref<10240xf32, #tpu.memory_space<vmem_shared>> -> memref<640xf32, #tpu.memory_space<vmem_shared>>
      %dma_start3A_45 = tpu.memref_slice %arg10[%mul3A_8] : memref<10240xf32, #tpu.memory_space<vmem_shared>> -> memref<640xf32, #tpu.memory_space<vmem_shared>>
      tpu.enqueue_dma source(%arg9 : memref<640xf32, #tpu.memory_space<vmem>>) target(%dma_start3A_45 : memref<640xf32, #tpu.memory_space<vmem_shared>>) target_semaphore(%run_scoped3A : memref<!tpu.dma_semaphore, #tpu.memory_space<semaphore_mem>>)
      %dma_wait3A = tpu.memref_slice %arg10[%mul3A_8] : memref<10240xf32, #tpu.memory_space<vmem_shared>> -> memref<640xf32, #tpu.memory_space<vmem_shared>>
      %dma_wait3A_46 = tpu.memref_slice %arg10[%mul3A_8] : memref<10240xf32, #tpu.memory_space<vmem_shared>> -> memref<640xf32, #tpu.memory_space<vmem_shared>>
      tpu.wait_dma2 semaphore(%run_scoped3A : memref<!tpu.dma_semaphore, #tpu.memory_space<semaphore_mem>>) src(%arg9 : memref<640xf32, #tpu.memory_space<vmem>>) dst(%dma_wait3A_46 : memref<640xf32, #tpu.memory_space<vmem_shared>>)
      tpu.yield
    }) : () -> ()
    %mul3A_9 = arith.constant 40 : i32
    %mul3A_10 = arith.muli %add3A, %mul3A_9 : i32
    "tpu.region"() ({
      %run_scoped3A = tpu.sem_alloc : memref<!tpu.dma_semaphore, #tpu.memory_space<semaphore_mem>>
      %dma_start3A = arith.constant 0 : i32
      %dma_start3A_45 = tpu.memref_slice %arg2[%mul3A_10, %dma_start3A] : memref<1280x128xi32, #tpu.memory_space<hbm>> -> memref<40x128xi32, #tpu.memory_space<hbm>>
      %dma_start3A_46 = arith.constant 0 : i32
      %dma_start3A_47 = tpu.memref_slice %arg2[%mul3A_10, %dma_start3A_46] : memref<1280x128xi32, #tpu.memory_space<hbm>> -> memref<40x128xi32, #tpu.memory_space<hbm>>
      tpu.enqueue_dma source(%dma_start3A_47 : memref<40x128xi32, #tpu.memory_space<hbm>>) target(%arg6 : memref<40x128xi32, #tpu.memory_space<vmem>>) target_semaphore(%run_scoped3A : memref<!tpu.dma_semaphore, #tpu.memory_space<semaphore_mem>>)
      %dma_wait3A = arith.constant 0 : i32
      %dma_wait3A_48 = tpu.memref_slice %arg2[%mul3A_10, %dma_wait3A] : memref<1280x128xi32, #tpu.memory_space<hbm>> -> memref<40x128xi32, #tpu.memory_space<hbm>>
      %dma_wait3A_49 = arith.constant 0 : i32
      %dma_wait3A_50 = tpu.memref_slice %arg2[%mul3A_10, %dma_wait3A_49] : memref<1280x128xi32, #tpu.memory_space<hbm>> -> memref<40x128xi32, #tpu.memory_space<hbm>>
      tpu.wait_dma2 semaphore(%run_scoped3A : memref<!tpu.dma_semaphore, #tpu.memory_space<semaphore_mem>>) src(%dma_wait3A_50 : memref<40x128xi32, #tpu.memory_space<hbm>>) dst(%arg6 : memref<40x128xi32, #tpu.memory_space<vmem>>)
      tpu.yield
    }) : () -> ()
    %mul3A_11 = arith.constant 40 : i32
    %mul3A_12 = arith.muli %add3A, %mul3A_11 : i32
    "tpu.region"() ({
      %run_scoped3A = tpu.sem_alloc : memref<!tpu.dma_semaphore, #tpu.memory_space<semaphore_mem>>
      %dma_start3A = arith.constant 0 : i32
      %dma_start3A_45 = tpu.memref_slice %arg3[%mul3A_12, %dma_start3A] : memref<1280x128xi32, #tpu.memory_space<hbm>> -> memref<40x128xi32, #tpu.memory_space<hbm>>
      %dma_start3A_46 = arith.constant 0 : i32
      %dma_start3A_47 = tpu.memref_slice %arg3[%mul3A_12, %dma_start3A_46] : memref<1280x128xi32, #tpu.memory_space<hbm>> -> memref<40x128xi32, #tpu.memory_space<hbm>>
      tpu.enqueue_dma source(%dma_start3A_47 : memref<40x128xi32, #tpu.memory_space<hbm>>) target(%arg7 : memref<40x128xi32, #tpu.memory_space<vmem>>) target_semaphore(%run_scoped3A : memref<!tpu.dma_semaphore, #tpu.memory_space<semaphore_mem>>)
      %dma_wait3A = arith.constant 0 : i32
      %dma_wait3A_48 = tpu.memref_slice %arg3[%mul3A_12, %dma_wait3A] : memref<1280x128xi32, #tpu.memory_space<hbm>> -> memref<40x128xi32, #tpu.memory_space<hbm>>
      %dma_wait3A_49 = arith.constant 0 : i32
      %dma_wait3A_50 = tpu.memref_slice %arg3[%mul3A_12, %dma_wait3A_49] : memref<1280x128xi32, #tpu.memory_space<hbm>> -> memref<40x128xi32, #tpu.memory_space<hbm>>
      tpu.wait_dma2 semaphore(%run_scoped3A : memref<!tpu.dma_semaphore, #tpu.memory_space<semaphore_mem>>) src(%dma_wait3A_50 : memref<40x128xi32, #tpu.memory_space<hbm>>) dst(%arg7 : memref<40x128xi32, #tpu.memory_space<vmem>>)
      tpu.yield
    }) : () -> ()
    %scan3A_13 = arith.constant 0 : i32
    %scan3A_14 = arith.constant 0 : i32
    %scan3A_15 = arith.constant 40 : i32
    %scan3A_16 = arith.addi %scan3A_14, %scan3A_15 : i32
    %scan3A_17 = arith.constant 1 : i32
    scf.for %scan3A_45 = %scan3A_14 to %scan3A_16 step %scan3A_17  : i32 {
      %dma_start3A = arith.constant 0 : i32
      %dma_start3A_46 = tpu.memref_slice %arg8[%scan3A_45, %dma_start3A] : memref<40x128xf32, #tpu.memory_space<vmem>> -> memref<1x128xf32, #tpu.memory_space<vmem>>
      %dma_start3A_47 = tpu.memref_squeeze %dma_start3A_46 : memref<1x128xf32, #tpu.memory_space<vmem>> -> memref<128xf32, #tpu.memory_space<vmem>>
      %dma_start3A_48 = arith.constant 0 : i32
      %dma_start3A_49 = tpu.memref_slice %arg6[%scan3A_45, %dma_start3A_48] : memref<40x128xi32, #tpu.memory_space<vmem>> -> memref<1x128xi32, #tpu.memory_space<vmem>>
      %dma_start3A_50 = tpu.memref_squeeze %dma_start3A_49 : memref<1x128xi32, #tpu.memory_space<vmem>> -> memref<128xi32, #tpu.memory_space<vmem>>
      %dma_start3A_51 = arith.constant 0 : i32
      %dma_start3A_52 = tpu.memref_slice %arg4[%dma_start3A_51] : memref<10240xf32, #tpu.memory_space<hbm>> -> memref<10240xf32, #tpu.memory_space<hbm>>
      tpu.enqueue_indirect_dma source(%dma_start3A_52 : memref<10240xf32, #tpu.memory_space<hbm>>) target(%dma_start3A_47 : memref<128xf32, #tpu.memory_space<vmem>>) offsets(%dma_start3A_50 : memref<128xi32, #tpu.memory_space<vmem>>) semaphore(%arg11 : memref<!tpu.dma_semaphore, #tpu.memory_space<semaphore_mem>>)
    }
    %scan3A_18 = arith.constant 40 : i32
    %scan3A_19 = arith.constant 0 : i32
    %scan3A_20 = arith.constant 0 : i32
    %scan3A_21 = arith.constant 40 : i32
    %scan3A_22 = arith.addi %scan3A_20, %scan3A_21 : i32
    %scan3A_23 = arith.constant 1 : i32
    scf.for %scan3A_45 = %scan3A_20 to %scan3A_22 step %scan3A_23  : i32 {
      %dma_wait3A = arith.constant 0 : i32
      %dma_wait3A_46 = arith.constant 0 : i32
      %dma_wait3A_47 = arith.constant 0 : i32
      %dma_wait3A_48 = tpu.memref_slice %arg8[%dma_wait3A_46, %dma_wait3A_47] : memref<40x128xf32, #tpu.memory_space<vmem>> -> memref<1x128xf32, #tpu.memory_space<vmem>>
      %dma_wait3A_49 = tpu.memref_squeeze %dma_wait3A_48 : memref<1x128xf32, #tpu.memory_space<vmem>> -> memref<128xf32, #tpu.memory_space<vmem>>
      %dma_wait3A_50 = arith.constant 0 : i32
      %dma_wait3A_51 = tpu.memref_slice %arg6[%dma_wait3A, %dma_wait3A_50] : memref<40x128xi32, #tpu.memory_space<vmem>> -> memref<1x128xi32, #tpu.memory_space<vmem>>
      %dma_wait3A_52 = tpu.memref_squeeze %dma_wait3A_51 : memref<1x128xi32, #tpu.memory_space<vmem>> -> memref<128xi32, #tpu.memory_space<vmem>>
      %dma_wait3A_53 = arith.constant 0 : i32
      %dma_wait3A_54 = tpu.memref_slice %arg4[%dma_wait3A_53] : memref<10240xf32, #tpu.memory_space<hbm>> -> memref<10240xf32, #tpu.memory_space<hbm>>
      tpu.wait_indirect_dma semaphore(%arg11 : memref<!tpu.dma_semaphore, #tpu.memory_space<semaphore_mem>>) src(%dma_wait3A_54 : memref<10240xf32, #tpu.memory_space<hbm>>) dst(%dma_wait3A_49 : memref<128xf32, #tpu.memory_space<vmem>>)
    }
    %scan3A_24 = arith.constant 40 : i32
    %barrier3A = arith.constant 0 : index
    tpu.barrier barrier_id(%barrier3A)
    %scan3A_25 = arith.constant 0 : i32
    %scan3A_26 = arith.constant 0 : i32
    %scan3A_27 = arith.constant 40 : i32
    %scan3A_28 = arith.addi %scan3A_26, %scan3A_27 : i32
    %scan3A_29 = arith.constant 1 : i32
    scf.for %scan3A_45 = %scan3A_26 to %scan3A_28 step %scan3A_29  : i32 {
      %dma_start3A = arith.constant 0 : i32
      %dma_start3A_46 = tpu.memref_slice %arg8[%scan3A_45, %dma_start3A] : memref<40x128xf32, #tpu.memory_space<vmem>> -> memref<1x128xf32, #tpu.memory_space<vmem>>
      %dma_start3A_47 = tpu.memref_squeeze %dma_start3A_46 : memref<1x128xf32, #tpu.memory_space<vmem>> -> memref<128xf32, #tpu.memory_space<vmem>>
      %dma_start3A_48 = arith.constant 0 : i32
      %dma_start3A_49 = tpu.memref_slice %arg7[%scan3A_45, %dma_start3A_48] : memref<40x128xi32, #tpu.memory_space<vmem>> -> memref<1x128xi32, #tpu.memory_space<vmem>>
      %dma_start3A_50 = tpu.memref_squeeze %dma_start3A_49 : memref<1x128xi32, #tpu.memory_space<vmem>> -> memref<128xi32, #tpu.memory_space<vmem>>
      %dma_start3A_51 = arith.constant 0 : i32
      %dma_start3A_52 = tpu.memref_slice %arg10[%dma_start3A_51] : memref<10240xf32, #tpu.memory_space<vmem_shared>> -> memref<10240xf32, #tpu.memory_space<vmem_shared>>
      tpu.enqueue_indirect_dma source(%dma_start3A_47 : memref<128xf32, #tpu.memory_space<vmem>>) target(%dma_start3A_52 : memref<10240xf32, #tpu.memory_space<vmem_shared>>) offsets(%dma_start3A_50 : memref<128xi32, #tpu.memory_space<vmem>>) semaphore(%arg11 : memref<!tpu.dma_semaphore, #tpu.memory_space<semaphore_mem>>) {add = true}
    }
    %scan3A_30 = arith.constant 40 : i32
    %scan3A_31 = arith.constant 0 : i32
    %scan3A_32 = arith.constant 0 : i32
    %scan3A_33 = arith.constant 40 : i32
    %scan3A_34 = arith.addi %scan3A_32, %scan3A_33 : i32
    %scan3A_35 = arith.constant 1 : i32
    scf.for %scan3A_45 = %scan3A_32 to %scan3A_34 step %scan3A_35  : i32 {
      %dma_wait3A = arith.constant 0 : i32
      %dma_wait3A_46 = arith.constant 0 : i32
      %dma_wait3A_47 = arith.constant 0 : i32
      %dma_wait3A_48 = tpu.memref_slice %arg8[%dma_wait3A, %dma_wait3A_47] : memref<40x128xf32, #tpu.memory_space<vmem>> -> memref<1x128xf32, #tpu.memory_space<vmem>>
      %dma_wait3A_49 = tpu.memref_squeeze %dma_wait3A_48 : memref<1x128xf32, #tpu.memory_space<vmem>> -> memref<128xf32, #tpu.memory_space<vmem>>
      %dma_wait3A_50 = arith.constant 0 : i32
      %dma_wait3A_51 = tpu.memref_slice %arg7[%dma_wait3A_46, %dma_wait3A_50] : memref<40x128xi32, #tpu.memory_space<vmem>> -> memref<1x128xi32, #tpu.memory_space<vmem>>
      %dma_wait3A_52 = tpu.memref_squeeze %dma_wait3A_51 : memref<1x128xi32, #tpu.memory_space<vmem>> -> memref<128xi32, #tpu.memory_space<vmem>>
      %dma_wait3A_53 = arith.constant 0 : i32
      %dma_wait3A_54 = tpu.memref_slice %arg10[%dma_wait3A_53] : memref<10240xf32, #tpu.memory_space<vmem_shared>> -> memref<10240xf32, #tpu.memory_space<vmem_shared>>
      tpu.wait_indirect_dma semaphore(%arg11 : memref<!tpu.dma_semaphore, #tpu.memory_space<semaphore_mem>>) src(%dma_wait3A_49 : memref<128xf32, #tpu.memory_space<vmem>>) dst(%dma_wait3A_54 : memref<10240xf32, #tpu.memory_space<vmem_shared>>)
    }
    %scan3A_36 = arith.constant 40 : i32
    %barrier3A_37 = arith.constant 0 : index
    tpu.barrier barrier_id(%barrier3A_37)
    %mul3A_38 = arith.constant 640 : i32
    %mul3A_39 = arith.muli %arg1, %mul3A_38 : i32
    "tpu.region"() ({
      %run_scoped3A = tpu.sem_alloc : memref<!tpu.dma_semaphore, #tpu.memory_space<semaphore_mem>>
      %dma_start3A = tpu.memref_slice %arg10[%mul3A_39] : memref<10240xf32, #tpu.memory_space<vmem_shared>> -> memref<640xf32, #tpu.memory_space<vmem_shared>>
      %dma_start3A_45 = tpu.memref_slice %arg10[%mul3A_39] : memref<10240xf32, #tpu.memory_space<vmem_shared>> -> memref<640xf32, #tpu.memory_space<vmem_shared>>
      tpu.enqueue_dma source(%dma_start3A_45 : memref<640xf32, #tpu.memory_space<vmem_shared>>) target(%arg9 : memref<640xf32, #tpu.memory_space<vmem>>) target_semaphore(%run_scoped3A : memref<!tpu.dma_semaphore, #tpu.memory_space<semaphore_mem>>)
      %dma_wait3A = tpu.memref_slice %arg10[%mul3A_39] : memref<10240xf32, #tpu.memory_space<vmem_shared>> -> memref<640xf32, #tpu.memory_space<vmem_shared>>
      %dma_wait3A_46 = tpu.memref_slice %arg10[%mul3A_39] : memref<10240xf32, #tpu.memory_space<vmem_shared>> -> memref<640xf32, #tpu.memory_space<vmem_shared>>
      tpu.wait_dma2 semaphore(%run_scoped3A : memref<!tpu.dma_semaphore, #tpu.memory_space<semaphore_mem>>) src(%dma_wait3A_46 : memref<640xf32, #tpu.memory_space<vmem_shared>>) dst(%arg9 : memref<640xf32, #tpu.memory_space<vmem>>)
      tpu.yield
    }) : () -> ()
    %mul3A_40 = arith.constant 10240 : i32
    %mul3A_41 = arith.muli %arg0, %mul3A_40 : i32
    %mul3A_42 = arith.constant 640 : i32
    %mul3A_43 = arith.muli %arg1, %mul3A_42 : i32
    %add3A_44 = arith.addi %mul3A_41, %mul3A_43 : i32
    "tpu.region"() ({
      %run_scoped3A = tpu.sem_alloc : memref<!tpu.dma_semaphore, #tpu.memory_space<semaphore_mem>>
      %dma_start3A = tpu.memref_slice %arg5[%add3A_44] : memref<20480xf32, #tpu.memory_space<hbm>> -> memref<640xf32, #tpu.memory_space<hbm>>
      %dma_start3A_45 = tpu.memref_slice %arg5[%add3A_44] : memref<20480xf32, #tpu.memory_space<hbm>> -> memref<640xf32, #tpu.memory_space<hbm>>
      tpu.enqueue_dma source(%arg9 : memref<640xf32, #tpu.memory_space<vmem>>) target(%dma_start3A_45 : memref<640xf32, #tpu.memory_space<hbm>>) target_semaphore(%run_scoped3A : memref<!tpu.dma_semaphore, #tpu.memory_space<semaphore_mem>>)
      %dma_wait3A = tpu.memref_slice %arg5[%add3A_44] : memref<20480xf32, #tpu.memory_space<hbm>> -> memref<640xf32, #tpu.memory_space<hbm>>
      %dma_wait3A_46 = tpu.memref_slice %arg5[%add3A_44] : memref<20480xf32, #tpu.memory_space<hbm>> -> memref<640xf32, #tpu.memory_space<hbm>>
      tpu.wait_dma2 semaphore(%run_scoped3A : memref<!tpu.dma_semaphore, #tpu.memory_space<semaphore_mem>>) src(%arg9 : memref<640xf32, #tpu.memory_space<vmem>>) dst(%dma_wait3A_46 : memref<640xf32, #tpu.memory_space<hbm>>)
      tpu.yield
    }) : () -> ()
    return
  }
}

module attributes {stable_mosaic.version = 14 : i64} {
  func.func @body(%arg0: i32, %arg1: memref<2048x1xf32, #tpu.memory_space<vmem>>, %arg2: memref<2048x1xf32, #tpu.memory_space<vmem>>, %arg3: memref<2048x256xf32, #tpu.memory_space<vmem>>, %arg4: memref<2048x1xf32, #tpu.memory_space<vmem>>, %arg5: memref<4x2048x64xf32, #tpu.memory_space<vmem>>) attributes {dimension_semantics = [#tpu.dimension_semantics<arbitrary>], iteration_bounds = array<i64: 5>, scalar_prefetch = 0 : i64, scratch_operands = 0 : i64, tpu.core_type = #tpu.core_type<tc>, window_params = [{transform_indices = @transform_0, window_bounds = array<i64: 2048, 1>}, {transform_indices = @transform_1, window_bounds = array<i64: 2048, 1>}, {transform_indices = @transform_2, window_bounds = array<i64: 2048, 256>}, {transform_indices = @transform_3, window_bounds = array<i64: 2048, 1>}, {transform_indices = @transform_4, window_bounds = array<i64: 4, 2048, 64>}]} {
    %get3A = arith.constant 0 : index
    %get3A_0 = arith.constant 0 : index
    %get3A_1 = vector.load %arg1[%get3A, %get3A_0] : memref<2048x1xf32, #tpu.memory_space<vmem>>, vector<2048x1xf32>
    %add3A = arith.constant 1.000000e+00 : f32
    %add3A_2 = vector.broadcast %add3A : f32 to vector<2048x1xf32>
    %add3A_3 = arith.addf %add3A_2, %get3A_1 : vector<2048x1xf32>
    %get3A_4 = arith.constant 0 : index
    %get3A_5 = arith.constant 0 : index
    %get3A_6 = vector.load %arg2[%get3A_4, %get3A_5] : memref<2048x1xf32, #tpu.memory_space<vmem>>, vector<2048x1xf32>
    %add3A_7 = arith.addf %add3A_3, %get3A_6 : vector<2048x1xf32>
    %rsqrt3A = math.rsqrt %add3A_7 : vector<2048x1xf32>
    %swap3A = arith.constant 0 : index
    %swap3A_8 = arith.constant 0 : index
    %swap3A_9 = vector.load %arg4[%swap3A, %swap3A_8] : memref<2048x1xf32, #tpu.memory_space<vmem>>, vector<2048x1xf32>
    tpu.vector_store %arg4[%swap3A, %swap3A_8], %rsqrt3A {strides = array<i32>} : memref<2048x1xf32, #tpu.memory_space<vmem>>, vector<2048x1xf32>,
    %get3A_10 = arith.constant 0 : index
    %get3A_11 = arith.constant 0 : index
    %get3A_12 = vector.load %arg3[%get3A_10, %get3A_11] : memref<2048x256xf32, #tpu.memory_space<vmem>>, vector<2048x64xf32>
    %mul3A = vector.broadcast %rsqrt3A : vector<2048x1xf32> to vector<2048x64xf32>
    %mul3A_13 = arith.mulf %get3A_12, %mul3A : vector<2048x64xf32>
    %swap3A_14 = arith.constant 0 : index
    %swap3A_15 = arith.constant 0 : index
    %swap3A_16 = arith.constant 0 : index
    %swap3A_17 = vector.load %arg5[%swap3A_14, %swap3A_15, %swap3A_16] : memref<4x2048x64xf32, #tpu.memory_space<vmem>>, vector<1x2048x64xf32>
    %swap3A_18 = vector.shape_cast %swap3A_17 : vector<1x2048x64xf32> to vector<2048x64xf32>
    %swap3A_19 = vector.shape_cast %mul3A_13 : vector<2048x64xf32> to vector<1x2048x64xf32>
    tpu.vector_store %arg5[%swap3A_14, %swap3A_15, %swap3A_16], %swap3A_19 {strides = array<i32>} : memref<4x2048x64xf32, #tpu.memory_space<vmem>>, vector<1x2048x64xf32>,
    %get3A_20 = arith.constant 0 : index
    %get3A_21 = arith.constant 64 : index
    %get3A_22 = vector.load %arg3[%get3A_20, %get3A_21] : memref<2048x256xf32, #tpu.memory_space<vmem>>, vector<2048x64xf32>
    %mul3A_23 = vector.broadcast %rsqrt3A : vector<2048x1xf32> to vector<2048x64xf32>
    %mul3A_24 = arith.mulf %get3A_22, %mul3A_23 : vector<2048x64xf32>
    %swap3A_25 = arith.constant 1 : index
    %swap3A_26 = arith.constant 0 : index
    %swap3A_27 = arith.constant 0 : index
    %swap3A_28 = vector.load %arg5[%swap3A_25, %swap3A_26, %swap3A_27] : memref<4x2048x64xf32, #tpu.memory_space<vmem>>, vector<1x2048x64xf32>
    %swap3A_29 = vector.shape_cast %swap3A_28 : vector<1x2048x64xf32> to vector<2048x64xf32>
    %swap3A_30 = vector.shape_cast %mul3A_24 : vector<2048x64xf32> to vector<1x2048x64xf32>
    tpu.vector_store %arg5[%swap3A_25, %swap3A_26, %swap3A_27], %swap3A_30 {strides = array<i32>} : memref<4x2048x64xf32, #tpu.memory_space<vmem>>, vector<1x2048x64xf32>,
    %get3A_31 = arith.constant 0 : index
    %get3A_32 = arith.constant 128 : index
    %get3A_33 = vector.load %arg3[%get3A_31, %get3A_32] : memref<2048x256xf32, #tpu.memory_space<vmem>>, vector<2048x64xf32>
    %mul3A_34 = vector.broadcast %rsqrt3A : vector<2048x1xf32> to vector<2048x64xf32>
    %mul3A_35 = arith.mulf %get3A_33, %mul3A_34 : vector<2048x64xf32>
    %swap3A_36 = arith.constant 2 : index
    %swap3A_37 = arith.constant 0 : index
    %swap3A_38 = arith.constant 0 : index
    %swap3A_39 = vector.load %arg5[%swap3A_36, %swap3A_37, %swap3A_38] : memref<4x2048x64xf32, #tpu.memory_space<vmem>>, vector<1x2048x64xf32>
    %swap3A_40 = vector.shape_cast %swap3A_39 : vector<1x2048x64xf32> to vector<2048x64xf32>
    %swap3A_41 = vector.shape_cast %mul3A_35 : vector<2048x64xf32> to vector<1x2048x64xf32>
    tpu.vector_store %arg5[%swap3A_36, %swap3A_37, %swap3A_38], %swap3A_41 {strides = array<i32>} : memref<4x2048x64xf32, #tpu.memory_space<vmem>>, vector<1x2048x64xf32>,
    %get3A_42 = arith.constant 0 : index
    %get3A_43 = arith.constant 192 : index
    %get3A_44 = vector.load %arg3[%get3A_42, %get3A_43] : memref<2048x256xf32, #tpu.memory_space<vmem>>, vector<2048x64xf32>
    %mul3A_45 = vector.broadcast %rsqrt3A : vector<2048x1xf32> to vector<2048x64xf32>
    %mul3A_46 = arith.mulf %get3A_44, %mul3A_45 : vector<2048x64xf32>
    %swap3A_47 = arith.constant 3 : index
    %swap3A_48 = arith.constant 0 : index
    %swap3A_49 = arith.constant 0 : index
    %swap3A_50 = vector.load %arg5[%swap3A_47, %swap3A_48, %swap3A_49] : memref<4x2048x64xf32, #tpu.memory_space<vmem>>, vector<1x2048x64xf32>
    %swap3A_51 = vector.shape_cast %swap3A_50 : vector<1x2048x64xf32> to vector<2048x64xf32>
    %swap3A_52 = vector.shape_cast %mul3A_46 : vector<2048x64xf32> to vector<1x2048x64xf32>
    tpu.vector_store %arg5[%swap3A_47, %swap3A_48, %swap3A_49], %swap3A_52 {strides = array<i32>} : memref<4x2048x64xf32, #tpu.memory_space<vmem>>, vector<1x2048x64xf32>,
    return
  }
  func.func @transform_0(%arg0: i32) -> (i32, i32) {
    %c0_i32 = arith.constant 0 : i32
    %c0_i32_0 = arith.constant 0 : i32
    return %arg0, %c0_i32 : i32, i32
  }
  func.func @transform_1(%arg0: i32) -> (i32, i32) {
    %add3A = arith.constant 5 : i32
    %add3A_0 = arith.addi %add3A, %arg0 : i32
    %c0_i32 = arith.constant 0 : i32
    %c0_i32_1 = arith.constant 0 : i32
    return %add3A_0, %c0_i32 : i32, i32
  }
  func.func @transform_2(%arg0: i32) -> (i32, i32) {
    %c0_i32 = arith.constant 0 : i32
    %c0_i32_0 = arith.constant 0 : i32
    return %arg0, %c0_i32 : i32, i32
  }
  func.func @transform_3(%arg0: i32) -> (i32, i32) {
    %c0_i32 = arith.constant 0 : i32
    %c0_i32_0 = arith.constant 0 : i32
    return %arg0, %c0_i32 : i32, i32
  }
  func.func @transform_4(%arg0: i32) -> (i32, i32, i32) {
    %c0_i32 = arith.constant 0 : i32
    %c0_i32_0 = arith.constant 0 : i32
    %c0_i32_1 = arith.constant 0 : i32
    return %c0_i32, %arg0, %c0_i32_0 : i32, i32, i32
  }
}

module attributes {stable_mosaic.version = 14 : i64} {
  func.func @body(%arg0: i32, %arg1: memref<1024x64xf32, #tpu.memory_space<vmem>>, %arg2: memref<1024x64xf32, #tpu.memory_space<vmem>>, %arg3: memref<1024x64xf32, #tpu.memory_space<vmem>>, %arg4: memref<1024x64xf32, #tpu.memory_space<vmem>>, %arg5: memref<1024x64xf32, #tpu.memory_space<vmem>>, %arg6: memref<1024x64xf32, #tpu.memory_space<vmem>>, %arg7: memref<1024x64xf32, #tpu.memory_space<vmem>>, %arg8: memref<1024x64xf32, #tpu.memory_space<vmem>>, %arg9: memref<1024x1xf32, #tpu.memory_space<vmem>>, %arg10: memref<256x512xf32, #tpu.memory_space<vmem>>, %arg11: memref<1x512xf32, #tpu.memory_space<vmem>>, %arg12: memref<512x1xf32, #tpu.memory_space<vmem>>, %arg13: memref<1024x1xf32, #tpu.memory_space<vmem>>) attributes {dimension_semantics = [#tpu.dimension_semantics<arbitrary>], iteration_bounds = array<i64: 10>, scalar_prefetch = 0 : i64, scratch_operands = 0 : i64, tpu.core_type = #tpu.core_type<tc>, window_params = [{transform_indices = @transform_0, window_bounds = array<i64: 1024, 64>}, {transform_indices = @transform_1, window_bounds = array<i64: 1024, 64>}, {transform_indices = @transform_2, window_bounds = array<i64: 1024, 64>}, {transform_indices = @transform_3, window_bounds = array<i64: 1024, 64>}, {transform_indices = @transform_4, window_bounds = array<i64: 1024, 64>}, {transform_indices = @transform_5, window_bounds = array<i64: 1024, 64>}, {transform_indices = @transform_6, window_bounds = array<i64: 1024, 64>}, {transform_indices = @transform_7, window_bounds = array<i64: 1024, 64>}, {transform_indices = @transform_8, window_bounds = array<i64: 1024, 1>}, {pipeline_mode = #tpu.pipeline_mode<synchronous>, transform_indices = @transform_9, window_bounds = array<i64: 256, 512>}, {pipeline_mode = #tpu.pipeline_mode<synchronous>, transform_indices = @transform_10, window_bounds = array<i64: 1, 512>}, {pipeline_mode = #tpu.pipeline_mode<synchronous>, transform_indices = @transform_11, window_bounds = array<i64: 512, 1>}, {transform_indices = @transform_12, window_bounds = array<i64: 1024, 1>}]} {
    %get3A = arith.constant 0 : index
    %get3A_0 = arith.constant 0 : index
    %get3A_1 = vector.load %arg9[%get3A, %get3A_0] : memref<1024x1xf32, #tpu.memory_space<vmem>>, vector<1024x1xf32>
    %get3A_2 = arith.constant 0 : index
    %get3A_3 = arith.constant 0 : index
    %get3A_4 = vector.load %arg1[%get3A_2, %get3A_3] : memref<1024x64xf32, #tpu.memory_space<vmem>>, vector<1024x64xf32>
    %get3A_5 = arith.constant 0 : index
    %get3A_6 = arith.constant 0 : index
    %get3A_7 = vector.load %arg5[%get3A_5, %get3A_6] : memref<1024x64xf32, #tpu.memory_space<vmem>>, vector<1024x64xf32>
    %add3A = arith.addf %get3A_4, %get3A_7 : vector<1024x64xf32>
    %mul3A = vector.broadcast %get3A_1 : vector<1024x1xf32> to vector<1024x64xf32>
    %mul3A_8 = arith.mulf %add3A, %mul3A : vector<1024x64xf32>
    %get3A_9 = arith.constant 0 : index
    %get3A_10 = arith.constant 0 : index
    %get3A_11 = vector.load %arg2[%get3A_9, %get3A_10] : memref<1024x64xf32, #tpu.memory_space<vmem>>, vector<1024x64xf32>
    %get3A_12 = arith.constant 0 : index
    %get3A_13 = arith.constant 0 : index
    %get3A_14 = vector.load %arg6[%get3A_12, %get3A_13] : memref<1024x64xf32, #tpu.memory_space<vmem>>, vector<1024x64xf32>
    %add3A_15 = arith.addf %get3A_11, %get3A_14 : vector<1024x64xf32>
    %mul3A_16 = vector.broadcast %get3A_1 : vector<1024x1xf32> to vector<1024x64xf32>
    %mul3A_17 = arith.mulf %add3A_15, %mul3A_16 : vector<1024x64xf32>
    %get3A_18 = arith.constant 0 : index
    %get3A_19 = arith.constant 0 : index
    %get3A_20 = vector.load %arg3[%get3A_18, %get3A_19] : memref<1024x64xf32, #tpu.memory_space<vmem>>, vector<1024x64xf32>
    %get3A_21 = arith.constant 0 : index
    %get3A_22 = arith.constant 0 : index
    %get3A_23 = vector.load %arg7[%get3A_21, %get3A_22] : memref<1024x64xf32, #tpu.memory_space<vmem>>, vector<1024x64xf32>
    %add3A_24 = arith.addf %get3A_20, %get3A_23 : vector<1024x64xf32>
    %mul3A_25 = vector.broadcast %get3A_1 : vector<1024x1xf32> to vector<1024x64xf32>
    %mul3A_26 = arith.mulf %add3A_24, %mul3A_25 : vector<1024x64xf32>
    %get3A_27 = arith.constant 0 : index
    %get3A_28 = arith.constant 0 : index
    %get3A_29 = vector.load %arg4[%get3A_27, %get3A_28] : memref<1024x64xf32, #tpu.memory_space<vmem>>, vector<1024x64xf32>
    %get3A_30 = arith.constant 0 : index
    %get3A_31 = arith.constant 0 : index
    %get3A_32 = vector.load %arg8[%get3A_30, %get3A_31] : memref<1024x64xf32, #tpu.memory_space<vmem>>, vector<1024x64xf32>
    %add3A_33 = arith.addf %get3A_29, %get3A_32 : vector<1024x64xf32>
    %mul3A_34 = vector.broadcast %get3A_1 : vector<1024x1xf32> to vector<1024x64xf32>
    %mul3A_35 = arith.mulf %add3A_33, %mul3A_34 : vector<1024x64xf32>
    %concatenate3A = tpu.concatenate %mul3A_8, %mul3A_17, %mul3A_26, %mul3A_35 in 1 : vector<1024x64xf32>, vector<1024x64xf32>, vector<1024x64xf32>, vector<1024x64xf32> -> vector<1024x256xf32>
    %get3A_36 = arith.constant 0 : index
    %get3A_37 = arith.constant 0 : index
    %get3A_38 = vector.load %arg10[%get3A_36, %get3A_37] : memref<256x512xf32, #tpu.memory_space<vmem>>, vector<256x512xf32>
    %dot_general3A = arith.constant dense<0.000000e+00> : vector<1024x512xf32>
    %dot_general3A_39 = tpu.matmul %concatenate3A, %get3A_38, %dot_general3A {dimension_numbers = #tpu.dot_dimension_numbers<[1], [0], [0], [1], [0, 0, 1, 1], [], []>, transpose_lhs_hint = false} : vector<1024x256xf32>, vector<256x512xf32>, vector<1024x512xf32> -> vector<1024x512xf32>
    %get3A_40 = arith.constant 0 : index
    %get3A_41 = arith.constant 0 : index
    %get3A_42 = vector.load %arg11[%get3A_40, %get3A_41] : memref<1x512xf32, #tpu.memory_space<vmem>>, vector<1x512xf32>
    %add3A_43 = vector.broadcast %get3A_42 : vector<1x512xf32> to vector<1024x512xf32>
    %add3A_44 = arith.addf %dot_general3A_39, %add3A_43 : vector<1024x512xf32>
    %max3A = arith.constant 0.000000e+00 : f32
    %max3A_45 = vector.broadcast %max3A : f32 to vector<1024x512xf32>
    %max3A_46 = arith.maximumf %add3A_44, %max3A_45 : vector<1024x512xf32>
    %get3A_47 = arith.constant 0 : index
    %get3A_48 = arith.constant 0 : index
    %get3A_49 = vector.load %arg12[%get3A_47, %get3A_48] : memref<512x1xf32, #tpu.memory_space<vmem>>, vector<512x1xf32>
    %dot_general3A_50 = arith.constant dense<0.000000e+00> : vector<1024x1xf32>
    %dot_general3A_51 = tpu.matmul %max3A_46, %get3A_49, %dot_general3A_50 {dimension_numbers = #tpu.dot_dimension_numbers<[1], [0], [0], [1], [0, 0, 1, 1], [], []>, transpose_lhs_hint = false} : vector<1024x512xf32>, vector<512x1xf32>, vector<1024x1xf32> -> vector<1024x1xf32>
    %mul3A_52 = arith.mulf %dot_general3A_51, %get3A_1 : vector<1024x1xf32>
    %swap3A = arith.constant 0 : index
    %swap3A_53 = arith.constant 0 : index
    %swap3A_54 = vector.load %arg13[%swap3A, %swap3A_53] : memref<1024x1xf32, #tpu.memory_space<vmem>>, vector<1024x1xf32>
    tpu.vector_store %arg13[%swap3A, %swap3A_53], %mul3A_52 {strides = array<i32>} : memref<1024x1xf32, #tpu.memory_space<vmem>>, vector<1024x1xf32>,
    return
  }
  func.func @transform_0(%arg0: i32) -> (i32, i32) {
    %add3A = arith.constant 0 : i32
    %add3A_0 = arith.addi %add3A, %arg0 : i32
    %c0_i32 = arith.constant 0 : i32
    %c0_i32_1 = arith.constant 0 : i32
    return %add3A_0, %c0_i32 : i32, i32
  }
  func.func @transform_1(%arg0: i32) -> (i32, i32) {
    %add3A = arith.constant 10 : i32
    %add3A_0 = arith.addi %add3A, %arg0 : i32
    %c0_i32 = arith.constant 0 : i32
    %c0_i32_1 = arith.constant 0 : i32
    return %add3A_0, %c0_i32 : i32, i32
  }
  func.func @transform_2(%arg0: i32) -> (i32, i32) {
    %add3A = arith.constant 20 : i32
    %add3A_0 = arith.addi %add3A, %arg0 : i32
    %c0_i32 = arith.constant 0 : i32
    %c0_i32_1 = arith.constant 0 : i32
    return %add3A_0, %c0_i32 : i32, i32
  }
  func.func @transform_3(%arg0: i32) -> (i32, i32) {
    %add3A = arith.constant 30 : i32
    %add3A_0 = arith.addi %add3A, %arg0 : i32
    %c0_i32 = arith.constant 0 : i32
    %c0_i32_1 = arith.constant 0 : i32
    return %add3A_0, %c0_i32 : i32, i32
  }
  func.func @transform_4(%arg0: i32) -> (i32, i32) {
    %add3A = arith.constant 0 : i32
    %add3A_0 = arith.addi %add3A, %arg0 : i32
    %c0_i32 = arith.constant 0 : i32
    %c0_i32_1 = arith.constant 0 : i32
    return %add3A_0, %c0_i32 : i32, i32
  }
  func.func @transform_5(%arg0: i32) -> (i32, i32) {
    %add3A = arith.constant 10 : i32
    %add3A_0 = arith.addi %add3A, %arg0 : i32
    %c0_i32 = arith.constant 0 : i32
    %c0_i32_1 = arith.constant 0 : i32
    return %add3A_0, %c0_i32 : i32, i32
  }
  func.func @transform_6(%arg0: i32) -> (i32, i32) {
    %add3A = arith.constant 20 : i32
    %add3A_0 = arith.addi %add3A, %arg0 : i32
    %c0_i32 = arith.constant 0 : i32
    %c0_i32_1 = arith.constant 0 : i32
    return %add3A_0, %c0_i32 : i32, i32
  }
  func.func @transform_7(%arg0: i32) -> (i32, i32) {
    %add3A = arith.constant 30 : i32
    %add3A_0 = arith.addi %add3A, %arg0 : i32
    %c0_i32 = arith.constant 0 : i32
    %c0_i32_1 = arith.constant 0 : i32
    return %add3A_0, %c0_i32 : i32, i32
  }
  func.func @transform_8(%arg0: i32) -> (i32, i32) {
    %c0_i32 = arith.constant 0 : i32
    %c0_i32_0 = arith.constant 0 : i32
    return %arg0, %c0_i32 : i32, i32
  }
  func.func @transform_9(%arg0: i32) -> (i32, i32) {
    %c0_i32 = arith.constant 0 : i32
    %c0_i32_0 = arith.constant 0 : i32
    %c0_i32_1 = arith.constant 0 : i32
    return %c0_i32, %c0_i32_0 : i32, i32
  }
  func.func @transform_10(%arg0: i32) -> (i32, i32) {
    %c0_i32 = arith.constant 0 : i32
    %c0_i32_0 = arith.constant 0 : i32
    %c0_i32_1 = arith.constant 0 : i32
    return %c0_i32, %c0_i32_0 : i32, i32
  }
  func.func @transform_11(%arg0: i32) -> (i32, i32) {
    %c0_i32 = arith.constant 0 : i32
    %c0_i32_0 = arith.constant 0 : i32
    %c0_i32_1 = arith.constant 0 : i32
    return %c0_i32, %c0_i32_0 : i32, i32
  }
  func.func @transform_12(%arg0: i32) -> (i32, i32) {
    %c0_i32 = arith.constant 0 : i32
    %c0_i32_0 = arith.constant 0 : i32
    return %arg0, %c0_i32 : i32, i32
  }
}

module attributes {stable_mosaic.version = 14 : i64} {
  func.func @body(%arg0: i32, %arg1: memref<1024x1xf32, #tpu.memory_space<vmem>>, %arg2: memref<1024x1xf32, #tpu.memory_space<vmem>>, %arg3: memref<1024x1xf32, #tpu.memory_space<vmem>>, %arg4: memref<1024x1xf32, #tpu.memory_space<vmem>>, %arg5: memref<1x1xf32, #tpu.memory_space<vmem>>, %arg6: memref<1024x1xf32, #tpu.memory_space<vmem>>) attributes {dimension_semantics = [#tpu.dimension_semantics<arbitrary>], iteration_bounds = array<i64: 10>, scalar_prefetch = 0 : i64, scratch_operands = 0 : i64, tpu.core_type = #tpu.core_type<tc>, window_params = [{transform_indices = @transform_0, window_bounds = array<i64: 1024, 1>}, {transform_indices = @transform_1, window_bounds = array<i64: 1024, 1>}, {transform_indices = @transform_2, window_bounds = array<i64: 1024, 1>}, {transform_indices = @transform_3, window_bounds = array<i64: 1024, 1>}, {pipeline_mode = #tpu.pipeline_mode<synchronous>, transform_indices = @transform_4, window_bounds = array<i64: 1, 1>}, {transform_indices = @transform_5, window_bounds = array<i64: 1024, 1>}]} {
    %get3A = arith.constant 0 : index
    %get3A_0 = arith.constant 0 : index
    %get3A_1 = vector.load %arg1[%get3A, %get3A_0] : memref<1024x1xf32, #tpu.memory_space<vmem>>, vector<1024x1xf32>
    %get3A_2 = arith.constant 0 : index
    %get3A_3 = arith.constant 0 : index
    %get3A_4 = vector.load %arg2[%get3A_2, %get3A_3] : memref<1024x1xf32, #tpu.memory_space<vmem>>, vector<1024x1xf32>
    %add3A = arith.addf %get3A_1, %get3A_4 : vector<1024x1xf32>
    %get3A_5 = arith.constant 0 : index
    %get3A_6 = arith.constant 0 : index
    %get3A_7 = vector.load %arg3[%get3A_5, %get3A_6] : memref<1024x1xf32, #tpu.memory_space<vmem>>, vector<1024x1xf32>
    %add3A_8 = arith.addf %add3A, %get3A_7 : vector<1024x1xf32>
    %get3A_9 = arith.constant 0 : index
    %get3A_10 = arith.constant 0 : index
    %get3A_11 = vector.load %arg4[%get3A_9, %get3A_10] : memref<1024x1xf32, #tpu.memory_space<vmem>>, vector<1024x1xf32>
    %mul3A = arith.mulf %get3A_11, %add3A_8 : vector<1024x1xf32>
    %get3A_12 = arith.constant 0 : index
    %get3A_13 = arith.constant 0 : index
    %get3A_14 = vector.load %arg5[%get3A_12, %get3A_13] : memref<1x1xf32, #tpu.memory_space<vmem>>, vector<1x1xf32>
    %add3A_15 = vector.broadcast %get3A_14 : vector<1x1xf32> to vector<1024x1xf32>
    %add3A_16 = arith.addf %mul3A, %add3A_15 : vector<1024x1xf32>
    %swap3A = arith.constant 0 : index
    %swap3A_17 = arith.constant 0 : index
    %swap3A_18 = vector.load %arg6[%swap3A, %swap3A_17] : memref<1024x1xf32, #tpu.memory_space<vmem>>, vector<1024x1xf32>
    tpu.vector_store %arg6[%swap3A, %swap3A_17], %add3A_16 {strides = array<i32>} : memref<1024x1xf32, #tpu.memory_space<vmem>>, vector<1024x1xf32>,
    return
  }
  func.func @transform_0(%arg0: i32) -> (i32, i32) {
    %c0_i32 = arith.constant 0 : i32
    %c0_i32_0 = arith.constant 0 : i32
    return %arg0, %c0_i32 : i32, i32
  }
  func.func @transform_1(%arg0: i32) -> (i32, i32) {
    %add3A = arith.constant 10 : i32
    %add3A_0 = arith.addi %add3A, %arg0 : i32
    %c0_i32 = arith.constant 0 : i32
    %c0_i32_1 = arith.constant 0 : i32
    return %add3A_0, %c0_i32 : i32, i32
  }
  func.func @transform_2(%arg0: i32) -> (i32, i32) {
    %c0_i32 = arith.constant 0 : i32
    %c0_i32_0 = arith.constant 0 : i32
    return %arg0, %c0_i32 : i32, i32
  }
  func.func @transform_3(%arg0: i32) -> (i32, i32) {
    %c0_i32 = arith.constant 0 : i32
    %c0_i32_0 = arith.constant 0 : i32
    return %arg0, %c0_i32 : i32, i32
  }
  func.func @transform_4(%arg0: i32) -> (i32, i32) {
    %c0_i32 = arith.constant 0 : i32
    %c0_i32_0 = arith.constant 0 : i32
    %c0_i32_1 = arith.constant 0 : i32
    return %c0_i32, %c0_i32_0 : i32, i32
  }
  func.func @transform_5(%arg0: i32) -> (i32, i32) {
    %c0_i32 = arith.constant 0 : i32
    %c0_i32_0 = arith.constant 0 : i32
    return %arg0, %c0_i32 : i32, i32
  }
}

</mosaic_0001>

<sc_bundles>
// kernel: kernel.11.cloned.1.call-start
scs
__scs_entry_jumppad:
0x0: {  	(pc) =	sbr.rel $0x88, $3  }
0x1: {  	(tag) =	ssettag $0x0;
	lr =	simm.s32 $0x1  }
0x2: {  	[smem:$0x3F9B] =	sst lr;
	_ =	strace $0xD0000000  }
0x3: {  	_ = 	snop  }
0x4: {  	_ = 	snop  }
0x5: {  	_ = 	snop  }
0x6: {  	_ = 	snop  }
0x7: {  	_ = 	snop  }
__scs_overlays_trampoline_lowered:
0x8: {  	[smem:$0x3FAA] =	sst s0  }
0x9: {  	[smem:$0x3FAB] =	sst s1  }
0xa: {  	[smem:$0x3FAC] =	sst s2  }
0xb: {  	[smem:$0x3FAD] =	sst s3  }
0xc: {  	[smem:$0x3FAE] =	sst s4  }
0xd: {  	[smem:$0x3FAF] =	sst s5  }
0xe: {  	[smem:$0x3FB0] =	sst s6  }
0xf: {  	[smem:$0x3FB1] =	sst s7  }
0x10: {  	[smem:$0x3FB2] =	sst s8  }
0x11: {  	[smem:$0x3FB3] =	sst s9;
	s0 =	simm.s32 @!p0 $0x0  }
0x12: {  	s1 =	sld [smem:$0x3F99];
	s0 =	simm.s32 @p0 $0x1  }
0x13: {  	[smem:$0x3FB4] =	sst s0;
	s0 =	simm.s32 @!p1 $0x0  }
0x14: {  	s2 =	sld [smem:$0x3F98];
	s0 =	simm.s32 @p1 $0x1  }
0x15: {  	[smem:$0x3FB5] =	sst s0;
	s0 =	simm.s32 @!p2 $0x0  }
0x16: {  	s3 =	sld [smem:$0x3FDB];
	s0 =	simm.s32 @p2 $0x1  }
0x17: {  	s4 =	simm.s32 $0x1BF5;
	[smem:$0x3FB7] =	sst s0  }
0x18: {  	s0 =	sld [smem:$0x3F9A];
	_ =	swait.ge [sflag:s4], $0x0  }
0x19: {  	s7 =	sld [smem:$0x3F9B]  }
0x1a: {  	s8 =	sadd.s32 $0xFFFFE003, lr  }
0x1b: {  	s9 =	sadd.s32 $0xFFFFFEF7, lr;
	s5 =	simm.s32 $0xFFFFFFFF;
	p2 =	slt.u32 s8, $0xFFFFF086  }
0x1c: {  	p1 =	slt.u32 s9, $0xF7A;
	s5 =	simm.s32 @!p2 $0x0  }
0x1d: {  	s5 =	simm.s32 @p1 $0x1;
	p0 =	seq.s32 s7, s2  }
0x1e: {  	s7 =	smul.u32 @!p0 $0xF7A, s2;
	p2 =	seq.s32 @!p0 s5, $0x0  }
0x1f: {  	s9 =	smul.u32 $0xF7A, s1;
	s8 =	simm.s32 @!p0 $0x1BF5;
	p2 =	por !p2, p0  }
0x20: {  	[sflag:s8] =	ssyncset.s32 @!p0 $0xFFFFF086;
	s6 =	sadd.s32 @!p0 s3, s7;
	s7 =	simm.s32 @!p0 $0x108  }
0x21: {  	s3 =	sadd.s32 s3, s9;
	s6 =	sadd.s32 @!p0 $0x88, s6;
	s7 =	simm.s32 @p2 $0x1082  }
0x22: {  	[simem:s7], [sflag:s8] =	dma.local @!p0 [hbm:s6], $0xF7A  }
0x23: {  	s9 =	sor.u32 $0xD0000000, s2;
	s6 =	simm.s32 $0x108;
	_ =	swait.ge @!p0 [sflag:s8], $0x0  }
0x24: {  	s3 =	sadd.s32 $0x88, s3;
	s6 =	simm.s32 @!p1 $0x1082;
	[sflag:s4] =	ssyncset.s32 $0xFFFFF086  }
0x25: {  	[simem:s6], [sflag:s4] =	dma.local [hbm:s3], $0xF7A  }
0x26: {  	[smem:$0x3F9B] =	sst s1;
	(tag) =	ssettag s2;
	_ =	strace s9  }
0x27: {  	s1 =	sld [smem:$0x3FAB]  }
0x28: {  	s2 =	sld [smem:$0x3FAC]  }
0x29: {  	s4 =	sld [smem:$0x3FAE]  }
0x2a: {  	p0 =	seq.s32 s5, $0x0;
	s5 =	sld [smem:$0x3FAF]  }
0x2b: {  	s6 =	sld [smem:$0x3FB0]  }
0x2c: {  	s7 =	sld [smem:$0x3FB1]  }
0x2d: {  	s3 =	simm.s32 $0x108;
	s8 =	sld [smem:$0x3FB2]  }
0x2e: {  	s3 =	simm.s32 @!p0 $0x1082;
	s9 =	sld [smem:$0x3FB3]  }
0x2f: {  	lr =	sadd.s32 s0, s3;
	s0 =	sld [smem:$0x3FAA]  }
0x30: {  	s3 =	sld [smem:$0x3FAD]  }
0x31: {  	[smem:$0x3FB6] =	sst s10  }
0x32: {  	s10 =	sld [smem:$0x3FB4];
	_ =	sdelay $0x3  }
0x33: {  	p0 =	seq.s32 s10, $0x1;
	s10 =	sld [smem:$0x3FB6];
	_ =	sdelay $0x3  }
0x34: {  	[smem:$0x3FB6] =	sst s10  }
0x35: {  	s10 =	sld [smem:$0x3FB5];
	_ =	sdelay $0x3  }
0x36: {  	p1 =	seq.s32 s10, $0x1;
	s10 =	sld [smem:$0x3FB6];
	_ =	sdelay $0x3  }
0x37: {  	[smem:$0x3FB6] =	sst s10  }
0x38: {  	s10 =	sld [smem:$0x3FB7]  }
0x39: {  	_ = 	snop;
	(pc) =	sbr.ind lr, $3  }
0x3a: {  	_ = 	snop  }
0x3b: {  	_ = 	snop  }
0x3c: {  	p2 =	seq.s32 s10, $0x1;
	s10 =	sld [smem:$0x3FB6]  }
0x3d: {  	_ =	shalt  }
0x3e: {  	_ =	shalt  }
0x3f: {  	_ =	shalt  }
0x40: {  	_ =	shalt  }
0x41: {  	_ =	shalt  }
0x42: {  	_ =	shalt  }
0x43: {  	_ =	shalt  }
0x44: {  	_ =	shalt  }
0x45: {  	_ =	shalt  }
0x46: {  	_ =	shalt  }
0x47: {  	_ =	shalt  }
0x48: {  	_ =	shalt  }
0x49: {  	_ =	shalt  }
0x4a: {  	_ =	shalt  }
0x4b: {  	_ =	shalt  }
0x4c: {  	_ =	shalt  }
0x4d: {  	_ =	shalt  }
0x4e: {  	_ =	shalt  }
0x4f: {  	_ =	shalt  }
0x50: {  	_ =	shalt  }
0x51: {  	_ =	shalt  }
0x52: {  	_ =	shalt  }
0x53: {  	_ =	shalt  }
0x54: {  	_ =	shalt  }
0x55: {  	_ =	shalt  }
0x56: {  	_ =	shalt  }
0x57: {  	_ =	shalt  }
0x58: {  	_ =	shalt  }
0x59: {  	_ =	shalt  }
0x5a: {  	_ =	shalt  }
0x5b: {  	_ =	shalt  }
0x5c: {  	_ =	shalt  }
0x5d: {  	_ =	shalt  }
0x5e: {  	_ =	shalt  }
0x5f: {  	_ =	shalt  }
0x60: {  	_ =	shalt  }
0x61: {  	_ =	shalt  }
0x62: {  	_ =	shalt  }
0x63: {  	_ =	shalt  }
0x64: {  	_ =	shalt  }
0x65: {  	_ =	shalt  }
0x66: {  	_ =	shalt  }
0x67: {  	_ =	shalt  }
0x68: {  	_ =	shalt  }
0x69: {  	_ =	shalt  }
0x6a: {  	_ =	shalt  }
0x6b: {  	_ =	shalt  }
0x6c: {  	_ =	shalt  }
0x6d: {  	_ =	shalt  }
0x6e: {  	_ =	shalt  }
0x6f: {  	_ =	shalt  }
0x70: {  	_ =	shalt  }
0x71: {  	_ =	shalt  }
0x72: {  	_ =	shalt  }
0x73: {  	_ =	shalt  }
0x74: {  	_ =	shalt  }
0x75: {  	_ =	shalt  }
0x76: {  	_ =	shalt  }
0x77: {  	_ =	shalt  }
0x78: {  	_ =	shalt  }
0x79: {  	_ =	shalt  }
0x7a: {  	_ =	shalt  }
0x7b: {  	_ =	shalt  }
0x7c: {  	_ =	shalt  }
0x7d: {  	_ =	shalt  }
0x7e: {  	_ =	shalt  }
0x7f: {  	_ =	shalt  }
0x80: {  	_ =	shalt  }
0x81: {  	_ =	shalt  }
0x82: {  	_ =	shalt  }
0x83: {  	_ =	shalt  }
0x84: {  	_ =	shalt  }
0x85: {  	_ =	shalt  }
0x86: {  	_ =	shalt  }
0x87: {  	_ =	shalt  }
.Lfunc_end0:
.L_simem_size_0:
called_computation.1_lowered:
.L_overlay_start_0:
0x88: {  	s2 =	sld [smem:$0x3FD9]  }
0x89: {  	s3 =	sld [smem:$0x3FFE];
	_ =	sdelay $0x1  }
0x8a: {  	s1 =	srdreg.scid  }
0x8b: {  	s0 =	sand.u32 $0x1, s1  }
0x8c: {  	s16 =	sshll.u32 s0, $0xA;
	s2 =	sadd.s32 s3, s2  }
0x8d: {  	s2 =	sadd.s32 s2, s16  }
0x8e: {  	[smem:$0x3FC2] =	sst s2  }
0x8f: {  	_ = 	snop  }
0x90: {  	(tm) =	ssettm $0x1  }
0x91: {  	s17 =	sld [smem:$0x3FFB];
	_ =	sdelay $0x3  }
0x92: {  	_ =	strace s17  }
0x93: {  	s2 =	sld [smem:$0x3FFC];
	_ =	sdelay $0x3  }
0x94: {  	_ =	strace s2  }
0x95: {  	s2 =	sld [smem:$0x3FFD];
	_ =	sdelay $0x3  }
0x96: {  	_ =	strace s2  }
0x97: {  	_ =	strace $0x8FFFFFFF  }
0x98: {  	s18 =	sld [smem:$0x3FDB];
	_ =	sdelay $0x1  }
0x99: {  	s19 =	simm.s32 $_scs_section_size  }
0x9a: {  	s4 =	simm.s32 $_size__tile_overlayer_lowered;
	s5 =	simm.s32 $_tile_overlayer_lowered  }
0x9b: {  	s22 =	simm.s32 $0x1BFF;
	s21 =	sshll.u32 s5, $0x1;
	s2 =	sadd.s32 s19, s18  }
0x9c: {  	s6 =	simm.s32 $0x0;
	s20 =	sshll.u32 s4, $0x1;
	s4 =	sadd.s32 s21, s2  }
0x9d: {  	[timem:s6], [sflag:s22] =	dma.local [hbm:s4], s20  }
0x9e: {  	_ =	swait.ge [sflag:s22], s20  }
0x9f: {  	s3 =	ssub.s32 $0x0, s20;
	[sflag:s22] =	ssyncset.done $0x0  }
0xa0: {  	[sflag:s22] =	ssyncadd.s32 s3;
	_ =	sdelay $0x1  }
0xa1: {  	s23 =	simm.s32 $0x1B8B  }
0xa2: {  	_ =	swait.ge [sflag:s23], $0x1  }
0xa3: {  	[sflag:s23] =	ssyncset.done $0x0  }
0xa4: {  	s25 =	simm.s32 $0x1B8E;
	s24 =	sld [smem:$0x3FFE];
	[sflag:s23] =	ssyncadd.s32 $0xFFFFFFFF  }
0xa5: {  	s26 =	simm.s32 $execute0_lowered;
	[smem:$0x3FD2] =	sst s25  }
0xa6: {  	s4 =	sshll.u32 s26, $0x1;
	_ =	strace $0x80000049;
	[dreg:$0x1] =	wrdreg $0xFFFFFFFF  }
0xa7: {  	s28 =	simm.s32 $_size_execute0_lowered;
	s2 =	sadd.s32 s2, s4;
	[dreg:$0x0] =	wrdreg $0x0  }
0xa8: {  	s4 =	sshll.u32 s28, $0x1;
	[dreg:$0x2] =	wrdreg s2  }
0xa9: {  	[dreg:$0x3] =	wrdreg s4  }
0xaa: {  	[dreg:$0x4] =	wrdreg $0xC0  }
0xab: {  	_ =	task [dreg:s6], $0x5FFFF  }
0xac: {  	[dreg:$0x1] =	wrdreg $0xFFFFFFFF  }
0xad: {  	[dreg:$0x0] =	wrdreg $0x60  }
0xae: {  	[dreg:$0x2] =	wrdreg s24  }
0xaf: {  	[dreg:$0x3] =	wrdreg $0xB0000  }
0xb0: {  	[dreg:$0x4] =	wrdreg $0x9  }
0xb1: {  	_ =	task.clear_ibuf [dreg:s6], $0x5FFFF;
	_ =	strace $0x90000049  }
0xb2: {  	s29 =	simm.s32 $0x9;
	_ =	strace $0x8000004B  }
0xb3: {  	_ =	swait.ge [sflag:s29], $0x1  }
0xb4: {  	[sflag:s29] =	ssyncadd.s32 $0xFFFFFFFF  }
0xb5: {  	_ =	strace $0x9000004B  }
0xb6: {  	_ =	sfence  }
0xb7: {  	s30 =	sld [smem:$0x0];
	_ =	sdelay $0x2  }
0xb8: {  	s31 =	sshll.u32 s1, $0xD;
	s1 =	sshrl.u32 s1, $0x2  }
0xb9: {  	s3 =	sand.u32 $0x4000, s31;
	s1 =	sadd.s32 s1, s30  }
0xba: {  	s0 =	sor.u32 s3, s0;
	s1 =	sshll.u32 s1, $0x11  }
0xbb: {  	s0 =	sor.u32 s1, s0  }
0xbc: {  	s0 =	sadd.s32 $0x8F2B, s0  }
0xbd: {  	[sflag:s0] =	ssyncadd.remote.s32 $0x1  }
0xbe: {  	_ =	sfence.sel $0xFFFF  }
0xbf: {  	[dreg:$0x0] =	wrdreg $0xFFFFFFFF;
	(pc) =	sbr.abs _section_cstart, $3  }
0xc0: {  	[dreg:$0x1] =	wrdreg $0xFFFFFFFF  }
0xc1: {  	_ =	task.clear_ibuf [dreg:s6], $0x2FFFF;
	_ =	strace $0x9FFFFFFF  }
0xc2: {  	(tm) =	ssettm $0x7FFFFFFF  }
0xc3: {  	_ =	shalt  }
tec
execute0_lowered:
.L_overlay_start_1:
0x0: {  	(tag) =	ssettag $0x1  }
0x1: {  	s7 =	stileid.u32  }
0x2: {  	s0 =	srdreg.scid;
	s1 =	rddreg [dreg:$0x0]  }
0x3: {  	s2 =	rddreg [dreg:$0x1];
	s3 =	simm.s32 $0x0;
	s4 =	smul.u32 $0x500, s7  }
0x4: {  	s28 =	simm.s32 $0x7000;
	s29 =	simm.s32 $0x9000;
	s5 =	smul.u32 $0x280, s7  }
0x5: {  	s30 =	simm.s32 $0x1;
	s0 =	sand.u32 $0x1, s0;
	s7 =	smul.u32 $0x28000, s7  }
0x6: {  	s31 =	simm.s32 $0x2;
	[smem:$0x7FF] =	sst s3;
	s6 =	smul.u32 $0x5000, s0  }
0x7: {  	_ =	strace $0x8000004A;
	s0 =	ssub.s32 $0x2, s0;
	s8 =	sadd.s32 s4, s1  }
0x8: {  	s7 =	sshrl.u32 s7, $0x2;
	s4 =	sadd.s32 $0x14800, s1;
	s26 =	sshrl.u32 s0, $0x1  }
0x9: {  	s5 =	sadd.s32 s5, s6;
	s22 =	sadd.s32 $0x5800, s8;
	s23 =	sadd.s32 $0x800, s8  }
0xa: {  	s0 =	ssub.s32 s0, s26;
	s26 =	simm.s32 $0x5000;
	s5 =	sshll.u32 s5, $0x3  }
0xb: {  	s20 =	smax.u32 s0, $0x1;
	s1 =	sadd.s32 s5, s1;
	s5 =	sadd.s32 s7, s2  }
0xc: {  	s0 =	simm.s32 $0x4F00;
	s8 =	sadd.s32 $0x2000, s5;
	s9 =	sadd.s32 $0x4000, s5  }
0xd: {  	s10 =	sadd.s32 $0x6000, s5;
	s11 =	sadd.s32 $0x8000, s5;
	s24 =	sadd.s32 $0x105200, s1  }
0xe: {  	v0 =	vmov s6;
	s6 =	simm.s32 $0x0;
	s25 =	sadd.s32 $0x105600, s1;
	s14 =	sadd.s32 $0x105A00, s1  }
0xf: {  	[dreg:$0x3] =	wrdreg s22;
	s15 =	sadd.s32 $0x105E00, s1;
	s16 =	sadd.s32 $0x106200, s1  }
0x10: {  	[dreg:$0x4] =	wrdreg s23;
	s17 =	sadd.s32 $0x119200, s1;
	s18 =	sadd.s32 $0x119600, s1  }
0x11: {  	s23 =	simm.s32 $0x4;
	s19 =	sadd.s32 $0x119A00, s1;
	s21 =	sadd.s32 $0x119E00, s1  }
0x12: {  	s22 =	sadd.s32 $0x11A200, s1;
	s1 =	simm.s32 $0x3;
	[dreg:$0x5] =	wrdreg s24  }
0x13: {  	v1 =	vimm.f32 $0.0e+00;
	[dreg:$0x6] =	wrdreg s25;
	s25 =	simm.s32 $0x80;
	s24 =	simm.s32 $0x4F80  }
.LBB2_1:
0x14: {  	s7 =	rddreg [dreg:$0x3]  }
0x15: {  	[tilespmem:s3], [sflag:$0x4] =	stream.linear.gather [hbm4b:s7+s3], $0x2800, $0x38;
	[tilespmem:$0x15000] =	vst v63  }
0x16: {  	_ =	swait.ge [sflag:s23], $0x2800  }
0x17: {  	[sflag:s23] =	ssyncset.done $0x0  }
0x18: {  	s12 =	simm.s32 $0x2800;
	s13 =	rddreg [dreg:$0x4];
	[sflag:s23] =	ssyncadd.s32 $0xFFFFD800  }
0x19: {  	[tilespmem:s12], [sflag:$0x4] =	stream.linear.gather [hbm4b:s13+s3], $0x2800, $0x38;
	[tilespmem:$0x15000] =	vst v63  }
0x1a: {  	_ =	swait.ge [sflag:s23], $0x2800  }
0x1b: {  	[sflag:s23] =	ssyncset.done $0x0  }
0x1c: {  	s7 =	simm.s32 $0x0;
	[sflag:s23] =	ssyncadd.s32 $0xFFFFD800  }
0x1d: {  	v4 =	vld [tilespmem:s7+$0x0]  }
0x1e: {  	v6 =	vld [tilespmem:s7+$0x10]  }
0x1f: {  	v5 =	vld [tilespmem:s7+$0x20]  }
0x20: {  	v3 =	vld [tilespmem:s7+$0x30]  }
0x21: {  	v2 =	vld [tilespmem:s7+$0x40]  }
0x22: {  	v7 =	vadd.s32 v0, v4;
	v4 =	vld [tilespmem:s7+$0x50]  }
0x23: {  	s12 =	simm.s32 $0x200;
	[tilespmem:s7+$0x0] =	vst v7;
	v7 =	vadd.s32 v0, v6;
	v6 =	vld [tilespmem:s7+$0x60]  }
.LBB2_2:
0x24: {  	s13 =	sshra.s32 s12, $0x2;
	p0 =	sne.s32 s12, $0x9E00;
	[tilespmem:s7+$0x10] =	vst v7;
	v5 =	vadd.s32 v0, v5;
	v7 =	vld [tilespmem:s7+$0x70]  }
0x25: {  	v8 =	vld [tilespmem:s13+$0x0];
	[tilespmem:s7+$0x20] =	vst v5;
	v3 =	vadd.s32 v0, v3  }
0x26: {  	v9 =	vld [tilespmem:s13+$0x10];
	[tilespmem:s7+$0x30] =	vst v3;
	v2 =	vadd.s32 v0, v2  }
.Ltmp0:
0x27: {  	v5 =	vld [tilespmem:s13+$0x20];
	[tilespmem:s7+$0x40] =	vst v2;
	v2 =	vadd.s32 v0, v4;
	(pc) =	sbr.rel @p0 .LBB2_2-.Ltmp0, $4  }
0x28: {  	v3 =	vld [tilespmem:s13+$0x30];
	[tilespmem:s7+$0x50] =	vst v2;
	v4 =	vadd.s32 v0, v6  }
0x29: {  	v2 =	vld [tilespmem:s13+$0x40];
	[tilespmem:s7+$0x60] =	vst v4;
	v6 =	vadd.s32 v0, v7  }
0x2a: {  	v7 =	vadd.s32 v0, v8;
	v4 =	vld [tilespmem:s13+$0x50];
	[tilespmem:s7+$0x70] =	vst v6;
	s7 =	smov.u32 s13  }
0x2b: {  	s12 =	sadd.s32 $0x200, s12;
	[tilespmem:s7+$0x0] =	vst v7;
	v7 =	vadd.s32 v0, v9;
	v6 =	vld [tilespmem:s7+$0x60]  }
0x2c: {  	[tilespmem:s7+$0x10] =	vst v7;
	v5 =	vadd.s32 v0, v5;
	v63 =	vld [tilespmem:s7+$0x70]  }
0x2d: {  	[tilespmem:s7+$0x20] =	vst v5;
	v3 =	vadd.s32 v0, v3  }
0x2e: {  	[tilespmem:s7+$0x30] =	vst v3;
	v2 =	vadd.s32 v0, v2  }
0x2f: {  	[tilespmem:s7+$0x40] =	vst v2;
	v2 =	vadd.s32 v0, v4  }
0x30: {  	[tilespmem:s7+$0x50] =	vst v2;
	v2 =	vadd.s32 v0, v6  }
0x31: {  	[tilespmem:s7+$0x60] =	vst v2;
	v2 =	vadd.s32 v0, v63  }
0x32: {  	s13 =	simm.s32 $0x0;
	[tilespmem:s7+$0x70] =	vst v2  }
0x33: {  	[tilespmem:s26], [sflag:$0x1] =	stream.indirect.gather [hbm4b:s4+s25], $0x40, s13, s25, $0xb8;
	[tilespmem:$0x15000] =	vst v63  }
0x34: {  	s12 =	simm.s32 $0x100;
	s7 =	simm.s32 $0x0  }
0x35: {  	[tilespmem:s28], [sflag:$0x2] =	stream.indirect.gather [hbm4b:s4+s25], $0x40, s25, s25, $0xb8;
	[tilespmem:$0x15000] =	vst v63  }
.LBB2_4:
0x36: {  	p0 =	sne.s32 s12, $0x7F00;
	[tilespmem:s7+$0x9030] =	vst v1;
	s13 =	smov.u32 s12;
	s12 =	sadd.s32 $0x100, s12  }
.Ltmp1:
0x37: {  	[tilespmem:s7+$0x9020] =	vst v1;
	(pc) =	sbr.rel @p0 .LBB2_4-.Ltmp1, $3  }
0x38: {  	[tilespmem:s7+$0x9000] =	vst v1  }
0x39: {  	[tilespmem:s7+$0x9010] =	vst v1;
	_ =	sdelay $0x1  }
0x3a: {  	s7 =	sshra.s32 s13, $0x2  }
0x3b: {  	[tilespmem:s7+$0x9030] =	vst v1  }
0x3c: {  	[tilespmem:s7+$0x9020] =	vst v1  }
0x3d: {  	[tilespmem:s7+$0x9000] =	vst v1  }
0x3e: {  	[tilespmem:s7+$0x9010] =	vst v1  }
0x3f: {  	[spmem:s5] =	stream.linear.scatter [tilespmem:s29], [sflag:$0x4], $0x2000, $0x38;
	[tilespmem:$0x15000] =	vst v63  }
0x40: {  	_ =	swait.ge [sflag:s23], $0x2000  }
0x41: {  	[sflag:s23] =	ssyncset.done $0x0  }
0x42: {  	[sflag:s23] =	ssyncadd.s32 $0xFFFFE000  }
0x43: {  	[spmem:s8] =	stream.linear.scatter [tilespmem:s29], [sflag:$0x4], $0x2000, $0x38;
	[tilespmem:$0x15000] =	vst v63  }
0x44: {  	_ =	swait.ge [sflag:s23], $0x2000  }
0x45: {  	[sflag:s23] =	ssyncset.done $0x0  }
0x46: {  	[sflag:s23] =	ssyncadd.s32 $0xFFFFE000  }
0x47: {  	[spmem:s9] =	stream.linear.scatter [tilespmem:s29], [sflag:$0x4], $0x2000, $0x38;
	[tilespmem:$0x15000] =	vst v63  }
0x48: {  	_ =	swait.ge [sflag:s23], $0x2000  }
0x49: {  	[sflag:s23] =	ssyncset.done $0x0  }
0x4a: {  	[sflag:s23] =	ssyncadd.s32 $0xFFFFE000  }
0x4b: {  	[spmem:s10] =	stream.linear.scatter [tilespmem:s29], [sflag:$0x4], $0x2000, $0x38;
	[tilespmem:$0x15000] =	vst v63  }
0x4c: {  	_ =	swait.ge [sflag:s23], $0x2000  }
0x4d: {  	[sflag:s23] =	ssyncset.done $0x0  }
0x4e: {  	[sflag:s23] =	ssyncadd.s32 $0xFFFFE000  }
0x4f: {  	[spmem:s11] =	stream.linear.scatter [tilespmem:s29], [sflag:$0x4], $0x2000, $0x38;
	[tilespmem:$0x15000] =	vst v63  }
0x50: {  	_ =	swait.ge [sflag:s23], $0x2000  }
0x51: {  	[sflag:s23] =	ssyncset.done $0x0  }
0x52: {  	[sflag:s23] =	ssyncadd.s32 $0xFFFFE000  }
0x53: {  	[bflag:$0x0] =	sbarrier.arrive $0xFFFF  }
0x54: {  	_ =	swait.ge [sflag:s30], $0x2000  }
0x55: {  	[sflag:s30] =	ssyncset.done $0x0  }
0x56: {  	s12 =	simm.s32 $0x100;
	[sflag:s30] =	ssyncadd.s32 $0xFFFFE000  }
0x57: {  	[tilespmem:s29], [sflag:$0x3] =	stream.indirect.gather [hbm4b:s4+s25], $0x40, s12, s25, $0xb8;
	[tilespmem:$0x15000] =	vst v63  }
0x58: {  	s13 =	simm.s32 $0x2800  }
0x59: {  	[spmem:s2] =	stream.indirect.scatter.add.f32 [tilespmem:s26], [sflag:$0x4], $0x40, s13, s25, $0xb8;
	[tilespmem:$0x15000] =	vst v63  }
0x5a: {  	_ =	swait.ge [sflag:s23], $0x2000  }
0x5b: {  	[sflag:s23] =	ssyncset.done $0x0  }
0x5c: {  	[sflag:s23] =	ssyncadd.s32 $0xFFFFE000  }
0x5d: {  	_ =	swait.ge [sflag:s31], $0x2000  }
0x5e: {  	[sflag:s31] =	ssyncset.done $0x0  }
0x5f: {  	s12 =	simm.s32 $0x180;
	[sflag:s31] =	ssyncadd.s32 $0xFFFFE000  }
0x60: {  	[tilespmem:s26], [sflag:$0x1] =	stream.indirect.gather [hbm4b:s4+s25], $0x40, s12, s25, $0xb8;
	[tilespmem:$0x15000] =	vst v63  }
0x61: {  	s13 =	simm.s32 $0x2880  }
0x62: {  	[spmem:s2] =	stream.indirect.scatter.add.f32 [tilespmem:s28], [sflag:$0x4], $0x40, s13, s25, $0xb8;
	[tilespmem:$0x15000] =	vst v63  }
0x63: {  	_ =	swait.ge [sflag:s23], $0x2000  }
0x64: {  	[sflag:s23] =	ssyncset.done $0x0  }
0x65: {  	[sflag:s23] =	ssyncadd.s32 $0xFFFFE000  }
0x66: {  	_ =	swait.ge [sflag:s1], $0x2000  }
0x67: {  	[sflag:s1] =	ssyncset.done $0x0  }
0x68: {  	s12 =	simm.s32 $0x200;
	[sflag:s1] =	ssyncadd.s32 $0xFFFFE000  }
0x69: {  	[tilespmem:s28], [sflag:$0x2] =	stream.indirect.gather [hbm4b:s4+s25], $0x40, s12, s25, $0xb8;
	[tilespmem:$0x15000] =	vst v63  }
0x6a: {  	s13 =	simm.s32 $0x2900  }
0x6b: {  	[spmem:s2] =	stream.indirect.scatter.add.f32 [tilespmem:s29], [sflag:$0x4], $0x40, s13, s25, $0xb8;
	[tilespmem:$0x15000] =	vst v63  }
0x6c: {  	_ =	swait.ge [sflag:s23], $0x2000  }
0x6d: {  	s7 =	simm.s32 $0x600;
	[sflag:s23] =	ssyncset.done $0x0  }
.LBB2_6:
0x6e: {  	p0 =	sne.s32 s7, $0x9600  }
0x6f: {  	[sflag:s23] =	ssyncadd.s32 $0xFFFFE000;
	s12 =	smov.u32 s7;
	s7 =	sadd.s32 $0x600, s7  }
0x70: {  	_ = 	snop  }
0x71: {  	_ =	swait.ge [sflag:s30], $0x2000  }
0x72: {  	s12 =	sshra.s32 s12, $0x2;
	[sflag:s30] =	ssyncset.done $0x0  }
0x73: {  	s13 =	sadd.s32 $0x100, s12;
	[sflag:s30] =	ssyncadd.s32 $0xFFFFE000  }
0x74: {  	[tilespmem:s29], [sflag:$0x3] =	stream.indirect.gather [hbm4b:s4+s25], $0x40, s13, s25, $0xb8;
	[tilespmem:$0x15000] =	vst v63  }
0x75: {  	s13 =	sadd.s32 $0x2800, s12  }
0x76: {  	[spmem:s2] =	stream.indirect.scatter.add.f32 [tilespmem:s26], [sflag:$0x4], $0x40, s13, s25, $0xb8;
	[tilespmem:$0x15000] =	vst v63  }
0x77: {  	_ =	swait.ge [sflag:s23], $0x2000  }
0x78: {  	[sflag:s23] =	ssyncset.done $0x0  }
0x79: {  	[sflag:s23] =	ssyncadd.s32 $0xFFFFE000  }
0x7a: {  	_ =	swait.ge [sflag:s31], $0x2000  }
0x7b: {  	[sflag:s31] =	ssyncset.done $0x0  }
0x7c: {  	s13 =	sadd.s32 $0x180, s12;
	[sflag:s31] =	ssyncadd.s32 $0xFFFFE000  }
0x7d: {  	[tilespmem:s26], [sflag:$0x1] =	stream.indirect.gather [hbm4b:s4+s25], $0x40, s13, s25, $0xb8;
	[tilespmem:$0x15000] =	vst v63  }
0x7e: {  	s13 =	sadd.s32 $0x2880, s12  }
0x7f: {  	[spmem:s2] =	stream.indirect.scatter.add.f32 [tilespmem:s28], [sflag:$0x4], $0x40, s13, s25, $0xb8;
	[tilespmem:$0x15000] =	vst v63  }
0x80: {  	_ =	swait.ge [sflag:s23], $0x2000  }
0x81: {  	[sflag:s23] =	ssyncset.done $0x0  }
0x82: {  	[sflag:s23] =	ssyncadd.s32 $0xFFFFE000  }
0x83: {  	_ =	swait.ge [sflag:s1], $0x2000  }
0x84: {  	[sflag:s1] =	ssyncset.done $0x0  }
0x85: {  	s13 =	sadd.s32 $0x200, s12;
	[sflag:s1] =	ssyncadd.s32 $0xFFFFE000  }
0x86: {  	[tilespmem:s28], [sflag:$0x2] =	stream.indirect.gather [hbm4b:s4+s25], $0x40, s13, s25, $0xb8;
	[tilespmem:$0x15000] =	vst v63  }
.Ltmp2:
0x87: {  	_ = 	snop;
	(pc) =	sbr.rel @p0 .LBB2_6-.Ltmp2, $4  }
0x88: {  	s12 =	sadd.s32 $0x2900, s12  }
0x89: {  	[spmem:s2] =	stream.indirect.scatter.add.f32 [tilespmem:s29], [sflag:$0x4], $0x40, s12, s25, $0xb8;
	[tilespmem:$0x15000] =	vst v63  }
0x8a: {  	_ =	swait.ge [sflag:s23], $0x2000  }
0x8b: {  	[sflag:s23] =	ssyncset.done $0x0  }
0x8c: {  	[sflag:s23] =	ssyncadd.s32 $0xFFFFE000  }
0x8d: {  	_ =	swait.ge [sflag:s30], $0x2000  }
0x8e: {  	[sflag:s30] =	ssyncset.done $0x0  }
0x8f: {  	[sflag:s30] =	ssyncadd.s32 $0xFFFFE000  }
0x90: {  	[spmem:s2] =	stream.indirect.scatter.add.f32 [tilespmem:s26], [sflag:$0x4], $0x40, s0, s25, $0xb8;
	[tilespmem:$0x15000] =	vst v63  }
0x91: {  	_ =	swait.ge [sflag:s23], $0x2000  }
0x92: {  	[sflag:s23] =	ssyncset.done $0x0  }
0x93: {  	[sflag:s23] =	ssyncadd.s32 $0xFFFFE000  }
0x94: {  	_ =	swait.ge [sflag:s31], $0x2000  }
0x95: {  	[sflag:s31] =	ssyncset.done $0x0  }
0x96: {  	[sflag:s31] =	ssyncadd.s32 $0xFFFFE000  }
0x97: {  	[spmem:s2] =	stream.indirect.scatter.add.f32 [tilespmem:s28], [sflag:$0x4], $0x40, s24, s25, $0xb8;
	[tilespmem:$0x15000] =	vst v63  }
0x98: {  	_ =	swait.ge [sflag:s23], $0x2000  }
0x99: {  	[sflag:s23] =	ssyncset.done $0x0  }
0x9a: {  	[sflag:s23] =	ssyncadd.s32 $0xFFFFE000  }
0x9b: {  	s7 =	simm.s32 $0x0;
	[bflag:$0x0] =	sbarrier.arrive $0xFFFF  }
0x9c: {  	v4 =	vld [tilespmem:s7+$0x0]  }
0x9d: {  	v6 =	vld [tilespmem:s7+$0x10]  }
0x9e: {  	v5 =	vld [tilespmem:s7+$0x20]  }
0x9f: {  	v3 =	vld [tilespmem:s7+$0x30]  }
0xa0: {  	v2 =	vld [tilespmem:s7+$0x40]  }
0xa1: {  	v7 =	vadd.s32 $0x2800, v4;
	v4 =	vld [tilespmem:s7+$0x50]  }
0xa2: {  	s12 =	simm.s32 $0x200;
	[tilespmem:s7+$0x0] =	vst v7;
	v7 =	vadd.s32 $0x2800, v6;
	v6 =	vld [tilespmem:s7+$0x60]  }
.LBB2_8:
0xa3: {  	s13 =	sshra.s32 s12, $0x2;
	p0 =	sne.s32 s12, $0x9E00;
	[tilespmem:s7+$0x10] =	vst v7;
	v5 =	vadd.s32 $0x2800, v5;
	v7 =	vld [tilespmem:s7+$0x70]  }
0xa4: {  	v8 =	vld [tilespmem:s13+$0x0];
	[tilespmem:s7+$0x20] =	vst v5;
	v3 =	vadd.s32 $0x2800, v3  }
0xa5: {  	v9 =	vld [tilespmem:s13+$0x10];
	[tilespmem:s7+$0x30] =	vst v3;
	v2 =	vadd.s32 $0x2800, v2  }
.Ltmp3:
0xa6: {  	v5 =	vld [tilespmem:s13+$0x20];
	[tilespmem:s7+$0x40] =	vst v2;
	v2 =	vadd.s32 $0x2800, v4;
	(pc) =	sbr.rel @p0 .LBB2_8-.Ltmp3, $4  }
0xa7: {  	v3 =	vld [tilespmem:s13+$0x30];
	[tilespmem:s7+$0x50] =	vst v2;
	v4 =	vadd.s32 $0x2800, v6  }
0xa8: {  	v2 =	vld [tilespmem:s13+$0x40];
	[tilespmem:s7+$0x60] =	vst v4;
	v6 =	vadd.s32 $0x2800, v7  }
0xa9: {  	v7 =	vadd.s32 $0x2800, v8;
	v4 =	vld [tilespmem:s13+$0x50];
	[tilespmem:s7+$0x70] =	vst v6;
	s7 =	smov.u32 s13  }
0xaa: {  	s12 =	sadd.s32 $0x200, s12;
	[tilespmem:s7+$0x0] =	vst v7;
	v7 =	vadd.s32 $0x2800, v9;
	v6 =	vld [tilespmem:s7+$0x60]  }
0xab: {  	[tilespmem:s7+$0x10] =	vst v7;
	v5 =	vadd.s32 $0x2800, v5;
	v63 =	vld [tilespmem:s7+$0x70]  }
0xac: {  	[tilespmem:s7+$0x20] =	vst v5;
	v3 =	vadd.s32 $0x2800, v3  }
0xad: {  	[tilespmem:s7+$0x30] =	vst v3;
	v2 =	vadd.s32 $0x2800, v2  }
0xae: {  	[tilespmem:s7+$0x40] =	vst v2;
	v2 =	vadd.s32 $0x2800, v4  }
0xaf: {  	[tilespmem:s7+$0x50] =	vst v2;
	v2 =	vadd.s32 $0x2800, v6  }
0xb0: {  	[tilespmem:s7+$0x60] =	vst v2;
	v2 =	vadd.s32 $0x2800, v63  }
0xb1: {  	[tilespmem:s7+$0x70] =	vst v2;
	s7 =	simm.s32 $0x0  }
0xb2: {  	[tilespmem:s28], [sflag:$0x2] =	stream.indirect.gather [hbm4b:s4+s25], $0x40, s7, s25, $0xb8;
	[tilespmem:$0x15000] =	vst v63  }
0xb3: {  	_ = 	snop  }
0xb4: {  	[tilespmem:s26], [sflag:$0x1] =	stream.indirect.gather [hbm4b:s4+s25], $0x40, s25, s25, $0xb8;
	[tilespmem:$0x15000] =	vst v63  }
0xb5: {  	_ = 	snop  }
0xb6: {  	[tilespmem:s29], [sflag:$0x4] =	stream.linear.gather [spmem:s5], $0x2000, $0x38;
	[tilespmem:$0x15000] =	vst v63  }
0xb7: {  	_ =	swait.ge [sflag:s23], $0x2000  }
0xb8: {  	[sflag:s23] =	ssyncset.done $0x0  }
0xb9: {  	s12 =	rddreg [dreg:$0x5];
	[sflag:s23] =	ssyncadd.s32 $0xFFFFE000  }
0xba: {  	[hbm4b:s12+s7] =	stream.linear.scatter [tilespmem:s29], [sflag:$0x4], $0x2000, $0x38;
	[tilespmem:$0x15000] =	vst v63  }
0xbb: {  	_ =	swait.ge [sflag:s23], $0x2000  }
0xbc: {  	[sflag:s23] =	ssyncset.done $0x0  }
0xbd: {  	[sflag:s23] =	ssyncadd.s32 $0xFFFFE000  }
0xbe: {  	[tilespmem:s29], [sflag:$0x4] =	stream.linear.gather [spmem:s8], $0x2000, $0x38;
	[tilespmem:$0x15000] =	vst v63  }
0xbf: {  	_ =	swait.ge [sflag:s23], $0x2000  }
0xc0: {  	[sflag:s23] =	ssyncset.done $0x0  }
0xc1: {  	s13 =	rddreg [dreg:$0x6];
	[sflag:s23] =	ssyncadd.s32 $0xFFFFE000  }
0xc2: {  	[hbm4b:s13+s7] =	stream.linear.scatter [tilespmem:s29], [sflag:$0x4], $0x2000, $0x38;
	[tilespmem:$0x15000] =	vst v63  }
0xc3: {  	_ =	swait.ge [sflag:s23], $0x2000  }
0xc4: {  	[sflag:s23] =	ssyncset.done $0x0  }
0xc5: {  	[sflag:s23] =	ssyncadd.s32 $0xFFFFE000  }
0xc6: {  	[tilespmem:s29], [sflag:$0x4] =	stream.linear.gather [spmem:s9], $0x2000, $0x38;
	[tilespmem:$0x15000] =	vst v63  }
0xc7: {  	_ =	swait.ge [sflag:s23], $0x2000  }
0xc8: {  	[sflag:s23] =	ssyncset.done $0x0  }
0xc9: {  	[sflag:s23] =	ssyncadd.s32 $0xFFFFE000  }
0xca: {  	[hbm4b:s14+s7] =	stream.linear.scatter [tilespmem:s29], [sflag:$0x4], $0x2000, $0x38;
	[tilespmem:$0x15000] =	vst v63  }
0xcb: {  	_ =	swait.ge [sflag:s23], $0x2000  }
0xcc: {  	[sflag:s23] =	ssyncset.done $0x0  }
0xcd: {  	[sflag:s23] =	ssyncadd.s32 $0xFFFFE000  }
0xce: {  	[tilespmem:s29], [sflag:$0x4] =	stream.linear.gather [spmem:s10], $0x2000, $0x38;
	[tilespmem:$0x15000] =	vst v63  }
0xcf: {  	_ =	swait.ge [sflag:s23], $0x2000  }
0xd0: {  	[sflag:s23] =	ssyncset.done $0x0  }
0xd1: {  	[sflag:s23] =	ssyncadd.s32 $0xFFFFE000  }
0xd2: {  	[hbm4b:s15+s7] =	stream.linear.scatter [tilespmem:s29], [sflag:$0x4], $0x2000, $0x38;
	[tilespmem:$0x15000] =	vst v63  }
0xd3: {  	_ =	swait.ge [sflag:s23], $0x2000  }
0xd4: {  	[sflag:s23] =	ssyncset.done $0x0  }
0xd5: {  	[sflag:s23] =	ssyncadd.s32 $0xFFFFE000  }
0xd6: {  	[tilespmem:s29], [sflag:$0x4] =	stream.linear.gather [spmem:s11], $0x2000, $0x38;
	[tilespmem:$0x15000] =	vst v63  }
0xd7: {  	_ =	swait.ge [sflag:s23], $0x2000  }
0xd8: {  	[sflag:s23] =	ssyncset.done $0x0  }
0xd9: {  	[sflag:s23] =	ssyncadd.s32 $0xFFFFE000  }
0xda: {  	[hbm4b:s16+s7] =	stream.linear.scatter [tilespmem:s29], [sflag:$0x4], $0x2000, $0x38;
	[tilespmem:$0x15000] =	vst v63  }
0xdb: {  	_ =	swait.ge [sflag:s23], $0x2000  }
0xdc: {  	[sflag:s23] =	ssyncset.done $0x0  }
0xdd: {  	s12 =	simm.s32 $0x100;
	s7 =	simm.s32 $0x0;
	[sflag:s23] =	ssyncadd.s32 $0xFFFFE000  }
.LBB2_10:
0xde: {  	p0 =	sne.s32 s12, $0x7F00;
	[tilespmem:s7+$0x9030] =	vst v1;
	s13 =	smov.u32 s12;
	s12 =	sadd.s32 $0x100, s12  }
.Ltmp4:
0xdf: {  	[tilespmem:s7+$0x9020] =	vst v1;
	(pc) =	sbr.rel @p0 .LBB2_10-.Ltmp4, $3  }
0xe0: {  	[tilespmem:s7+$0x9000] =	vst v1  }
0xe1: {  	[tilespmem:s7+$0x9010] =	vst v1;
	_ =	sdelay $0x1  }
0xe2: {  	s7 =	sshra.s32 s13, $0x2  }
0xe3: {  	[tilespmem:s7+$0x9030] =	vst v1  }
0xe4: {  	[tilespmem:s7+$0x9020] =	vst v1  }
0xe5: {  	[tilespmem:s7+$0x9000] =	vst v1  }
0xe6: {  	[tilespmem:s7+$0x9010] =	vst v1  }
0xe7: {  	[spmem:s5] =	stream.linear.scatter [tilespmem:s29], [sflag:$0x4], $0x2000, $0x38;
	[tilespmem:$0x15000] =	vst v63  }
0xe8: {  	_ =	swait.ge [sflag:s23], $0x2000  }
0xe9: {  	[sflag:s23] =	ssyncset.done $0x0  }
0xea: {  	[sflag:s23] =	ssyncadd.s32 $0xFFFFE000  }
0xeb: {  	[spmem:s8] =	stream.linear.scatter [tilespmem:s29], [sflag:$0x4], $0x2000, $0x38;
	[tilespmem:$0x15000] =	vst v63  }
0xec: {  	_ =	swait.ge [sflag:s23], $0x2000  }
0xed: {  	[sflag:s23] =	ssyncset.done $0x0  }
0xee: {  	[sflag:s23] =	ssyncadd.s32 $0xFFFFE000  }
0xef: {  	[spmem:s9] =	stream.linear.scatter [tilespmem:s29], [sflag:$0x4], $0x2000, $0x38;
	[tilespmem:$0x15000] =	vst v63  }
0xf0: {  	_ =	swait.ge [sflag:s23], $0x2000  }
0xf1: {  	[sflag:s23] =	ssyncset.done $0x0  }
0xf2: {  	[sflag:s23] =	ssyncadd.s32 $0xFFFFE000  }
0xf3: {  	[spmem:s10] =	stream.linear.scatter [tilespmem:s29], [sflag:$0x4], $0x2000, $0x38;
	[tilespmem:$0x15000] =	vst v63  }
0xf4: {  	_ =	swait.ge [sflag:s23], $0x2000  }
0xf5: {  	[sflag:s23] =	ssyncset.done $0x0  }
0xf6: {  	[sflag:s23] =	ssyncadd.s32 $0xFFFFE000  }
0xf7: {  	[spmem:s11] =	stream.linear.scatter [tilespmem:s29], [sflag:$0x4], $0x2000, $0x38;
	[tilespmem:$0x15000] =	vst v63  }
0xf8: {  	_ =	swait.ge [sflag:s23], $0x2000  }
0xf9: {  	[sflag:s23] =	ssyncset.done $0x0  }
0xfa: {  	[sflag:s23] =	ssyncadd.s32 $0xFFFFE000  }
0xfb: {  	[bflag:$0x0] =	sbarrier.arrive $0xFFFF  }
0xfc: {  	_ =	swait.ge [sflag:s31], $0x2000  }
0xfd: {  	[sflag:s31] =	ssyncset.done $0x0  }
0xfe: {  	s12 =	simm.s32 $0x100;
	[sflag:s31] =	ssyncadd.s32 $0xFFFFE000  }
0xff: {  	[tilespmem:s29], [sflag:$0x3] =	stream.indirect.gather [hbm4b:s4+s25], $0x40, s12, s25, $0xb8;
	[tilespmem:$0x15000] =	vst v63  }
0x100: {  	s13 =	simm.s32 $0x2800  }
0x101: {  	[spmem:s2] =	stream.indirect.scatter.add.f32 [tilespmem:s28], [sflag:$0x4], $0x40, s13, s25, $0xb8;
	[tilespmem:$0x15000] =	vst v63  }
0x102: {  	_ =	swait.ge [sflag:s23], $0x2000  }
0x103: {  	[sflag:s23] =	ssyncset.done $0x0  }
0x104: {  	[sflag:s23] =	ssyncadd.s32 $0xFFFFE000  }
0x105: {  	_ =	swait.ge [sflag:s30], $0x2000  }
0x106: {  	[sflag:s30] =	ssyncset.done $0x0  }
0x107: {  	s12 =	simm.s32 $0x180;
	[sflag:s30] =	ssyncadd.s32 $0xFFFFE000  }
0x108: {  	[tilespmem:s28], [sflag:$0x2] =	stream.indirect.gather [hbm4b:s4+s25], $0x40, s12, s25, $0xb8;
	[tilespmem:$0x15000] =	vst v63  }
0x109: {  	s13 =	simm.s32 $0x2880  }
0x10a: {  	[spmem:s2] =	stream.indirect.scatter.add.f32 [tilespmem:s26], [sflag:$0x4], $0x40, s13, s25, $0xb8;
	[tilespmem:$0x15000] =	vst v63  }
0x10b: {  	_ =	swait.ge [sflag:s23], $0x2000  }
0x10c: {  	[sflag:s23] =	ssyncset.done $0x0  }
0x10d: {  	[sflag:s23] =	ssyncadd.s32 $0xFFFFE000  }
0x10e: {  	_ =	swait.ge [sflag:s1], $0x2000  }
0x10f: {  	[sflag:s1] =	ssyncset.done $0x0  }
0x110: {  	s12 =	simm.s32 $0x200;
	[sflag:s1] =	ssyncadd.s32 $0xFFFFE000  }
0x111: {  	[tilespmem:s26], [sflag:$0x1] =	stream.indirect.gather [hbm4b:s4+s25], $0x40, s12, s25, $0xb8;
	[tilespmem:$0x15000] =	vst v63  }
0x112: {  	s13 =	simm.s32 $0x2900  }
0x113: {  	[spmem:s2] =	stream.indirect.scatter.add.f32 [tilespmem:s29], [sflag:$0x4], $0x40, s13, s25, $0xb8;
	[tilespmem:$0x15000] =	vst v63  }
0x114: {  	_ =	swait.ge [sflag:s23], $0x2000  }
0x115: {  	s7 =	simm.s32 $0x600;
	[sflag:s23] =	ssyncset.done $0x0  }
.LBB2_12:
0x116: {  	p0 =	sne.s32 s7, $0x9600  }
0x117: {  	[sflag:s23] =	ssyncadd.s32 $0xFFFFE000;
	s12 =	smov.u32 s7;
	s7 =	sadd.s32 $0x600, s7  }
0x118: {  	_ = 	snop  }
0x119: {  	_ =	swait.ge [sflag:s31], $0x2000  }
0x11a: {  	s12 =	sshra.s32 s12, $0x2;
	[sflag:s31] =	ssyncset.done $0x0  }
0x11b: {  	s13 =	sadd.s32 $0x100, s12;
	[sflag:s31] =	ssyncadd.s32 $0xFFFFE000  }
0x11c: {  	[tilespmem:s29], [sflag:$0x3] =	stream.indirect.gather [hbm4b:s4+s25], $0x40, s13, s25, $0xb8;
	[tilespmem:$0x15000] =	vst v63  }
0x11d: {  	s13 =	sadd.s32 $0x2800, s12  }
0x11e: {  	[spmem:s2] =	stream.indirect.scatter.add.f32 [tilespmem:s28], [sflag:$0x4], $0x40, s13, s25, $0xb8;
	[tilespmem:$0x15000] =	vst v63  }
0x11f: {  	_ =	swait.ge [sflag:s23], $0x2000  }
0x120: {  	[sflag:s23] =	ssyncset.done $0x0  }
0x121: {  	[sflag:s23] =	ssyncadd.s32 $0xFFFFE000  }
0x122: {  	_ =	swait.ge [sflag:s30], $0x2000  }
0x123: {  	[sflag:s30] =	ssyncset.done $0x0  }
0x124: {  	s13 =	sadd.s32 $0x180, s12;
	[sflag:s30] =	ssyncadd.s32 $0xFFFFE000  }
0x125: {  	[tilespmem:s28], [sflag:$0x2] =	stream.indirect.gather [hbm4b:s4+s25], $0x40, s13, s25, $0xb8;
	[tilespmem:$0x15000] =	vst v63  }
0x126: {  	s13 =	sadd.s32 $0x2880, s12  }
0x127: {  	[spmem:s2] =	stream.indirect.scatter.add.f32 [tilespmem:s26], [sflag:$0x4], $0x40, s13, s25, $0xb8;
	[tilespmem:$0x15000] =	vst v63  }
0x128: {  	_ =	swait.ge [sflag:s23], $0x2000  }
0x129: {  	[sflag:s23] =	ssyncset.done $0x0  }
0x12a: {  	[sflag:s23] =	ssyncadd.s32 $0xFFFFE000  }
0x12b: {  	_ =	swait.ge [sflag:s1], $0x2000  }
0x12c: {  	[sflag:s1] =	ssyncset.done $0x0  }
0x12d: {  	s13 =	sadd.s32 $0x200, s12;
	[sflag:s1] =	ssyncadd.s32 $0xFFFFE000  }
0x12e: {  	[tilespmem:s26], [sflag:$0x1] =	stream.indirect.gather [hbm4b:s4+s25], $0x40, s13, s25, $0xb8;
	[tilespmem:$0x15000] =	vst v63  }
.Ltmp5:
0x12f: {  	_ = 	snop;
	(pc) =	sbr.rel @p0 .LBB2_12-.Ltmp5, $4  }
0x130: {  	s12 =	sadd.s32 $0x2900, s12  }
0x131: {  	[spmem:s2] =	stream.indirect.scatter.add.f32 [tilespmem:s29], [sflag:$0x4], $0x40, s12, s25, $0xb8;
	[tilespmem:$0x15000] =	vst v63  }
0x132: {  	_ =	swait.ge [sflag:s23], $0x2000  }
0x133: {  	[sflag:s23] =	ssyncset.done $0x0  }
0x134: {  	[sflag:s23] =	ssyncadd.s32 $0xFFFFE000  }
0x135: {  	_ =	swait.ge [sflag:s31], $0x2000  }
0x136: {  	[sflag:s31] =	ssyncset.done $0x0  }
0x137: {  	[sflag:s31] =	ssyncadd.s32 $0xFFFFE000  }
0x138: {  	[spmem:s2] =	stream.indirect.scatter.add.f32 [tilespmem:s28], [sflag:$0x4], $0x40, s0, s25, $0xb8;
	[tilespmem:$0x15000] =	vst v63  }
0x139: {  	_ =	swait.ge [sflag:s23], $0x2000  }
0x13a: {  	[sflag:s23] =	ssyncset.done $0x0  }
0x13b: {  	[sflag:s23] =	ssyncadd.s32 $0xFFFFE000  }
0x13c: {  	_ =	swait.ge [sflag:s30], $0x2000  }
0x13d: {  	[sflag:s30] =	ssyncset.done $0x0  }
0x13e: {  	[sflag:s30] =	ssyncadd.s32 $0xFFFFE000  }
0x13f: {  	[spmem:s2] =	stream.indirect.scatter.add.f32 [tilespmem:s26], [sflag:$0x4], $0x40, s24, s25, $0xb8;
	[tilespmem:$0x15000] =	vst v63  }
0x140: {  	_ =	swait.ge [sflag:s23], $0x2000  }
0x141: {  	[sflag:s23] =	ssyncset.done $0x0  }
0x142: {  	[sflag:s23] =	ssyncadd.s32 $0xFFFFE000  }
0x143: {  	[bflag:$0x0] =	sbarrier.arrive $0xFFFF  }
0x144: {  	[tilespmem:s29], [sflag:$0x4] =	stream.linear.gather [spmem:s5], $0x2000, $0x38;
	[tilespmem:$0x15000] =	vst v63  }
0x145: {  	_ =	swait.ge [sflag:s23], $0x2000  }
0x146: {  	[sflag:s23] =	ssyncset.done $0x0  }
0x147: {  	[sflag:s23] =	ssyncadd.s32 $0xFFFFE000  }
0x148: {  	[hbm4b:s17+s3] =	stream.linear.scatter [tilespmem:s29], [sflag:$0x4], $0x2000, $0x38;
	[tilespmem:$0x15000] =	vst v63  }
0x149: {  	_ =	swait.ge [sflag:s23], $0x2000  }
0x14a: {  	[sflag:s23] =	ssyncset.done $0x0  }
0x14b: {  	[sflag:s23] =	ssyncadd.s32 $0xFFFFE000  }
0x14c: {  	[tilespmem:s29], [sflag:$0x4] =	stream.linear.gather [spmem:s8], $0x2000, $0x38;
	[tilespmem:$0x15000] =	vst v63  }
0x14d: {  	_ =	swait.ge [sflag:s23], $0x2000  }
0x14e: {  	[sflag:s23] =	ssyncset.done $0x0  }
0x14f: {  	[sflag:s23] =	ssyncadd.s32 $0xFFFFE000  }
0x150: {  	[hbm4b:s18+s3] =	stream.linear.scatter [tilespmem:s29], [sflag:$0x4], $0x2000, $0x38;
	[tilespmem:$0x15000] =	vst v63  }
0x151: {  	_ =	swait.ge [sflag:s23], $0x2000  }
0x152: {  	[sflag:s23] =	ssyncset.done $0x0  }
0x153: {  	[sflag:s23] =	ssyncadd.s32 $0xFFFFE000  }
0x154: {  	[tilespmem:s29], [sflag:$0x4] =	stream.linear.gather [spmem:s9], $0x2000, $0x38;
	[tilespmem:$0x15000] =	vst v63  }
0x155: {  	_ =	swait.ge [sflag:s23], $0x2000  }
0x156: {  	[sflag:s23] =	ssyncset.done $0x0  }
0x157: {  	[sflag:s23] =	ssyncadd.s32 $0xFFFFE000  }
0x158: {  	[hbm4b:s19+s3] =	stream.linear.scatter [tilespmem:s29], [sflag:$0x4], $0x2000, $0x38;
	[tilespmem:$0x15000] =	vst v63  }
0x159: {  	_ =	swait.ge [sflag:s23], $0x2000  }
0x15a: {  	[sflag:s23] =	ssyncset.done $0x0  }
0x15b: {  	[sflag:s23] =	ssyncadd.s32 $0xFFFFE000  }
0x15c: {  	[tilespmem:s29], [sflag:$0x4] =	stream.linear.gather [spmem:s10], $0x2000, $0x38;
	[tilespmem:$0x15000] =	vst v63  }
0x15d: {  	_ =	swait.ge [sflag:s23], $0x2000  }
0x15e: {  	[sflag:s23] =	ssyncset.done $0x0  }
0x15f: {  	[sflag:s23] =	ssyncadd.s32 $0xFFFFE000  }
0x160: {  	[hbm4b:s21+s3] =	stream.linear.scatter [tilespmem:s29], [sflag:$0x4], $0x2000, $0x38;
	[tilespmem:$0x15000] =	vst v63  }
0x161: {  	_ =	swait.ge [sflag:s23], $0x2000  }
0x162: {  	[sflag:s23] =	ssyncset.done $0x0  }
0x163: {  	[sflag:s23] =	ssyncadd.s32 $0xFFFFE000  }
0x164: {  	[tilespmem:s29], [sflag:$0x4] =	stream.linear.gather [spmem:s11], $0x2000, $0x38;
	[tilespmem:$0x15000] =	vst v63  }
0x165: {  	s6 =	sadd.s32 $0x1, s6;
	_ =	swait.ge [sflag:s23], $0x2000  }
0x166: {  	p0 =	sne.s32 s6, s20;
	[sflag:s23] =	ssyncset.done $0x0  }
.Ltmp6:
0x167: {  	[sflag:s23] =	ssyncadd.s32 $0xFFFFE000;
	(pc) =	sbr.rel @p0 .LBB2_1-.Ltmp6, $4  }
0x168: {  	[hbm4b:s22+s3] =	stream.linear.scatter [tilespmem:s29], [sflag:$0x4], $0x2000, $0x38;
	[tilespmem:$0x15000] =	vst v63  }
0x169: {  	_ =	swait.ge [sflag:s23], $0x2000  }
0x16a: {  	[sflag:s23] =	ssyncset.done $0x0  }
0x16b: {  	[sflag:s23] =	ssyncadd.s32 $0xFFFFE000  }
0x16c: {  	_ =	sfence.sel $0x180000  }
0x16d: {  	[bflag:$0x0] =	sbarrier.arrive $0xFFFF  }
0x16e: {  	_ =	strace $0x9000004A  }
0x16f: {  	s0 =	stileid.u32;
	[bflag:$0x2] =	sbarrier.arrive $0xFFFF  }
0x170: {  	p0 =	sne.s32 s0, $0x0;
	s0 =	rddreg [dreg:$0x2]  }
0x171: {  	s0 =	sadd.s32 @!p0 $0x100000, s0  }
0x172: {  	[sflag:s0] =	ssyncadd.tile.s32 @!p0 $0x1;
	_ =	shalt  }
.Lfunc_end2:
_tile_overlayer_lowered:
.L_overlay_start_2:
0x173: {  	(tag) =	ssettag $0x2  }
0x174: {  	s0 =	rddreg [dreg:$0x0];
	s2 =	stileid.u32  }
0x175: {  	s1 =	rddreg [dreg:$0x1];
	p0 =	sne.s32 s2, $0x0  }
0x176: {  	s3 =	rddreg [dreg:$0x2];
	[bflag:$0x3] =	sbarrier.arrive $0xFFFF;
	s2 =	simm.s32 @!p0 $0x1C04  }
0x177: {  	[timem:s3], [sflag:s2] =	dma.local @!p0 [hbm:s0], s1  }
0x178: {  	s0 =	simm.s32 @!p0 $0x4  }
0x179: {  	_ =	swait.ge @!p0 [sflag:s0], s1  }
0x17a: {  	s1 =	ssub.s32 @!p0 $0x0, s1;
	[sflag:s0] =	ssyncset.done @!p0 $0x0  }
0x17b: {  	[sflag:s0] =	ssyncadd.s32 @!p0 s1  }
0x17c: {  	[bflag:$0x3] =	sbarrier.arrive $0xFFFF  }
0x17d: {  	_ =	shalt  }

// kernel: kernel.14.cloned.1.call-start
scs
__scs_entry_jumppad:
0x0: {  	(pc) =	sbr.rel $0x88, $3  }
0x1: {  	(tag) =	ssettag $0x0;
	lr =	simm.s32 $0x1  }
0x2: {  	[smem:$0x3F9B] =	sst lr;
	_ =	strace $0xD0000000  }
0x3: {  	_ = 	snop  }
0x4: {  	_ = 	snop  }
0x5: {  	_ = 	snop  }
0x6: {  	_ = 	snop  }
0x7: {  	_ = 	snop  }
__scs_overlays_trampoline_lowered:
0x8: {  	[smem:$0x3FAA] =	sst s0  }
0x9: {  	[smem:$0x3FAB] =	sst s1  }
0xa: {  	[smem:$0x3FAC] =	sst s2  }
0xb: {  	[smem:$0x3FAD] =	sst s3  }
0xc: {  	[smem:$0x3FAE] =	sst s4  }
0xd: {  	[smem:$0x3FAF] =	sst s5  }
0xe: {  	[smem:$0x3FB0] =	sst s6  }
0xf: {  	[smem:$0x3FB1] =	sst s7  }
0x10: {  	[smem:$0x3FB2] =	sst s8  }
0x11: {  	[smem:$0x3FB3] =	sst s9;
	s0 =	simm.s32 @!p0 $0x0  }
0x12: {  	s1 =	sld [smem:$0x3F99];
	s0 =	simm.s32 @p0 $0x1  }
0x13: {  	[smem:$0x3FB4] =	sst s0;
	s0 =	simm.s32 @!p1 $0x0  }
0x14: {  	s2 =	sld [smem:$0x3F98];
	s0 =	simm.s32 @p1 $0x1  }
0x15: {  	[smem:$0x3FB5] =	sst s0;
	s0 =	simm.s32 @!p2 $0x0  }
0x16: {  	s3 =	sld [smem:$0x3FDB];
	s0 =	simm.s32 @p2 $0x1  }
0x17: {  	s4 =	simm.s32 $0x1BF5;
	[smem:$0x3FB7] =	sst s0  }
0x18: {  	s0 =	sld [smem:$0x3F9A];
	_ =	swait.ge [sflag:s4], $0x0  }
0x19: {  	s7 =	sld [smem:$0x3F9B]  }
0x1a: {  	s8 =	sadd.s32 $0xFFFFE003, lr  }
0x1b: {  	s9 =	sadd.s32 $0xFFFFFEF7, lr;
	s5 =	simm.s32 $0xFFFFFFFF;
	p2 =	slt.u32 s8, $0xFFFFF086  }
0x1c: {  	p1 =	slt.u32 s9, $0xF7A;
	s5 =	simm.s32 @!p2 $0x0  }
0x1d: {  	s5 =	simm.s32 @p1 $0x1;
	p0 =	seq.s32 s7, s2  }
0x1e: {  	s7 =	smul.u32 @!p0 $0xF7A, s2;
	p2 =	seq.s32 @!p0 s5, $0x0  }
0x1f: {  	s9 =	smul.u32 $0xF7A, s1;
	s8 =	simm.s32 @!p0 $0x1BF5;
	p2 =	por !p2, p0  }
0x20: {  	[sflag:s8] =	ssyncset.s32 @!p0 $0xFFFFF086;
	s6 =	sadd.s32 @!p0 s3, s7;
	s7 =	simm.s32 @!p0 $0x108  }
0x21: {  	s3 =	sadd.s32 s3, s9;
	s6 =	sadd.s32 @!p0 $0x88, s6;
	s7 =	simm.s32 @p2 $0x1082  }
0x22: {  	[simem:s7], [sflag:s8] =	dma.local @!p0 [hbm:s6], $0xF7A  }
0x23: {  	s9 =	sor.u32 $0xD0000000, s2;
	s6 =	simm.s32 $0x108;
	_ =	swait.ge @!p0 [sflag:s8], $0x0  }
0x24: {  	s3 =	sadd.s32 $0x88, s3;
	s6 =	simm.s32 @!p1 $0x1082;
	[sflag:s4] =	ssyncset.s32 $0xFFFFF086  }
0x25: {  	[simem:s6], [sflag:s4] =	dma.local [hbm:s3], $0xF7A  }
0x26: {  	[smem:$0x3F9B] =	sst s1;
	(tag) =	ssettag s2;
	_ =	strace s9  }
0x27: {  	s1 =	sld [smem:$0x3FAB]  }
0x28: {  	s2 =	sld [smem:$0x3FAC]  }
0x29: {  	s4 =	sld [smem:$0x3FAE]  }
0x2a: {  	p0 =	seq.s32 s5, $0x0;
	s5 =	sld [smem:$0x3FAF]  }
0x2b: {  	s6 =	sld [smem:$0x3FB0]  }
0x2c: {  	s7 =	sld [smem:$0x3FB1]  }
0x2d: {  	s3 =	simm.s32 $0x108;
	s8 =	sld [smem:$0x3FB2]  }
0x2e: {  	s3 =	simm.s32 @!p0 $0x1082;
	s9 =	sld [smem:$0x3FB3]  }
0x2f: {  	lr =	sadd.s32 s0, s3;
	s0 =	sld [smem:$0x3FAA]  }
0x30: {  	s3 =	sld [smem:$0x3FAD]  }
0x31: {  	[smem:$0x3FB6] =	sst s10  }
0x32: {  	s10 =	sld [smem:$0x3FB4];
	_ =	sdelay $0x3  }
0x33: {  	p0 =	seq.s32 s10, $0x1;
	s10 =	sld [smem:$0x3FB6];
	_ =	sdelay $0x3  }
0x34: {  	[smem:$0x3FB6] =	sst s10  }
0x35: {  	s10 =	sld [smem:$0x3FB5];
	_ =	sdelay $0x3  }
0x36: {  	p1 =	seq.s32 s10, $0x1;
	s10 =	sld [smem:$0x3FB6];
	_ =	sdelay $0x3  }
0x37: {  	[smem:$0x3FB6] =	sst s10  }
0x38: {  	s10 =	sld [smem:$0x3FB7]  }
0x39: {  	_ = 	snop;
	(pc) =	sbr.ind lr, $3  }
0x3a: {  	_ = 	snop  }
0x3b: {  	_ = 	snop  }
0x3c: {  	p2 =	seq.s32 s10, $0x1;
	s10 =	sld [smem:$0x3FB6]  }
0x3d: {  	_ =	shalt  }
0x3e: {  	_ =	shalt  }
0x3f: {  	_ =	shalt  }
0x40: {  	_ =	shalt  }
0x41: {  	_ =	shalt  }
0x42: {  	_ =	shalt  }
0x43: {  	_ =	shalt  }
0x44: {  	_ =	shalt  }
0x45: {  	_ =	shalt  }
0x46: {  	_ =	shalt  }
0x47: {  	_ =	shalt  }
0x48: {  	_ =	shalt  }
0x49: {  	_ =	shalt  }
0x4a: {  	_ =	shalt  }
0x4b: {  	_ =	shalt  }
0x4c: {  	_ =	shalt  }
0x4d: {  	_ =	shalt  }
0x4e: {  	_ =	shalt  }
0x4f: {  	_ =	shalt  }
0x50: {  	_ =	shalt  }
0x51: {  	_ =	shalt  }
0x52: {  	_ =	shalt  }
0x53: {  	_ =	shalt  }
0x54: {  	_ =	shalt  }
0x55: {  	_ =	shalt  }
0x56: {  	_ =	shalt  }
0x57: {  	_ =	shalt  }
0x58: {  	_ =	shalt  }
0x59: {  	_ =	shalt  }
0x5a: {  	_ =	shalt  }
0x5b: {  	_ =	shalt  }
0x5c: {  	_ =	shalt  }
0x5d: {  	_ =	shalt  }
0x5e: {  	_ =	shalt  }
0x5f: {  	_ =	shalt  }
0x60: {  	_ =	shalt  }
0x61: {  	_ =	shalt  }
0x62: {  	_ =	shalt  }
0x63: {  	_ =	shalt  }
0x64: {  	_ =	shalt  }
0x65: {  	_ =	shalt  }
0x66: {  	_ =	shalt  }
0x67: {  	_ =	shalt  }
0x68: {  	_ =	shalt  }
0x69: {  	_ =	shalt  }
0x6a: {  	_ =	shalt  }
0x6b: {  	_ =	shalt  }
0x6c: {  	_ =	shalt  }
0x6d: {  	_ =	shalt  }
0x6e: {  	_ =	shalt  }
0x6f: {  	_ =	shalt  }
0x70: {  	_ =	shalt  }
0x71: {  	_ =	shalt  }
0x72: {  	_ =	shalt  }
0x73: {  	_ =	shalt  }
0x74: {  	_ =	shalt  }
0x75: {  	_ =	shalt  }
0x76: {  	_ =	shalt  }
0x77: {  	_ =	shalt  }
0x78: {  	_ =	shalt  }
0x79: {  	_ =	shalt  }
0x7a: {  	_ =	shalt  }
0x7b: {  	_ =	shalt  }
0x7c: {  	_ =	shalt  }
0x7d: {  	_ =	shalt  }
0x7e: {  	_ =	shalt  }
0x7f: {  	_ =	shalt  }
0x80: {  	_ =	shalt  }
0x81: {  	_ =	shalt  }
0x82: {  	_ =	shalt  }
0x83: {  	_ =	shalt  }
0x84: {  	_ =	shalt  }
0x85: {  	_ =	shalt  }
0x86: {  	_ =	shalt  }
0x87: {  	_ =	shalt  }
.Lfunc_end0:
.L_simem_size_0:
called_computation.2_lowered:
.L_overlay_start_0:
0x88: {  	s2 =	sld [smem:$0x3FD9]  }
0x89: {  	s3 =	sld [smem:$0x3FFE];
	_ =	sdelay $0x1  }
0x8a: {  	s1 =	srdreg.scid  }
0x8b: {  	s0 =	sand.u32 $0x1, s1  }
0x8c: {  	s16 =	sshll.u32 s0, $0xA;
	s2 =	sadd.s32 s3, s2  }
0x8d: {  	s2 =	sadd.s32 s2, s16  }
0x8e: {  	[smem:$0x3FC2] =	sst s2  }
0x8f: {  	_ = 	snop  }
0x90: {  	(tm) =	ssettm $0x1  }
0x91: {  	s17 =	sld [smem:$0x3FFB];
	_ =	sdelay $0x3  }
0x92: {  	_ =	strace s17  }
0x93: {  	s2 =	sld [smem:$0x3FFC];
	_ =	sdelay $0x3  }
0x94: {  	_ =	strace s2  }
0x95: {  	s2 =	sld [smem:$0x3FFD];
	_ =	sdelay $0x3  }
0x96: {  	_ =	strace s2  }
0x97: {  	_ =	strace $0x8FFFFFFF  }
0x98: {  	s18 =	sld [smem:$0x3FDB];
	_ =	sdelay $0x1  }
0x99: {  	s19 =	simm.s32 $_scs_section_size  }
0x9a: {  	s4 =	simm.s32 $_size__tile_overlayer_lowered;
	s5 =	simm.s32 $_tile_overlayer_lowered  }
0x9b: {  	s22 =	simm.s32 $0x1BFF;
	s21 =	sshll.u32 s5, $0x1;
	s2 =	sadd.s32 s19, s18  }
0x9c: {  	s6 =	simm.s32 $0x0;
	s20 =	sshll.u32 s4, $0x1;
	s4 =	sadd.s32 s21, s2  }
0x9d: {  	[timem:s6], [sflag:s22] =	dma.local [hbm:s4], s20  }
0x9e: {  	_ =	swait.ge [sflag:s22], s20  }
0x9f: {  	s3 =	ssub.s32 $0x0, s20;
	[sflag:s22] =	ssyncset.done $0x0  }
0xa0: {  	[sflag:s22] =	ssyncadd.s32 s3;
	_ =	sdelay $0x1  }
0xa1: {  	s23 =	simm.s32 $0x1B8B  }
0xa2: {  	_ =	swait.ge [sflag:s23], $0x1  }
0xa3: {  	[sflag:s23] =	ssyncset.done $0x0  }
0xa4: {  	s25 =	simm.s32 $0x1B8E;
	s24 =	sld [smem:$0x3FFE];
	[sflag:s23] =	ssyncadd.s32 $0xFFFFFFFF  }
0xa5: {  	s26 =	simm.s32 $execute0_lowered;
	[smem:$0x3FD2] =	sst s25  }
0xa6: {  	s4 =	sshll.u32 s26, $0x1;
	_ =	strace $0x8000004C;
	[dreg:$0x1] =	wrdreg $0xFFFFFFFF  }
0xa7: {  	s28 =	simm.s32 $_size_execute0_lowered;
	s2 =	sadd.s32 s2, s4;
	[dreg:$0x0] =	wrdreg $0x0  }
0xa8: {  	s4 =	sshll.u32 s28, $0x1;
	[dreg:$0x2] =	wrdreg s2  }
0xa9: {  	[dreg:$0x3] =	wrdreg s4  }
0xaa: {  	[dreg:$0x4] =	wrdreg $0xC0  }
0xab: {  	_ =	task [dreg:s6], $0x5FFFF  }
0xac: {  	[dreg:$0x1] =	wrdreg $0xFFFFFFFF  }
0xad: {  	[dreg:$0x0] =	wrdreg $0x60  }
0xae: {  	[dreg:$0x2] =	wrdreg s24  }
0xaf: {  	[dreg:$0x3] =	wrdreg $0x3E800  }
0xb0: {  	[dreg:$0x4] =	wrdreg $0x9  }
0xb1: {  	_ =	task.clear_ibuf [dreg:s6], $0x5FFFF;
	_ =	strace $0x9000004C  }
0xb2: {  	s29 =	simm.s32 $0x9;
	_ =	strace $0x8000004E  }
0xb3: {  	_ =	swait.ge [sflag:s29], $0x1  }
0xb4: {  	[sflag:s29] =	ssyncadd.s32 $0xFFFFFFFF  }
0xb5: {  	_ =	strace $0x9000004E  }
0xb6: {  	_ =	sfence  }
0xb7: {  	s30 =	sld [smem:$0x0];
	_ =	sdelay $0x2  }
0xb8: {  	s31 =	sshll.u32 s1, $0xD;
	s1 =	sshrl.u32 s1, $0x2  }
0xb9: {  	s3 =	sand.u32 $0x4000, s31;
	s1 =	sadd.s32 s1, s30  }
0xba: {  	s0 =	sor.u32 s3, s0;
	s1 =	sshll.u32 s1, $0x11  }
0xbb: {  	s0 =	sor.u32 s1, s0  }
0xbc: {  	s0 =	sadd.s32 $0x8F2B, s0  }
0xbd: {  	[sflag:s0] =	ssyncadd.remote.s32 $0x1  }
0xbe: {  	_ =	sfence.sel $0xFFFF  }
0xbf: {  	[dreg:$0x0] =	wrdreg $0xFFFFFFFF;
	(pc) =	sbr.abs _section_cstart, $3  }
0xc0: {  	[dreg:$0x1] =	wrdreg $0xFFFFFFFF  }
0xc1: {  	_ =	task.clear_ibuf [dreg:s6], $0x2FFFF;
	_ =	strace $0x9FFFFFFF  }
0xc2: {  	(tm) =	ssettm $0x7FFFFFFF  }
0xc3: {  	_ =	shalt  }
tec
execute0_lowered:
.L_overlay_start_1:
0x0: {  	(tag) =	ssettag $0x1  }
0x1: {  	s5 =	rddreg [dreg:$0x0]  }
0x2: {  	s0 =	srdreg.scid;
	s2 =	rddreg [dreg:$0x1]  }
0x3: {  	s1 =	stileid.u32;
	s3 =	simm.s32 $0x0;
	s12 =	simm.s32 $0x1400  }
0x4: {  	s13 =	simm.s32 $0x80;
	s14 =	simm.s32 $0x1;
	s15 =	simm.s32 $0x0  }
0x5: {  	s4 =	sand.u32 $0x1, s0;
	s0 =	rddreg [dreg:$0x2];
	s7 =	smul.u32 $0x280, s1  }
0x6: {  	[smem:$0x7FF] =	sst s3;
	s6 =	sshll.u32 s4, $0x4;
	s8 =	smul.u32 $0x2800, s4  }
0x7: {  	_ =	strace $0x8000004D;
	s30 =	ssub.s32 $0x2, s4;
	s6 =	sor.u32 s1, s6  }
0x8: {  	s31 =	sshrl.u32 s30, $0x1;
	s6 =	smul.u32 $0x280, s6;
	s8 =	sadd.s32 s7, s8  }
0x9: {  	s4 =	sadd.s32 $0x800, s5;
	s11 =	ssub.s32 s30, s31;
	s29 =	sshrl.u32 s8, $0x3  }
0xa: {  	s9 =	sadd.s32 s6, s5;
	s10 =	sadd.s32 s29, s5;
	s5 =	sadd.s32 s7, s2  }
0xb: {  	s6 =	sadd.s32 $0xF800, s9;
	s7 =	sadd.s32 $0xA800, s9;
	s8 =	sadd.s32 $0xE00, s10  }
0xc: {  	v0 =	vimm.f32 $0.0e+00;
	s9 =	smax.u32 s11, $0x1;
	s10 =	simm.s32 $0x3C00;
	s11 =	simm.s32 $0x2  }
.LBB2_1:
0xd: {  	[tilespmem:$0x3C00] =	vst v0  }
0xe: {  	[tilespmem:$0x3C10] =	vst v0  }
0xf: {  	[tilespmem:$0x3C20] =	vst v0  }
0x10: {  	[tilespmem:$0x3C30] =	vst v0  }
0x11: {  	[tilespmem:$0x3C40] =	vst v0  }
0x12: {  	[tilespmem:$0x3C50] =	vst v0  }
0x13: {  	[tilespmem:$0x3C60] =	vst v0  }
0x14: {  	[tilespmem:$0x3C70] =	vst v0  }
0x15: {  	[tilespmem:$0x3C80] =	vst v0  }
0x16: {  	[tilespmem:$0x3C90] =	vst v0  }
0x17: {  	[tilespmem:$0x3CA0] =	vst v0  }
0x18: {  	[tilespmem:$0x3CB0] =	vst v0  }
0x19: {  	[tilespmem:$0x3CC0] =	vst v0  }
0x1a: {  	[tilespmem:$0x3CD0] =	vst v0  }
0x1b: {  	[tilespmem:$0x3CE0] =	vst v0  }
0x1c: {  	[tilespmem:$0x3CF0] =	vst v0  }
0x1d: {  	[tilespmem:$0x3D00] =	vst v0  }
0x1e: {  	[tilespmem:$0x3D10] =	vst v0  }
0x1f: {  	[tilespmem:$0x3D20] =	vst v0  }
0x20: {  	[tilespmem:$0x3D30] =	vst v0  }
0x21: {  	[tilespmem:$0x3D40] =	vst v0  }
0x22: {  	[tilespmem:$0x3D50] =	vst v0  }
0x23: {  	[tilespmem:$0x3D60] =	vst v0  }
0x24: {  	[tilespmem:$0x3D70] =	vst v0  }
0x25: {  	[tilespmem:$0x3D80] =	vst v0  }
0x26: {  	[tilespmem:$0x3D90] =	vst v0  }
0x27: {  	[tilespmem:$0x3DA0] =	vst v0  }
0x28: {  	[tilespmem:$0x3DB0] =	vst v0  }
0x29: {  	[tilespmem:$0x3DC0] =	vst v0  }
0x2a: {  	[tilespmem:$0x3DD0] =	vst v0  }
0x2b: {  	[tilespmem:$0x3DE0] =	vst v0  }
0x2c: {  	[tilespmem:$0x3DF0] =	vst v0  }
0x2d: {  	[tilespmem:$0x3E00] =	vst v0  }
0x2e: {  	[tilespmem:$0x3E10] =	vst v0  }
0x2f: {  	[tilespmem:$0x3E20] =	vst v0  }
0x30: {  	[tilespmem:$0x3E30] =	vst v0  }
0x31: {  	[tilespmem:$0x3E40] =	vst v0  }
0x32: {  	[tilespmem:$0x3E50] =	vst v0  }
0x33: {  	[tilespmem:$0x3E60] =	vst v0  }
0x34: {  	[tilespmem:$0x3E70] =	vst v0  }
0x35: {  	[spmem:s5] =	stream.linear.scatter [tilespmem:s10], [sflag:$0x2], $0x280, $0x38;
	[tilespmem:$0x4100] =	vst v63  }
0x36: {  	_ =	swait.ge [sflag:s11], $0x280  }
0x37: {  	[sflag:s11] =	ssyncset.done $0x0  }
0x38: {  	[sflag:s11] =	ssyncadd.s32 $0xFFFFFD80  }
0x39: {  	[tilespmem:s3], [sflag:$0x2] =	stream.linear.gather [hbm4b:s6+s3], $0x1400, $0x38;
	[tilespmem:$0x4100] =	vst v63  }
0x3a: {  	_ =	swait.ge [sflag:s11], $0x1400  }
0x3b: {  	[sflag:s11] =	ssyncset.done $0x0  }
0x3c: {  	[sflag:s11] =	ssyncadd.s32 $0xFFFFEC00  }
0x3d: {  	[tilespmem:s12], [sflag:$0x2] =	stream.linear.gather [hbm4b:s7+s3], $0x1400, $0x38;
	[tilespmem:$0x4100] =	vst v63  }
0x3e: {  	_ =	swait.ge [sflag:s11], $0x1400  }
0x3f: {  	[sflag:s11] =	ssyncset.done $0x0  }
0x40: {  	s16 =	simm.s32 $0x0;
	[sflag:s11] =	ssyncadd.s32 $0xFFFFEC00  }
.LBB2_2:
0x41: {  	p0 =	sne.s32 s16, $0x4E00  }
.Ltmp0:
0x42: {  	_ = 	snop;
	(pc) =	sbr.rel @p0 .LBB2_2-.Ltmp0, $4  }
0x43: {  	_ = 	snop  }
0x44: {  	s17 =	sshra.s32 s16, $0x2  }
0x45: {  	s16 =	sadd.s32 $0x200, s16;
	s18 =	sadd.s32 $0x2800, s17  }
0x46: {  	[tilespmem:s18], [sflag:$0x1] =	stream.indirect.gather [hbm4b:s4+s13], $0x1, s17, s13, $0xb8;
	[tilespmem:$0x4100] =	vst v63  }
0x47: {  	_ =	swait.ge [sflag:s14], $0x80  }
0x48: {  	s16 =	simm.s32 $0x27;
	[sflag:s14] =	ssyncset.done $0x0  }
.LBB2_4:
0x49: {  	p0 =	sne.s32 s16, $0x1;
	s16 =	sadd.s32 $0xFFFFFFFF, s16;
	[sflag:s14] =	ssyncadd.s32 $0xFFFFFF80  }
.Ltmp1:
0x4a: {  	(pc) =	sbr.rel @p0 .LBB2_4-.Ltmp1, $3  }
0x4b: {  	_ =	sdelay $0x1  }
0x4c: {  	_ =	swait.ge [sflag:s14], $0x80  }
0x4d: {  	[sflag:s14] =	ssyncset.done $0x0  }
0x4e: {  	[sflag:s14] =	ssyncadd.s32 $0xFFFFFF80  }
0x4f: {  	s16 =	simm.s32 $0x0;
	[bflag:$0x0] =	sbarrier.arrive $0xFFFF  }
.LBB2_6:
0x50: {  	p0 =	sne.s32 s16, $0x4E00  }
.Ltmp2:
0x51: {  	_ = 	snop;
	(pc) =	sbr.rel @p0 .LBB2_6-.Ltmp2, $4  }
0x52: {  	_ = 	snop  }
0x53: {  	s17 =	sshra.s32 s16, $0x2  }
0x54: {  	s16 =	sadd.s32 $0x200, s16;
	s18 =	sadd.s32 $0x2800, s17;
	s17 =	sadd.s32 $0x1400, s17  }
0x55: {  	[spmem:s2] =	stream.indirect.scatter.add.f32 [tilespmem:s18], [sflag:$0x1], $0x1, s17, s13, $0xb8;
	[tilespmem:$0x4100] =	vst v63  }
0x56: {  	_ =	swait.ge [sflag:s14], $0x80  }
0x57: {  	s16 =	simm.s32 $0x27;
	[sflag:s14] =	ssyncset.done $0x0  }
.LBB2_8:
0x58: {  	p0 =	sne.s32 s16, $0x1;
	s16 =	sadd.s32 $0xFFFFFFFF, s16;
	[sflag:s14] =	ssyncadd.s32 $0xFFFFFF80  }
.Ltmp3:
0x59: {  	(pc) =	sbr.rel @p0 .LBB2_8-.Ltmp3, $3  }
0x5a: {  	_ =	sdelay $0x1  }
0x5b: {  	_ =	swait.ge [sflag:s14], $0x80  }
0x5c: {  	[sflag:s14] =	ssyncset.done $0x0  }
0x5d: {  	[sflag:s14] =	ssyncadd.s32 $0xFFFFFF80  }
0x5e: {  	[bflag:$0x0] =	sbarrier.arrive $0xFFFF  }
0x5f: {  	[tilespmem:s10], [sflag:$0x2] =	stream.linear.gather [spmem:s5], $0x280, $0x38;
	[tilespmem:$0x4100] =	vst v63  }
0x60: {  	s15 =	sadd.s32 $0x1, s15;
	_ =	swait.ge [sflag:s11], $0x280  }
0x61: {  	p0 =	sne.s32 s15, s9;
	[sflag:s11] =	ssyncset.done $0x0  }
.Ltmp4:
0x62: {  	[sflag:s11] =	ssyncadd.s32 $0xFFFFFD80;
	(pc) =	sbr.rel @p0 .LBB2_1-.Ltmp4, $4  }
0x63: {  	[hbm4b:s8+s3] =	stream.linear.scatter [tilespmem:s10], [sflag:$0x2], $0x280, $0x38;
	[tilespmem:$0x4100] =	vst v63  }
0x64: {  	_ =	swait.ge [sflag:s11], $0x280  }
0x65: {  	[sflag:s11] =	ssyncset.done $0x0  }
0x66: {  	[sflag:s11] =	ssyncadd.s32 $0xFFFFFD80  }
0x67: {  	_ =	sfence.sel $0x180000  }
0x68: {  	[bflag:$0x0] =	sbarrier.arrive $0xFFFF  }
0x69: {  	p0 =	sne.s32 s1, $0x0;
	_ =	strace $0x9000004D  }
0x6a: {  	s0 =	sadd.s32 @!p0 $0x100000, s0;
	[bflag:$0x2] =	sbarrier.arrive $0xFFFF  }
0x6b: {  	[sflag:s0] =	ssyncadd.tile.s32 @!p0 $0x1;
	_ =	shalt  }
.Lfunc_end2:
_tile_overlayer_lowered:
.L_overlay_start_2:
0x6c: {  	(tag) =	ssettag $0x2  }
0x6d: {  	s0 =	rddreg [dreg:$0x0];
	s2 =	stileid.u32  }
0x6e: {  	s1 =	rddreg [dreg:$0x1];
	p0 =	sne.s32 s2, $0x0  }
0x6f: {  	s3 =	rddreg [dreg:$0x2];
	[bflag:$0x3] =	sbarrier.arrive $0xFFFF;
	s2 =	simm.s32 @!p0 $0x1C02  }
0x70: {  	[timem:s3], [sflag:s2] =	dma.local @!p0 [hbm:s0], s1  }
0x71: {  	s0 =	simm.s32 @!p0 $0x2  }
0x72: {  	_ =	swait.ge @!p0 [sflag:s0], s1  }
0x73: {  	s1 =	ssub.s32 @!p0 $0x0, s1;
	[sflag:s0] =	ssyncset.done @!p0 $0x0  }
0x74: {  	[sflag:s0] =	ssyncadd.s32 @!p0 s1  }
0x75: {  	[bflag:$0x3] =	sbarrier.arrive $0xFFFF  }
0x76: {  	_ =	shalt  }

// kernel: kernel.8.cloned.1.call-start
scs
__scs_entry_jumppad:
0x0: {  	(pc) =	sbr.rel $0x88, $3  }
0x1: {  	(tag) =	ssettag $0x0;
	lr =	simm.s32 $0x1  }
0x2: {  	[smem:$0x3F9B] =	sst lr;
	_ =	strace $0xD0000000  }
0x3: {  	_ = 	snop  }
0x4: {  	_ = 	snop  }
0x5: {  	_ = 	snop  }
0x6: {  	_ = 	snop  }
0x7: {  	_ = 	snop  }
__scs_overlays_trampoline_lowered:
0x8: {  	[smem:$0x3FAA] =	sst s0  }
0x9: {  	[smem:$0x3FAB] =	sst s1  }
0xa: {  	[smem:$0x3FAC] =	sst s2  }
0xb: {  	[smem:$0x3FAD] =	sst s3  }
0xc: {  	[smem:$0x3FAE] =	sst s4  }
0xd: {  	[smem:$0x3FAF] =	sst s5  }
0xe: {  	[smem:$0x3FB0] =	sst s6  }
0xf: {  	[smem:$0x3FB1] =	sst s7  }
0x10: {  	[smem:$0x3FB2] =	sst s8  }
0x11: {  	[smem:$0x3FB3] =	sst s9;
	s0 =	simm.s32 @!p0 $0x0  }
0x12: {  	s1 =	sld [smem:$0x3F99];
	s0 =	simm.s32 @p0 $0x1  }
0x13: {  	[smem:$0x3FB4] =	sst s0;
	s0 =	simm.s32 @!p1 $0x0  }
0x14: {  	s2 =	sld [smem:$0x3F98];
	s0 =	simm.s32 @p1 $0x1  }
0x15: {  	[smem:$0x3FB5] =	sst s0;
	s0 =	simm.s32 @!p2 $0x0  }
0x16: {  	s3 =	sld [smem:$0x3FDB];
	s0 =	simm.s32 @p2 $0x1  }
0x17: {  	s4 =	simm.s32 $0x1BF5;
	[smem:$0x3FB7] =	sst s0  }
0x18: {  	s0 =	sld [smem:$0x3F9A];
	_ =	swait.ge [sflag:s4], $0x0  }
0x19: {  	s7 =	sld [smem:$0x3F9B]  }
0x1a: {  	s8 =	sadd.s32 $0xFFFFE003, lr  }
0x1b: {  	s9 =	sadd.s32 $0xFFFFFEF7, lr;
	s5 =	simm.s32 $0xFFFFFFFF;
	p2 =	slt.u32 s8, $0xFFFFF086  }
0x1c: {  	p1 =	slt.u32 s9, $0xF7A;
	s5 =	simm.s32 @!p2 $0x0  }
0x1d: {  	s5 =	simm.s32 @p1 $0x1;
	p0 =	seq.s32 s7, s2  }
0x1e: {  	s7 =	smul.u32 @!p0 $0xF7A, s2;
	p2 =	seq.s32 @!p0 s5, $0x0  }
0x1f: {  	s9 =	smul.u32 $0xF7A, s1;
	s8 =	simm.s32 @!p0 $0x1BF5;
	p2 =	por !p2, p0  }
0x20: {  	[sflag:s8] =	ssyncset.s32 @!p0 $0xFFFFF086;
	s6 =	sadd.s32 @!p0 s3, s7;
	s7 =	simm.s32 @!p0 $0x108  }
0x21: {  	s3 =	sadd.s32 s3, s9;
	s6 =	sadd.s32 @!p0 $0x88, s6;
	s7 =	simm.s32 @p2 $0x1082  }
0x22: {  	[simem:s7], [sflag:s8] =	dma.local @!p0 [hbm:s6], $0xF7A  }
0x23: {  	s9 =	sor.u32 $0xD0000000, s2;
	s6 =	simm.s32 $0x108;
	_ =	swait.ge @!p0 [sflag:s8], $0x0  }
0x24: {  	s3 =	sadd.s32 $0x88, s3;
	s6 =	simm.s32 @!p1 $0x1082;
	[sflag:s4] =	ssyncset.s32 $0xFFFFF086  }
0x25: {  	[simem:s6], [sflag:s4] =	dma.local [hbm:s3], $0xF7A  }
0x26: {  	[smem:$0x3F9B] =	sst s1;
	(tag) =	ssettag s2;
	_ =	strace s9  }
0x27: {  	s1 =	sld [smem:$0x3FAB]  }
0x28: {  	s2 =	sld [smem:$0x3FAC]  }
0x29: {  	s4 =	sld [smem:$0x3FAE]  }
0x2a: {  	p0 =	seq.s32 s5, $0x0;
	s5 =	sld [smem:$0x3FAF]  }
0x2b: {  	s6 =	sld [smem:$0x3FB0]  }
0x2c: {  	s7 =	sld [smem:$0x3FB1]  }
0x2d: {  	s3 =	simm.s32 $0x108;
	s8 =	sld [smem:$0x3FB2]  }
0x2e: {  	s3 =	simm.s32 @!p0 $0x1082;
	s9 =	sld [smem:$0x3FB3]  }
0x2f: {  	lr =	sadd.s32 s0, s3;
	s0 =	sld [smem:$0x3FAA]  }
0x30: {  	s3 =	sld [smem:$0x3FAD]  }
0x31: {  	[smem:$0x3FB6] =	sst s10  }
0x32: {  	s10 =	sld [smem:$0x3FB4];
	_ =	sdelay $0x3  }
0x33: {  	p0 =	seq.s32 s10, $0x1;
	s10 =	sld [smem:$0x3FB6];
	_ =	sdelay $0x3  }
0x34: {  	[smem:$0x3FB6] =	sst s10  }
0x35: {  	s10 =	sld [smem:$0x3FB5];
	_ =	sdelay $0x3  }
0x36: {  	p1 =	seq.s32 s10, $0x1;
	s10 =	sld [smem:$0x3FB6];
	_ =	sdelay $0x3  }
0x37: {  	[smem:$0x3FB6] =	sst s10  }
0x38: {  	s10 =	sld [smem:$0x3FB7]  }
0x39: {  	_ = 	snop;
	(pc) =	sbr.ind lr, $3  }
0x3a: {  	_ = 	snop  }
0x3b: {  	_ = 	snop  }
0x3c: {  	p2 =	seq.s32 s10, $0x1;
	s10 =	sld [smem:$0x3FB6]  }
0x3d: {  	_ =	shalt  }
0x3e: {  	_ =	shalt  }
0x3f: {  	_ =	shalt  }
0x40: {  	_ =	shalt  }
0x41: {  	_ =	shalt  }
0x42: {  	_ =	shalt  }
0x43: {  	_ =	shalt  }
0x44: {  	_ =	shalt  }
0x45: {  	_ =	shalt  }
0x46: {  	_ =	shalt  }
0x47: {  	_ =	shalt  }
0x48: {  	_ =	shalt  }
0x49: {  	_ =	shalt  }
0x4a: {  	_ =	shalt  }
0x4b: {  	_ =	shalt  }
0x4c: {  	_ =	shalt  }
0x4d: {  	_ =	shalt  }
0x4e: {  	_ =	shalt  }
0x4f: {  	_ =	shalt  }
0x50: {  	_ =	shalt  }
0x51: {  	_ =	shalt  }
0x52: {  	_ =	shalt  }
0x53: {  	_ =	shalt  }
0x54: {  	_ =	shalt  }
0x55: {  	_ =	shalt  }
0x56: {  	_ =	shalt  }
0x57: {  	_ =	shalt  }
0x58: {  	_ =	shalt  }
0x59: {  	_ =	shalt  }
0x5a: {  	_ =	shalt  }
0x5b: {  	_ =	shalt  }
0x5c: {  	_ =	shalt  }
0x5d: {  	_ =	shalt  }
0x5e: {  	_ =	shalt  }
0x5f: {  	_ =	shalt  }
0x60: {  	_ =	shalt  }
0x61: {  	_ =	shalt  }
0x62: {  	_ =	shalt  }
0x63: {  	_ =	shalt  }
0x64: {  	_ =	shalt  }
0x65: {  	_ =	shalt  }
0x66: {  	_ =	shalt  }
0x67: {  	_ =	shalt  }
0x68: {  	_ =	shalt  }
0x69: {  	_ =	shalt  }
0x6a: {  	_ =	shalt  }
0x6b: {  	_ =	shalt  }
0x6c: {  	_ =	shalt  }
0x6d: {  	_ =	shalt  }
0x6e: {  	_ =	shalt  }
0x6f: {  	_ =	shalt  }
0x70: {  	_ =	shalt  }
0x71: {  	_ =	shalt  }
0x72: {  	_ =	shalt  }
0x73: {  	_ =	shalt  }
0x74: {  	_ =	shalt  }
0x75: {  	_ =	shalt  }
0x76: {  	_ =	shalt  }
0x77: {  	_ =	shalt  }
0x78: {  	_ =	shalt  }
0x79: {  	_ =	shalt  }
0x7a: {  	_ =	shalt  }
0x7b: {  	_ =	shalt  }
0x7c: {  	_ =	shalt  }
0x7d: {  	_ =	shalt  }
0x7e: {  	_ =	shalt  }
0x7f: {  	_ =	shalt  }
0x80: {  	_ =	shalt  }
0x81: {  	_ =	shalt  }
0x82: {  	_ =	shalt  }
0x83: {  	_ =	shalt  }
0x84: {  	_ =	shalt  }
0x85: {  	_ =	shalt  }
0x86: {  	_ =	shalt  }
0x87: {  	_ =	shalt  }
.Lfunc_end0:
.L_simem_size_0:
called_computation_lowered:
.L_overlay_start_0:
0x88: {  	s2 =	sld [smem:$0x3FD9]  }
0x89: {  	s3 =	sld [smem:$0x3FFE];
	_ =	sdelay $0x1  }
0x8a: {  	s1 =	srdreg.scid  }
0x8b: {  	s0 =	sand.u32 $0x1, s1  }
0x8c: {  	s16 =	sshll.u32 s0, $0xA;
	s2 =	sadd.s32 s3, s2  }
0x8d: {  	s2 =	sadd.s32 s2, s16  }
0x8e: {  	[smem:$0x3FC2] =	sst s2  }
0x8f: {  	_ = 	snop  }
0x90: {  	(tm) =	ssettm $0x1  }
0x91: {  	s17 =	sld [smem:$0x3FFB];
	_ =	sdelay $0x3  }
0x92: {  	_ =	strace s17  }
0x93: {  	s2 =	sld [smem:$0x3FFC];
	_ =	sdelay $0x3  }
0x94: {  	_ =	strace s2  }
0x95: {  	s2 =	sld [smem:$0x3FFD];
	_ =	sdelay $0x3  }
0x96: {  	_ =	strace s2  }
0x97: {  	_ =	strace $0x8FFFFFFF  }
0x98: {  	s18 =	sld [smem:$0x3FDB];
	_ =	sdelay $0x1  }
0x99: {  	s19 =	simm.s32 $_scs_section_size  }
0x9a: {  	s4 =	simm.s32 $_size__tile_overlayer_lowered;
	s5 =	simm.s32 $_tile_overlayer_lowered  }
0x9b: {  	s22 =	simm.s32 $0x1BFF;
	s21 =	sshll.u32 s5, $0x1;
	s2 =	sadd.s32 s19, s18  }
0x9c: {  	s6 =	simm.s32 $0x0;
	s20 =	sshll.u32 s4, $0x1;
	s4 =	sadd.s32 s21, s2  }
0x9d: {  	[timem:s6], [sflag:s22] =	dma.local [hbm:s4], s20  }
0x9e: {  	_ =	swait.ge [sflag:s22], s20  }
0x9f: {  	s3 =	ssub.s32 $0x0, s20;
	[sflag:s22] =	ssyncset.done $0x0  }
0xa0: {  	[sflag:s22] =	ssyncadd.s32 s3;
	_ =	sdelay $0x1  }
0xa1: {  	s23 =	simm.s32 $0x1B8B  }
0xa2: {  	_ =	swait.ge [sflag:s23], $0x1  }
0xa3: {  	[sflag:s23] =	ssyncset.done $0x0  }
0xa4: {  	s25 =	simm.s32 $0x1B8E;
	s24 =	sld [smem:$0x3FFE];
	[sflag:s23] =	ssyncadd.s32 $0xFFFFFFFF  }
0xa5: {  	s26 =	simm.s32 $execute0_lowered;
	[smem:$0x3FD2] =	sst s25  }
0xa6: {  	s4 =	sshll.u32 s26, $0x1;
	_ =	strace $0x80000046;
	[dreg:$0x1] =	wrdreg $0xFFFFFFFF  }
0xa7: {  	s28 =	simm.s32 $_size_execute0_lowered;
	s2 =	sadd.s32 s2, s4;
	[dreg:$0x0] =	wrdreg $0x0  }
0xa8: {  	s4 =	sshll.u32 s28, $0x1;
	[dreg:$0x2] =	wrdreg s2  }
0xa9: {  	[dreg:$0x3] =	wrdreg s4  }
0xaa: {  	[dreg:$0x4] =	wrdreg $0xC0  }
0xab: {  	_ =	task [dreg:s6], $0x5FFFF  }
0xac: {  	[dreg:$0x1] =	wrdreg $0xFFFFFFFF  }
0xad: {  	[dreg:$0x0] =	wrdreg $0x60  }
0xae: {  	[dreg:$0x2] =	wrdreg s24  }
0xaf: {  	[dreg:$0x3] =	wrdreg $0x17000  }
0xb0: {  	[dreg:$0x4] =	wrdreg $0x9  }
0xb1: {  	_ =	task.clear_ibuf [dreg:s6], $0x5FFFF;
	_ =	strace $0x90000046  }
0xb2: {  	s29 =	simm.s32 $0x9;
	_ =	strace $0x80000048  }
0xb3: {  	_ =	swait.ge [sflag:s29], $0x1  }
0xb4: {  	[sflag:s29] =	ssyncadd.s32 $0xFFFFFFFF  }
0xb5: {  	_ =	strace $0x90000048  }
0xb6: {  	_ =	sfence  }
0xb7: {  	s30 =	sld [smem:$0x0];
	_ =	sdelay $0x2  }
0xb8: {  	s31 =	sshll.u32 s1, $0xD;
	s1 =	sshrl.u32 s1, $0x2  }
0xb9: {  	s3 =	sand.u32 $0x4000, s31;
	s1 =	sadd.s32 s1, s30  }
0xba: {  	s0 =	sor.u32 s3, s0;
	s1 =	sshll.u32 s1, $0x11  }
0xbb: {  	s0 =	sor.u32 s1, s0  }
0xbc: {  	s0 =	sadd.s32 $0x8F2B, s0  }
0xbd: {  	[sflag:s0] =	ssyncadd.remote.s32 $0x1  }
0xbe: {  	_ =	sfence.sel $0xFFFF  }
0xbf: {  	[dreg:$0x0] =	wrdreg $0xFFFFFFFF;
	(pc) =	sbr.abs _section_cstart, $3  }
0xc0: {  	[dreg:$0x1] =	wrdreg $0xFFFFFFFF  }
0xc1: {  	_ =	task.clear_ibuf [dreg:s6], $0x2FFFF;
	_ =	strace $0x9FFFFFFF  }
0xc2: {  	(tm) =	ssettm $0x7FFFFFFF  }
0xc3: {  	_ =	shalt  }
tec
execute0_lowered:
.L_overlay_start_1:
0x0: {  	(tag) =	ssettag $0x1  }
0x1: {  	s0 =	rddreg [dreg:$0x0]  }
0x2: {  	s2 =	rddreg [dreg:$0x1];
	s1 =	srdreg.scid  }
0x3: {  	s7 =	stileid.u32;
	s3 =	simm.s32 $0x0;
	s8 =	simm.s32 $0x1480  }
0x4: {  	s9 =	simm.s32 $0x2;
	s10 =	simm.s32 $0x80;
	s11 =	simm.s32 $0x1400  }
0x5: {  	s12 =	simm.s32 $0xB80;
	s13 =	simm.s32 $0xC00;
	s14 =	simm.s32 $0xC80  }
0x6: {  	s15 =	simm.s32 $0xD00;
	s16 =	simm.s32 $0xD80;
	s17 =	simm.s32 $0xE00  }
0x7: {  	s18 =	simm.s32 $0xE80;
	s19 =	simm.s32 $0xF00;
	s20 =	simm.s32 $0xF80  }
0x8: {  	s21 =	simm.s32 $0x1000;
	s22 =	simm.s32 $0x1080;
	s23 =	simm.s32 $0x1100  }
0x9: {  	s24 =	simm.s32 $0x1180;
	s25 =	simm.s32 $0x1200;
	s28 =	simm.s32 $0x1300  }
0xa: {  	s29 =	simm.s32 $0x1380;
	s30 =	simm.s32 $0x1;
	s31 =	simm.s32 $0x0  }
0xb: {  	s1 =	sand.u32 $0x1, s1;
	s4 =	smul.u32 $0x280, s7;
	[smem:$0x7FF] =	sst s3  }
0xc: {  	s5 =	sshll.u32 s1, $0x4;
	s6 =	smul.u32 $0x2800, s1;
	s1 =	ssub.s32 $0x2, s1  }
0xd: {  	_ =	strace $0x80000047;
	s5 =	sor.u32 s7, s5;
	s26 =	sshrl.u32 s1, $0x1  }
0xe: {  	s5 =	smul.u32 $0x280, s5;
	s6 =	sadd.s32 s4, s6;
	s1 =	ssub.s32 s1, s26  }
0xf: {  	s4 =	sadd.s32 s4, s2;
	s26 =	simm.s32 $0x1280;
	s6 =	sshrl.u32 s6, $0x3  }
0x10: {  	s7 =	smax.u32 s1, $0x1;
	s5 =	sadd.s32 s5, s0;
	s0 =	sadd.s32 s6, s0  }
0x11: {  	v0 =	vimm.f32 $1.000000000e+00;
	v1 =	vimm.f32 $0.0e+00;
	s1 =	simm.s32 $0xB00;
	s5 =	sadd.s32 $0xA800, s5;
	s6 =	sadd.s32 $0x14800, s0  }
.LBB2_1:
0x12: {  	[tilespmem:$0x1400] =	vst v0  }
0x13: {  	[tilespmem:$0x1410] =	vst v0  }
0x14: {  	[tilespmem:$0x1420] =	vst v0  }
0x15: {  	[tilespmem:$0x1430] =	vst v0  }
0x16: {  	[tilespmem:$0x1440] =	vst v0  }
0x17: {  	[tilespmem:$0x1450] =	vst v0  }
0x18: {  	[tilespmem:$0x1460] =	vst v0  }
0x19: {  	[tilespmem:$0x1470] =	vst v0  }
0x1a: {  	[tilespmem:$0x1480] =	vst v1  }
0x1b: {  	[tilespmem:$0x1490] =	vst v1  }
0x1c: {  	[tilespmem:$0x14A0] =	vst v1  }
0x1d: {  	[tilespmem:$0x14B0] =	vst v1  }
0x1e: {  	[tilespmem:$0x14C0] =	vst v1  }
0x1f: {  	[tilespmem:$0x14D0] =	vst v1  }
0x20: {  	[tilespmem:$0x14E0] =	vst v1  }
0x21: {  	[tilespmem:$0x14F0] =	vst v1  }
0x22: {  	[tilespmem:$0x1500] =	vst v1  }
0x23: {  	[tilespmem:$0x1510] =	vst v1  }
0x24: {  	[tilespmem:$0x1520] =	vst v1  }
0x25: {  	[tilespmem:$0x1530] =	vst v1  }
0x26: {  	[tilespmem:$0x1540] =	vst v1  }
0x27: {  	[tilespmem:$0x1550] =	vst v1  }
0x28: {  	[tilespmem:$0x1560] =	vst v1  }
0x29: {  	[tilespmem:$0x1570] =	vst v1  }
0x2a: {  	[tilespmem:$0x1580] =	vst v1  }
0x2b: {  	[tilespmem:$0x1590] =	vst v1  }
0x2c: {  	[tilespmem:$0x15A0] =	vst v1  }
0x2d: {  	[tilespmem:$0x15B0] =	vst v1  }
0x2e: {  	[tilespmem:$0x15C0] =	vst v1  }
0x2f: {  	[tilespmem:$0x15D0] =	vst v1  }
0x30: {  	[tilespmem:$0x15E0] =	vst v1  }
0x31: {  	[tilespmem:$0x15F0] =	vst v1  }
0x32: {  	[tilespmem:$0x1600] =	vst v1  }
0x33: {  	[tilespmem:$0x1610] =	vst v1  }
0x34: {  	[tilespmem:$0x1620] =	vst v1  }
0x35: {  	[tilespmem:$0x1630] =	vst v1  }
0x36: {  	[tilespmem:$0x1640] =	vst v1  }
0x37: {  	[tilespmem:$0x1650] =	vst v1  }
0x38: {  	[tilespmem:$0x1660] =	vst v1  }
0x39: {  	[tilespmem:$0x1670] =	vst v1  }
0x3a: {  	[tilespmem:$0x1680] =	vst v1  }
0x3b: {  	[tilespmem:$0x1690] =	vst v1  }
0x3c: {  	[tilespmem:$0x16A0] =	vst v1  }
0x3d: {  	[tilespmem:$0x16B0] =	vst v1  }
0x3e: {  	[tilespmem:$0x16C0] =	vst v1  }
0x3f: {  	[tilespmem:$0x16D0] =	vst v1  }
0x40: {  	[tilespmem:$0x16E0] =	vst v1  }
0x41: {  	[tilespmem:$0x16F0] =	vst v1  }
0x42: {  	[spmem:s4] =	stream.linear.scatter [tilespmem:s8], [sflag:$0x2], $0x280, $0x38;
	[tilespmem:$0x1980] =	vst v63  }
0x43: {  	_ =	swait.ge [sflag:s9], $0x280  }
0x44: {  	[sflag:s9] =	ssyncset.done $0x0  }
0x45: {  	[sflag:s9] =	ssyncadd.s32 $0xFFFFFD80  }
0x46: {  	[tilespmem:s3], [sflag:$0x2] =	stream.linear.gather [hbm4b:s5+s3], $0x1400, $0x38;
	[tilespmem:$0x1980] =	vst v63  }
0x47: {  	_ =	swait.ge [sflag:s9], $0x1400  }
0x48: {  	[sflag:s9] =	ssyncset.done $0x0  }
0x49: {  	[sflag:s9] =	ssyncadd.s32 $0xFFFFEC00  }
0x4a: {  	[bflag:$0x0] =	sbarrier.arrive $0xFFFF  }
0x4b: {  	[spmem:s2] =	stream.indirect.scatter.add.f32 [tilespmem:s11], [sflag:$0x1], $0x1, s3, s10, $0xb8;
	[tilespmem:$0x1980] =	vst v63  }
0x4c: {  	_ = 	snop  }
0x4d: {  	[spmem:s2] =	stream.indirect.scatter.add.f32 [tilespmem:s11], [sflag:$0x1], $0x1, s10, s10, $0xb8;
	[tilespmem:$0x1980] =	vst v63  }
0x4e: {  	s0 =	simm.s32 $0x100  }
0x4f: {  	[spmem:s2] =	stream.indirect.scatter.add.f32 [tilespmem:s11], [sflag:$0x1], $0x1, s0, s10, $0xb8;
	[tilespmem:$0x1980] =	vst v63  }
0x50: {  	s0 =	simm.s32 $0x180  }
0x51: {  	[spmem:s2] =	stream.indirect.scatter.add.f32 [tilespmem:s11], [sflag:$0x1], $0x1, s0, s10, $0xb8;
	[tilespmem:$0x1980] =	vst v63  }
0x52: {  	s0 =	simm.s32 $0x200  }
0x53: {  	[spmem:s2] =	stream.indirect.scatter.add.f32 [tilespmem:s11], [sflag:$0x1], $0x1, s0, s10, $0xb8;
	[tilespmem:$0x1980] =	vst v63  }
0x54: {  	s0 =	simm.s32 $0x280  }
0x55: {  	[spmem:s2] =	stream.indirect.scatter.add.f32 [tilespmem:s11], [sflag:$0x1], $0x1, s0, s10, $0xb8;
	[tilespmem:$0x1980] =	vst v63  }
0x56: {  	s0 =	simm.s32 $0x300  }
0x57: {  	[spmem:s2] =	stream.indirect.scatter.add.f32 [tilespmem:s11], [sflag:$0x1], $0x1, s0, s10, $0xb8;
	[tilespmem:$0x1980] =	vst v63  }
0x58: {  	s0 =	simm.s32 $0x380  }
0x59: {  	[spmem:s2] =	stream.indirect.scatter.add.f32 [tilespmem:s11], [sflag:$0x1], $0x1, s0, s10, $0xb8;
	[tilespmem:$0x1980] =	vst v63  }
0x5a: {  	s0 =	simm.s32 $0x400  }
0x5b: {  	[spmem:s2] =	stream.indirect.scatter.add.f32 [tilespmem:s11], [sflag:$0x1], $0x1, s0, s10, $0xb8;
	[tilespmem:$0x1980] =	vst v63  }
0x5c: {  	s0 =	simm.s32 $0x480  }
0x5d: {  	[spmem:s2] =	stream.indirect.scatter.add.f32 [tilespmem:s11], [sflag:$0x1], $0x1, s0, s10, $0xb8;
	[tilespmem:$0x1980] =	vst v63  }
0x5e: {  	s0 =	simm.s32 $0x500  }
0x5f: {  	[spmem:s2] =	stream.indirect.scatter.add.f32 [tilespmem:s11], [sflag:$0x1], $0x1, s0, s10, $0xb8;
	[tilespmem:$0x1980] =	vst v63  }
0x60: {  	s0 =	simm.s32 $0x580  }
0x61: {  	[spmem:s2] =	stream.indirect.scatter.add.f32 [tilespmem:s11], [sflag:$0x1], $0x1, s0, s10, $0xb8;
	[tilespmem:$0x1980] =	vst v63  }
0x62: {  	s0 =	simm.s32 $0x600  }
0x63: {  	[spmem:s2] =	stream.indirect.scatter.add.f32 [tilespmem:s11], [sflag:$0x1], $0x1, s0, s10, $0xb8;
	[tilespmem:$0x1980] =	vst v63  }
0x64: {  	s0 =	simm.s32 $0x680  }
0x65: {  	[spmem:s2] =	stream.indirect.scatter.add.f32 [tilespmem:s11], [sflag:$0x1], $0x1, s0, s10, $0xb8;
	[tilespmem:$0x1980] =	vst v63  }
0x66: {  	s0 =	simm.s32 $0x700  }
0x67: {  	[spmem:s2] =	stream.indirect.scatter.add.f32 [tilespmem:s11], [sflag:$0x1], $0x1, s0, s10, $0xb8;
	[tilespmem:$0x1980] =	vst v63  }
0x68: {  	s0 =	simm.s32 $0x780  }
0x69: {  	[spmem:s2] =	stream.indirect.scatter.add.f32 [tilespmem:s11], [sflag:$0x1], $0x1, s0, s10, $0xb8;
	[tilespmem:$0x1980] =	vst v63  }
0x6a: {  	s0 =	simm.s32 $0x800  }
0x6b: {  	[spmem:s2] =	stream.indirect.scatter.add.f32 [tilespmem:s11], [sflag:$0x1], $0x1, s0, s10, $0xb8;
	[tilespmem:$0x1980] =	vst v63  }
0x6c: {  	s0 =	simm.s32 $0x880  }
0x6d: {  	[spmem:s2] =	stream.indirect.scatter.add.f32 [tilespmem:s11], [sflag:$0x1], $0x1, s0, s10, $0xb8;
	[tilespmem:$0x1980] =	vst v63  }
0x6e: {  	s0 =	simm.s32 $0x900  }
0x6f: {  	[spmem:s2] =	stream.indirect.scatter.add.f32 [tilespmem:s11], [sflag:$0x1], $0x1, s0, s10, $0xb8;
	[tilespmem:$0x1980] =	vst v63  }
0x70: {  	s0 =	simm.s32 $0x980  }
0x71: {  	[spmem:s2] =	stream.indirect.scatter.add.f32 [tilespmem:s11], [sflag:$0x1], $0x1, s0, s10, $0xb8;
	[tilespmem:$0x1980] =	vst v63  }
0x72: {  	s0 =	simm.s32 $0xA00  }
0x73: {  	[spmem:s2] =	stream.indirect.scatter.add.f32 [tilespmem:s11], [sflag:$0x1], $0x1, s0, s10, $0xb8;
	[tilespmem:$0x1980] =	vst v63  }
0x74: {  	s0 =	simm.s32 $0xA80  }
0x75: {  	[spmem:s2] =	stream.indirect.scatter.add.f32 [tilespmem:s11], [sflag:$0x1], $0x1, s0, s10, $0xb8;
	[tilespmem:$0x1980] =	vst v63  }
0x76: {  	_ = 	snop  }
0x77: {  	[spmem:s2] =	stream.indirect.scatter.add.f32 [tilespmem:s11], [sflag:$0x1], $0x1, s1, s10, $0xb8;
	[tilespmem:$0x1980] =	vst v63  }
0x78: {  	_ = 	snop  }
0x79: {  	[spmem:s2] =	stream.indirect.scatter.add.f32 [tilespmem:s11], [sflag:$0x1], $0x1, s12, s10, $0xb8;
	[tilespmem:$0x1980] =	vst v63  }
0x7a: {  	_ = 	snop  }
0x7b: {  	[spmem:s2] =	stream.indirect.scatter.add.f32 [tilespmem:s11], [sflag:$0x1], $0x1, s13, s10, $0xb8;
	[tilespmem:$0x1980] =	vst v63  }
0x7c: {  	_ = 	snop  }
0x7d: {  	[spmem:s2] =	stream.indirect.scatter.add.f32 [tilespmem:s11], [sflag:$0x1], $0x1, s14, s10, $0xb8;
	[tilespmem:$0x1980] =	vst v63  }
0x7e: {  	_ = 	snop  }
0x7f: {  	[spmem:s2] =	stream.indirect.scatter.add.f32 [tilespmem:s11], [sflag:$0x1], $0x1, s15, s10, $0xb8;
	[tilespmem:$0x1980] =	vst v63  }
0x80: {  	_ = 	snop  }
0x81: {  	[spmem:s2] =	stream.indirect.scatter.add.f32 [tilespmem:s11], [sflag:$0x1], $0x1, s16, s10, $0xb8;
	[tilespmem:$0x1980] =	vst v63  }
0x82: {  	_ = 	snop  }
0x83: {  	[spmem:s2] =	stream.indirect.scatter.add.f32 [tilespmem:s11], [sflag:$0x1], $0x1, s17, s10, $0xb8;
	[tilespmem:$0x1980] =	vst v63  }
0x84: {  	_ = 	snop  }
0x85: {  	[spmem:s2] =	stream.indirect.scatter.add.f32 [tilespmem:s11], [sflag:$0x1], $0x1, s18, s10, $0xb8;
	[tilespmem:$0x1980] =	vst v63  }
0x86: {  	_ = 	snop  }
0x87: {  	[spmem:s2] =	stream.indirect.scatter.add.f32 [tilespmem:s11], [sflag:$0x1], $0x1, s19, s10, $0xb8;
	[tilespmem:$0x1980] =	vst v63  }
0x88: {  	_ = 	snop  }
0x89: {  	[spmem:s2] =	stream.indirect.scatter.add.f32 [tilespmem:s11], [sflag:$0x1], $0x1, s20, s10, $0xb8;
	[tilespmem:$0x1980] =	vst v63  }
0x8a: {  	_ = 	snop  }
0x8b: {  	[spmem:s2] =	stream.indirect.scatter.add.f32 [tilespmem:s11], [sflag:$0x1], $0x1, s21, s10, $0xb8;
	[tilespmem:$0x1980] =	vst v63  }
0x8c: {  	_ = 	snop  }
0x8d: {  	[spmem:s2] =	stream.indirect.scatter.add.f32 [tilespmem:s11], [sflag:$0x1], $0x1, s22, s10, $0xb8;
	[tilespmem:$0x1980] =	vst v63  }
0x8e: {  	_ = 	snop  }
0x8f: {  	[spmem:s2] =	stream.indirect.scatter.add.f32 [tilespmem:s11], [sflag:$0x1], $0x1, s23, s10, $0xb8;
	[tilespmem:$0x1980] =	vst v63  }
0x90: {  	_ = 	snop  }
0x91: {  	[spmem:s2] =	stream.indirect.scatter.add.f32 [tilespmem:s11], [sflag:$0x1], $0x1, s24, s10, $0xb8;
	[tilespmem:$0x1980] =	vst v63  }
0x92: {  	_ = 	snop  }
0x93: {  	[spmem:s2] =	stream.indirect.scatter.add.f32 [tilespmem:s11], [sflag:$0x1], $0x1, s25, s10, $0xb8;
	[tilespmem:$0x1980] =	vst v63  }
0x94: {  	_ = 	snop  }
0x95: {  	[spmem:s2] =	stream.indirect.scatter.add.f32 [tilespmem:s11], [sflag:$0x1], $0x1, s26, s10, $0xb8;
	[tilespmem:$0x1980] =	vst v63  }
0x96: {  	_ = 	snop  }
0x97: {  	[spmem:s2] =	stream.indirect.scatter.add.f32 [tilespmem:s11], [sflag:$0x1], $0x1, s28, s10, $0xb8;
	[tilespmem:$0x1980] =	vst v63  }
0x98: {  	_ = 	snop  }
0x99: {  	[spmem:s2] =	stream.indirect.scatter.add.f32 [tilespmem:s11], [sflag:$0x1], $0x1, s29, s10, $0xb8;
	[tilespmem:$0x1980] =	vst v63  }
0x9a: {  	_ =	swait.ge [sflag:s30], $0x80  }
0x9b: {  	s0 =	simm.s32 $0x27;
	[sflag:s30] =	ssyncset.done $0x0  }
.LBB2_2:
0x9c: {  	p0 =	sne.s32 s0, $0x1;
	s0 =	sadd.s32 $0xFFFFFFFF, s0;
	[sflag:s30] =	ssyncadd.s32 $0xFFFFFF80  }
.Ltmp0:
0x9d: {  	(pc) =	sbr.rel @p0 .LBB2_2-.Ltmp0, $3  }
0x9e: {  	_ =	sdelay $0x1  }
0x9f: {  	_ =	swait.ge [sflag:s30], $0x80  }
0xa0: {  	[sflag:s30] =	ssyncset.done $0x0  }
0xa1: {  	[sflag:s30] =	ssyncadd.s32 $0xFFFFFF80  }
0xa2: {  	[bflag:$0x0] =	sbarrier.arrive $0xFFFF  }
0xa3: {  	[tilespmem:s8], [sflag:$0x2] =	stream.linear.gather [spmem:s4], $0x280, $0x38;
	[tilespmem:$0x1980] =	vst v63  }
0xa4: {  	s31 =	sadd.s32 $0x1, s31;
	_ =	swait.ge [sflag:s9], $0x280  }
0xa5: {  	p0 =	sne.s32 s31, s7;
	[sflag:s9] =	ssyncset.done $0x0  }
.Ltmp1:
0xa6: {  	[sflag:s9] =	ssyncadd.s32 $0xFFFFFD80;
	(pc) =	sbr.rel @p0 .LBB2_1-.Ltmp1, $4  }
0xa7: {  	[hbm4b:s6+s3] =	stream.linear.scatter [tilespmem:s8], [sflag:$0x2], $0x280, $0x38;
	[tilespmem:$0x1980] =	vst v63  }
0xa8: {  	_ =	swait.ge [sflag:s9], $0x280  }
0xa9: {  	[sflag:s9] =	ssyncset.done $0x0  }
0xaa: {  	[sflag:s9] =	ssyncadd.s32 $0xFFFFFD80  }
0xab: {  	_ =	sfence.sel $0x180000  }
0xac: {  	[bflag:$0x0] =	sbarrier.arrive $0xFFFF  }
0xad: {  	_ =	strace $0x90000047  }
0xae: {  	s0 =	stileid.u32;
	[bflag:$0x2] =	sbarrier.arrive $0xFFFF  }
0xaf: {  	p0 =	sne.s32 s0, $0x0;
	s0 =	rddreg [dreg:$0x2]  }
0xb0: {  	s0 =	sadd.s32 @!p0 $0x100000, s0  }
0xb1: {  	[sflag:s0] =	ssyncadd.tile.s32 @!p0 $0x1;
	_ =	shalt  }
.Lfunc_end2:
_tile_overlayer_lowered:
.L_overlay_start_2:
0xb2: {  	(tag) =	ssettag $0x2  }
0xb3: {  	s0 =	rddreg [dreg:$0x0];
	s2 =	stileid.u32  }
0xb4: {  	s1 =	rddreg [dreg:$0x1];
	p0 =	sne.s32 s2, $0x0  }
0xb5: {  	s3 =	rddreg [dreg:$0x2];
	[bflag:$0x3] =	sbarrier.arrive $0xFFFF;
	s2 =	simm.s32 @!p0 $0x1C02  }
0xb6: {  	[timem:s3], [sflag:s2] =	dma.local @!p0 [hbm:s0], s1  }
0xb7: {  	s0 =	simm.s32 @!p0 $0x2  }
0xb8: {  	_ =	swait.ge @!p0 [sflag:s0], s1  }
0xb9: {  	s1 =	ssub.s32 @!p0 $0x0, s1;
	[sflag:s0] =	ssyncset.done @!p0 $0x0  }
0xba: {  	[sflag:s0] =	ssyncadd.s32 @!p0 s1  }
0xbb: {  	[bflag:$0x3] =	sbarrier.arrive $0xFFFF  }
0xbc: {  	_ =	shalt  }

</sc_bundles>
